<compile_context>
chip_gen: v7x
topology: tpu7x:2x2x1
jax: 0.10.2.dev20260603
libtpu: 0.0.44.dev20260713+nightly
codegen_flags: <defaults>
</compile_context>

<pallas_src>
import functools

import jax
import jax.numpy as jnp
from jax import lax
from jax.experimental import pallas as pl
from jax.experimental.pallas import tpu as pltpu
from jax.experimental.pallas import tpu_sc as plsc

NC = 2
NS = 16
L = 16
NW = NC * NS


def _sc_kernel(R, C, CH):
    RPW = R // NW
    NCH = RPW // CH
    mesh = plsc.VectorSubcoreMesh(core_axis_name="c", subcore_axis_name="s")

    @functools.partial(
        pl.kernel,
        mesh=mesh,
        compiler_params=pltpu.CompilerParams(needs_layout_passes=False),
        out_type=[
            jax.ShapeDtypeStruct((R,), jnp.int32),
            jax.ShapeDtypeStruct((R * 4,), jnp.float32),
            jax.ShapeDtypeStruct((NW * L,), jnp.int32),
        ],
        scratch_types=[
            pltpu.VMEM((CH * C,), jnp.float32),
            pltpu.VMEM((CH * 4,), jnp.float32),
            pltpu.VMEM((CH,), jnp.int32),
            pltpu.VMEM((CH * 4,), jnp.float32),
            pltpu.VMEM((L,), jnp.int32),
        ],
    )
    def kern(lg_hbm, bx_hbm, lab_hbm, bxo_hbm, cnt_hbm,
             lgb, bxb, labb, bxob, cntb):
        wid = lax.axis_index("s") * NC + lax.axis_index("c")
        base_row = wid * RPW
        lane_c = lax.iota(jnp.int32, L) * C
        lane_4 = lax.iota(jnp.int32, L) * 4
        ones = jnp.ones((L,), jnp.int32)
        zeros = jnp.zeros((L,), jnp.int32)
        neg1 = jnp.full((L,), -1, jnp.int32)

        def group_body(g, cnt):
            base = lane_c + g * (L * C)
            ms = []
            js = []
            idxs = []
            for k in range(8):
                idx = base + (32 * k)
                ms.append(plsc.load_gather(lgb, [idx]))
                js.append(zeros)
                idxs.append(idx)
            jvec = zeros
            for _ in range(31):
                jvec = jvec + 1
                for k in range(8):
                    idxs[k] = idxs[k] + 1
                    v = plsc.load_gather(lgb, [idxs[k]])
                    gt = v > ms[k]
                    ms[k] = jnp.where(gt, v, ms[k])
                    js[k] = jnp.where(gt, jvec, js[k])
            am = ms[0]
            aj = js[0]
            for k in range(1, 8):
                cj = js[k] + (32 * k)
                gt = ms[k] > am
                am = jnp.where(gt, ms[k], am)
                aj = jnp.where(gt, cj, aj)
            valid = am > 0.0
            labb[pl.ds(g * L, L)] = jnp.where(valid, aj, neg1)
            cnt = cnt + jnp.where(valid, ones, zeros)
            bbase = lane_4 + g * (L * 4)
            for k4 in range(4):
                bidx = bbase + k4
                bv = plsc.load_gather(bxb, [bidx])
                plsc.store_scatter(bxob, [bidx], jnp.where(valid, bv, 0.0))
            return cnt

        def chunk_body(ch, cnt):
            off = base_row + ch * CH
            pltpu.sync_copy(lg_hbm.at[pl.ds(off * C, CH * C)], lgb)
            pltpu.sync_copy(bx_hbm.at[pl.ds(off * 4, CH * 4)], bxb)
            cnt = lax.fori_loop(0, CH // L, group_body, cnt)
            pltpu.sync_copy(labb, lab_hbm.at[pl.ds(off, CH)])
            pltpu.sync_copy(bxob, bxo_hbm.at[pl.ds(off * 4, CH * 4)])
            return cnt

        cnt = lax.fori_loop(0, NCH, chunk_body, zeros)
        cntb[...] = cnt
        pltpu.sync_copy(cntb, cnt_hbm.at[pl.ds(wid * L, L)])

    return kern


def kernel(pred_logits, pred_boxes):
    B, Q, C = pred_logits.shape
    R = B * Q
    lgf = pred_logits.reshape(R * C)
    bxf = pred_boxes.reshape(R * 4)
    labels, boxes, cntp = _sc_kernel(R, C, 128)(lgf, bxf)
    num_boxes = jnp.maximum(jnp.sum(cntp).astype(jnp.float32), 1.0)
    return labels.reshape(B, Q), boxes.reshape(B, Q, 4), num_boxes

# --- scband reference (transcript-rebuilt; emitter-appended) ---
"""Pipeline reference for scband-cdn-pseudo-resetter-7799660610103 (READ-ONLY COPY).

The authoritative reference and input builder live on the scoring server;
editing this copy changes nothing except your own understanding.
"""

import jax, jax.numpy as jnp
import numpy as np


def setup_inputs(seed: int = 0) -> dict:
    key = jax.random.key(seed)
    k1, k2 = jax.random.split(key)
    pred_logits = jax.random.normal(k1, (64, 2048, 256), dtype=jnp.float32)
    pred_boxes = jax.random.uniform(k2, (64, 2048, 4), dtype=jnp.float32)
    return {"pred_logits": pred_logits, "pred_boxes": pred_boxes}


def reference(pred_logits, pred_boxes):
    # Faithful jax translation of cdnPseudoResetter.forward.
    # torch forward takes teacher_outputs dict; flattened here to
    # pred_logits [B, Q, C] and pred_boxes [B, Q, 4].
    # The per-batch nonzero() produces dynamic shapes; for a fixed-shape
    # jax reference we return the dense masked equivalents:
    #   labels: argmax class where score_max > threshold, else -1 (padding)
    #   boxes:  pred_boxes where valid, else 0 (padding)
    # which carry identical information to the ragged pseudo_targets list.
    threshold = 0.5
    score = jax.nn.sigmoid(pred_logits)
    score_max = jnp.max(score, axis=-1)
    score_argmax = jnp.argmax(score, axis=-1)
    valid_mask = score_max > threshold
    labels = jnp.where(valid_mask, score_argmax, -1)
    boxes = jnp.where(valid_mask[..., None], pred_boxes, 0.0)
    # single-process: all_reduce is identity, world_size = 1
    num_boxes = jnp.maximum(jnp.sum(valid_mask).astype(jnp.float32), 1.0)
    return labels, boxes, num_boxes

if __name__ == "__main__":
    import jax
    _d = setup_inputs()
    print(jax.jit(kernel)(*tuple(_d.values())))

</pallas_src>

<mosaic_0001>
#map = affine_map<(d0, d1) -> (0)>
module attributes {stable_mosaic.version = 14 : i64} {
  func.func @kern(%arg0: i32, %arg1: i32, %arg2: memref<33554432xf32, #tpu.memory_space<hbm>>, %arg3: memref<524288xf32, #tpu.memory_space<hbm>>, %arg4: memref<131072xi32, #tpu.memory_space<hbm>>, %arg5: memref<524288xf32, #tpu.memory_space<hbm>>, %arg6: memref<512xi32, #tpu.memory_space<hbm>>, %arg7: memref<32768xf32, #tpu.memory_space<vmem>>, %arg8: memref<512xf32, #tpu.memory_space<vmem>>, %arg9: memref<128xi32, #tpu.memory_space<vmem>>, %arg10: memref<512xf32, #tpu.memory_space<vmem>>, %arg11: memref<16xi32, #tpu.memory_space<vmem>>) attributes {dimension_semantics = [#tpu.dimension_semantics<core_parallel>, #tpu.dimension_semantics<subcore_parallel>], iteration_bounds = array<i64: 2, 16>, scalar_prefetch = 0 : i64, scratch_operands = 5 : i64, tpu.core_type = #tpu.core_type<sc_vector_subcore>, window_params = [{transform_indices = #map}, {transform_indices = #map}, {transform_indices = #map}, {transform_indices = #map}, {transform_indices = #map}]} {
    %mul3A = arith.constant 2 : i32
    %mul3A_0 = arith.muli %arg1, %mul3A : i32
    %add3A = arith.addi %mul3A_0, %arg0 : i32
    %mul3A_1 = arith.constant 4096 : i32
    %mul3A_2 = arith.muli %add3A, %mul3A_1 : i32
    %iota3A = tpu.iota {dimensions = array<i32: 0>} : vector<16xi32>
    %mul3A_3 = arith.constant 256 : i32
    %mul3A_4 = vector.broadcast %mul3A_3 : i32 to vector<16xi32>
    %mul3A_5 = arith.muli %iota3A, %mul3A_4 : vector<16xi32>
    %iota3A_6 = tpu.iota {dimensions = array<i32: 0>} : vector<16xi32>
    %mul3A_7 = arith.constant 4 : i32
    %mul3A_8 = vector.broadcast %mul3A_7 : i32 to vector<16xi32>
    %mul3A_9 = arith.muli %iota3A_6, %mul3A_8 : vector<16xi32>
    %broadcast_in_dim3A = arith.constant 1 : i32
    %broadcast_in_dim3A_10 = vector.broadcast %broadcast_in_dim3A : i32 to vector<16xi32>
    %broadcast_in_dim3A_11 = arith.constant 0 : i32
    %broadcast_in_dim3A_12 = vector.broadcast %broadcast_in_dim3A_11 : i32 to vector<16xi32>
    %broadcast_in_dim3A_13 = arith.constant -1 : i32
    %broadcast_in_dim3A_14 = vector.broadcast %broadcast_in_dim3A_13 : i32 to vector<16xi32>
    %scan3A = arith.constant 0 : i32
    %scan3A_15 = arith.constant 32 : i32
    %scan3A_16 = arith.addi %scan3A, %scan3A_15 : i32
    %scan3A_17 = arith.constant 1 : i32
    %scan3A_18 = scf.for %scan3A_23 = %scan3A to %scan3A_16 step %scan3A_17 iter_args(%scan3A_24 = %broadcast_in_dim3A_12) -> (vector<16xi32>)  : i32 {
      %mul3A_25 = arith.constant 128 : i32
      %mul3A_26 = arith.muli %scan3A_23, %mul3A_25 : i32
      %add3A_27 = arith.addi %mul3A_2, %mul3A_26 : i32
      %mul3A_28 = arith.constant 256 : i32
      %mul3A_29 = arith.muli %add3A_27, %mul3A_28 : i32
      "tpu.region"() ({
        %run_scoped3A = tpu.sem_alloc : memref<!tpu.dma_semaphore, #tpu.memory_space<semaphore_mem>>
        %dma_start3A = tpu.memref_slice %arg2[%mul3A_29] : memref<33554432xf32, #tpu.memory_space<hbm>> -> memref<32768xf32, #tpu.memory_space<hbm>>
        %dma_start3A_40 = tpu.memref_slice %arg2[%mul3A_29] : memref<33554432xf32, #tpu.memory_space<hbm>> -> memref<32768xf32, #tpu.memory_space<hbm>>
        tpu.enqueue_dma source(%dma_start3A_40 : memref<32768xf32, #tpu.memory_space<hbm>>) target(%arg7 : memref<32768xf32, #tpu.memory_space<vmem>>) target_semaphore(%run_scoped3A : memref<!tpu.dma_semaphore, #tpu.memory_space<semaphore_mem>>)
        %dma_wait3A = tpu.memref_slice %arg2[%mul3A_29] : memref<33554432xf32, #tpu.memory_space<hbm>> -> memref<32768xf32, #tpu.memory_space<hbm>>
        %dma_wait3A_41 = tpu.memref_slice %arg2[%mul3A_29] : memref<33554432xf32, #tpu.memory_space<hbm>> -> memref<32768xf32, #tpu.memory_space<hbm>>
        tpu.wait_dma2 semaphore(%run_scoped3A : memref<!tpu.dma_semaphore, #tpu.memory_space<semaphore_mem>>) src(%dma_wait3A_41 : memref<32768xf32, #tpu.memory_space<hbm>>) dst(%arg7 : memref<32768xf32, #tpu.memory_space<vmem>>)
        tpu.yield
      }) : () -> ()
      %mul3A_30 = arith.constant 4 : i32
      %mul3A_31 = arith.muli %add3A_27, %mul3A_30 : i32
      "tpu.region"() ({
        %run_scoped3A = tpu.sem_alloc : memref<!tpu.dma_semaphore, #tpu.memory_space<semaphore_mem>>
        %dma_start3A = tpu.memref_slice %arg3[%mul3A_31] : memref<524288xf32, #tpu.memory_space<hbm>> -> memref<512xf32, #tpu.memory_space<hbm>>
        %dma_start3A_40 = tpu.memref_slice %arg3[%mul3A_31] : memref<524288xf32, #tpu.memory_space<hbm>> -> memref<512xf32, #tpu.memory_space<hbm>>
        tpu.enqueue_dma source(%dma_start3A_40 : memref<512xf32, #tpu.memory_space<hbm>>) target(%arg8 : memref<512xf32, #tpu.memory_space<vmem>>) target_semaphore(%run_scoped3A : memref<!tpu.dma_semaphore, #tpu.memory_space<semaphore_mem>>)
        %dma_wait3A = tpu.memref_slice %arg3[%mul3A_31] : memref<524288xf32, #tpu.memory_space<hbm>> -> memref<512xf32, #tpu.memory_space<hbm>>
        %dma_wait3A_41 = tpu.memref_slice %arg3[%mul3A_31] : memref<524288xf32, #tpu.memory_space<hbm>> -> memref<512xf32, #tpu.memory_space<hbm>>
        tpu.wait_dma2 semaphore(%run_scoped3A : memref<!tpu.dma_semaphore, #tpu.memory_space<semaphore_mem>>) src(%dma_wait3A_41 : memref<512xf32, #tpu.memory_space<hbm>>) dst(%arg8 : memref<512xf32, #tpu.memory_space<vmem>>)
        tpu.yield
      }) : () -> ()
      %scan3A_32 = arith.constant 0 : i32
      %scan3A_33 = arith.constant 8 : i32
      %scan3A_34 = arith.addi %scan3A_32, %scan3A_33 : i32
      %scan3A_35 = arith.constant 1 : i32
      %scan3A_36 = scf.for %scan3A_40 = %scan3A_32 to %scan3A_34 step %scan3A_35 iter_args(%scan3A_41 = %scan3A_24) -> (vector<16xi32>)  : i32 {
        %mul3A_42 = arith.constant 4096 : i32
        %mul3A_43 = arith.muli %scan3A_40, %mul3A_42 : i32
        %add3A_44 = vector.broadcast %mul3A_43 : i32 to vector<16xi32>
        %add3A_45 = arith.addi %mul3A_5, %add3A_44 : vector<16xi32>
        %add3A_46 = arith.constant 0 : i32
        %add3A_47 = vector.broadcast %add3A_46 : i32 to vector<16xi32>
        %add3A_48 = arith.addi %add3A_45, %add3A_47 : vector<16xi32>
        %gather3A = tpu.vector_load_idx %arg7[%add3A_48] : memref<32768xf32, #tpu.memory_space<vmem>>[vector<16xi32>], vector<16xf32>,
        %add3A_49 = arith.constant 32 : i32
        %add3A_50 = vector.broadcast %add3A_49 : i32 to vector<16xi32>
        %add3A_51 = arith.addi %add3A_45, %add3A_50 : vector<16xi32>
        %gather3A_52 = tpu.vector_load_idx %arg7[%add3A_51] : memref<32768xf32, #tpu.memory_space<vmem>>[vector<16xi32>], vector<16xf32>,
        %add3A_53 = arith.constant 64 : i32
        %add3A_54 = vector.broadcast %add3A_53 : i32 to vector<16xi32>
        %add3A_55 = arith.addi %add3A_45, %add3A_54 : vector<16xi32>
        %gather3A_56 = tpu.vector_load_idx %arg7[%add3A_55] : memref<32768xf32, #tpu.memory_space<vmem>>[vector<16xi32>], vector<16xf32>,
        %add3A_57 = arith.constant 96 : i32
        %add3A_58 = vector.broadcast %add3A_57 : i32 to vector<16xi32>
        %add3A_59 = arith.addi %add3A_45, %add3A_58 : vector<16xi32>
        %gather3A_60 = tpu.vector_load_idx %arg7[%add3A_59] : memref<32768xf32, #tpu.memory_space<vmem>>[vector<16xi32>], vector<16xf32>,
        %add3A_61 = arith.constant 128 : i32
        %add3A_62 = vector.broadcast %add3A_61 : i32 to vector<16xi32>
        %add3A_63 = arith.addi %add3A_45, %add3A_62 : vector<16xi32>
        %gather3A_64 = tpu.vector_load_idx %arg7[%add3A_63] : memref<32768xf32, #tpu.memory_space<vmem>>[vector<16xi32>], vector<16xf32>,
        %add3A_65 = arith.constant 160 : i32
        %add3A_66 = vector.broadcast %add3A_65 : i32 to vector<16xi32>
        %add3A_67 = arith.addi %add3A_45, %add3A_66 : vector<16xi32>
        %gather3A_68 = tpu.vector_load_idx %arg7[%add3A_67] : memref<32768xf32, #tpu.memory_space<vmem>>[vector<16xi32>], vector<16xf32>,
        %add3A_69 = arith.constant 192 : i32
        %add3A_70 = vector.broadcast %add3A_69 : i32 to vector<16xi32>
        %add3A_71 = arith.addi %add3A_45, %add3A_70 : vector<16xi32>
        %gather3A_72 = tpu.vector_load_idx %arg7[%add3A_71] : memref<32768xf32, #tpu.memory_space<vmem>>[vector<16xi32>], vector<16xf32>,
        %add3A_73 = arith.constant 224 : i32
        %add3A_74 = vector.broadcast %add3A_73 : i32 to vector<16xi32>
        %add3A_75 = arith.addi %add3A_45, %add3A_74 : vector<16xi32>
        %gather3A_76 = tpu.vector_load_idx %arg7[%add3A_75] : memref<32768xf32, #tpu.memory_space<vmem>>[vector<16xi32>], vector<16xf32>,
        %add3A_77 = arith.constant 1 : i32
        %add3A_78 = vector.broadcast %add3A_77 : i32 to vector<16xi32>
        %add3A_79 = arith.addi %broadcast_in_dim3A_12, %add3A_78 : vector<16xi32>
        %add3A_80 = arith.constant 1 : i32
        %add3A_81 = vector.broadcast %add3A_80 : i32 to vector<16xi32>
        %add3A_82 = arith.addi %add3A_48, %add3A_81 : vector<16xi32>
        %gather3A_83 = tpu.vector_load_idx %arg7[%add3A_82] : memref<32768xf32, #tpu.memory_space<vmem>>[vector<16xi32>], vector<16xf32>,
        %gt3A = arith.cmpf ogt, %gather3A_83, %gather3A : vector<16xf32>
        %select_n3A = arith.select %gt3A, %gather3A_83, %gather3A : vector<16xi1>, vector<16xf32>
        %select_n3A_84 = arith.select %gt3A, %add3A_79, %broadcast_in_dim3A_12 : vector<16xi1>, vector<16xi32>
        %add3A_85 = arith.constant 1 : i32
        %add3A_86 = vector.broadcast %add3A_85 : i32 to vector<16xi32>
        %add3A_87 = arith.addi %add3A_51, %add3A_86 : vector<16xi32>
        %gather3A_88 = tpu.vector_load_idx %arg7[%add3A_87] : memref<32768xf32, #tpu.memory_space<vmem>>[vector<16xi32>], vector<16xf32>,
        %gt3A_89 = arith.cmpf ogt, %gather3A_88, %gather3A_52 : vector<16xf32>
        %select_n3A_90 = arith.select %gt3A_89, %gather3A_88, %gather3A_52 : vector<16xi1>, vector<16xf32>
        %select_n3A_91 = arith.select %gt3A_89, %add3A_79, %broadcast_in_dim3A_12 : vector<16xi1>, vector<16xi32>
        %add3A_92 = arith.constant 1 : i32
        %add3A_93 = vector.broadcast %add3A_92 : i32 to vector<16xi32>
        %add3A_94 = arith.addi %add3A_55, %add3A_93 : vector<16xi32>
        %gather3A_95 = tpu.vector_load_idx %arg7[%add3A_94] : memref<32768xf32, #tpu.memory_space<vmem>>[vector<16xi32>], vector<16xf32>,
        %gt3A_96 = arith.cmpf ogt, %gather3A_95, %gather3A_56 : vector<16xf32>
        %select_n3A_97 = arith.select %gt3A_96, %gather3A_95, %gather3A_56 : vector<16xi1>, vector<16xf32>
        %select_n3A_98 = arith.select %gt3A_96, %add3A_79, %broadcast_in_dim3A_12 : vector<16xi1>, vector<16xi32>
        %add3A_99 = arith.constant 1 : i32
        %add3A_100 = vector.broadcast %add3A_99 : i32 to vector<16xi32>
        %add3A_101 = arith.addi %add3A_59, %add3A_100 : vector<16xi32>
        %gather3A_102 = tpu.vector_load_idx %arg7[%add3A_101] : memref<32768xf32, #tpu.memory_space<vmem>>[vector<16xi32>], vector<16xf32>,
        %gt3A_103 = arith.cmpf ogt, %gather3A_102, %gather3A_60 : vector<16xf32>
        %select_n3A_104 = arith.select %gt3A_103, %gather3A_102, %gather3A_60 : vector<16xi1>, vector<16xf32>
        %select_n3A_105 = arith.select %gt3A_103, %add3A_79, %broadcast_in_dim3A_12 : vector<16xi1>, vector<16xi32>
        %add3A_106 = arith.constant 1 : i32
        %add3A_107 = vector.broadcast %add3A_106 : i32 to vector<16xi32>
        %add3A_108 = arith.addi %add3A_63, %add3A_107 : vector<16xi32>
        %gather3A_109 = tpu.vector_load_idx %arg7[%add3A_108] : memref<32768xf32, #tpu.memory_space<vmem>>[vector<16xi32>], vector<16xf32>,
        %gt3A_110 = arith.cmpf ogt, %gather3A_109, %gather3A_64 : vector<16xf32>
        %select_n3A_111 = arith.select %gt3A_110, %gather3A_109, %gather3A_64 : vector<16xi1>, vector<16xf32>
        %select_n3A_112 = arith.select %gt3A_110, %add3A_79, %broadcast_in_dim3A_12 : vector<16xi1>, vector<16xi32>
        %add3A_113 = arith.constant 1 : i32
        %add3A_114 = vector.broadcast %add3A_113 : i32 to vector<16xi32>
        %add3A_115 = arith.addi %add3A_67, %add3A_114 : vector<16xi32>
        %gather3A_116 = tpu.vector_load_idx %arg7[%add3A_115] : memref<32768xf32, #tpu.memory_space<vmem>>[vector<16xi32>], vector<16xf32>,
        %gt3A_117 = arith.cmpf ogt, %gather3A_116, %gather3A_68 : vector<16xf32>
        %select_n3A_118 = arith.select %gt3A_117, %gather3A_116, %gather3A_68 : vector<16xi1>, vector<16xf32>
        %select_n3A_119 = arith.select %gt3A_117, %add3A_79, %broadcast_in_dim3A_12 : vector<16xi1>, vector<16xi32>
        %add3A_120 = arith.constant 1 : i32
        %add3A_121 = vector.broadcast %add3A_120 : i32 to vector<16xi32>
        %add3A_122 = arith.addi %add3A_71, %add3A_121 : vector<16xi32>
        %gather3A_123 = tpu.vector_load_idx %arg7[%add3A_122] : memref<32768xf32, #tpu.memory_space<vmem>>[vector<16xi32>], vector<16xf32>,
        %gt3A_124 = arith.cmpf ogt, %gather3A_123, %gather3A_72 : vector<16xf32>
        %select_n3A_125 = arith.select %gt3A_124, %gather3A_123, %gather3A_72 : vector<16xi1>, vector<16xf32>
        %select_n3A_126 = arith.select %gt3A_124, %add3A_79, %broadcast_in_dim3A_12 : vector<16xi1>, vector<16xi32>
        %add3A_127 = arith.constant 1 : i32
        %add3A_128 = vector.broadcast %add3A_127 : i32 to vector<16xi32>
        %add3A_129 = arith.addi %add3A_75, %add3A_128 : vector<16xi32>
        %gather3A_130 = tpu.vector_load_idx %arg7[%add3A_129] : memref<32768xf32, #tpu.memory_space<vmem>>[vector<16xi32>], vector<16xf32>,
        %gt3A_131 = arith.cmpf ogt, %gather3A_130, %gather3A_76 : vector<16xf32>
        %select_n3A_132 = arith.select %gt3A_131, %gather3A_130, %gather3A_76 : vector<16xi1>, vector<16xf32>
        %select_n3A_133 = arith.select %gt3A_131, %add3A_79, %broadcast_in_dim3A_12 : vector<16xi1>, vector<16xi32>
        %add3A_134 = arith.constant 1 : i32
        %add3A_135 = vector.broadcast %add3A_134 : i32 to vector<16xi32>
        %add3A_136 = arith.addi %add3A_79, %add3A_135 : vector<16xi32>
        %add3A_137 = arith.constant 1 : i32
        %add3A_138 = vector.broadcast %add3A_137 : i32 to vector<16xi32>
        %add3A_139 = arith.addi %add3A_82, %add3A_138 : vector<16xi32>
        %gather3A_140 = tpu.vector_load_idx %arg7[%add3A_139] : memref<32768xf32, #tpu.memory_space<vmem>>[vector<16xi32>], vector<16xf32>,
        %gt3A_141 = arith.cmpf ogt, %gather3A_140, %select_n3A : vector<16xf32>
        %select_n3A_142 = arith.select %gt3A_141, %gather3A_140, %select_n3A : vector<16xi1>, vector<16xf32>
        %select_n3A_143 = arith.select %gt3A_141, %add3A_136, %select_n3A_84 : vector<16xi1>, vector<16xi32>
        %add3A_144 = arith.constant 1 : i32
        %add3A_145 = vector.broadcast %add3A_144 : i32 to vector<16xi32>
        %add3A_146 = arith.addi %add3A_87, %add3A_145 : vector<16xi32>
        %gather3A_147 = tpu.vector_load_idx %arg7[%add3A_146] : memref<32768xf32, #tpu.memory_space<vmem>>[vector<16xi32>], vector<16xf32>,
        %gt3A_148 = arith.cmpf ogt, %gather3A_147, %select_n3A_90 : vector<16xf32>
        %select_n3A_149 = arith.select %gt3A_148, %gather3A_147, %select_n3A_90 : vector<16xi1>, vector<16xf32>
        %select_n3A_150 = arith.select %gt3A_148, %add3A_136, %select_n3A_91 : vector<16xi1>, vector<16xi32>
        %add3A_151 = arith.constant 1 : i32
        %add3A_152 = vector.broadcast %add3A_151 : i32 to vector<16xi32>
        %add3A_153 = arith.addi %add3A_94, %add3A_152 : vector<16xi32>
        %gather3A_154 = tpu.vector_load_idx %arg7[%add3A_153] : memref<32768xf32, #tpu.memory_space<vmem>>[vector<16xi32>], vector<16xf32>,
        %gt3A_155 = arith.cmpf ogt, %gather3A_154, %select_n3A_97 : vector<16xf32>
        %select_n3A_156 = arith.select %gt3A_155, %gather3A_154, %select_n3A_97 : vector<16xi1>, vector<16xf32>
        %select_n3A_157 = arith.select %gt3A_155, %add3A_136, %select_n3A_98 : vector<16xi1>, vector<16xi32>
        %add3A_158 = arith.constant 1 : i32
        %add3A_159 = vector.broadcast %add3A_158 : i32 to vector<16xi32>
        %add3A_160 = arith.addi %add3A_101, %add3A_159 : vector<16xi32>
        %gather3A_161 = tpu.vector_load_idx %arg7[%add3A_160] : memref<32768xf32, #tpu.memory_space<vmem>>[vector<16xi32>], vector<16xf32>,
        %gt3A_162 = arith.cmpf ogt, %gather3A_161, %select_n3A_104 : vector<16xf32>
        %select_n3A_163 = arith.select %gt3A_162, %gather3A_161, %select_n3A_104 : vector<16xi1>, vector<16xf32>
        %select_n3A_164 = arith.select %gt3A_162, %add3A_136, %select_n3A_105 : vector<16xi1>, vector<16xi32>
        %add3A_165 = arith.constant 1 : i32
        %add3A_166 = vector.broadcast %add3A_165 : i32 to vector<16xi32>
        %add3A_167 = arith.addi %add3A_108, %add3A_166 : vector<16xi32>
        %gather3A_168 = tpu.vector_load_idx %arg7[%add3A_167] : memref<32768xf32, #tpu.memory_space<vmem>>[vector<16xi32>], vector<16xf32>,
        %gt3A_169 = arith.cmpf ogt, %gather3A_168, %select_n3A_111 : vector<16xf32>
        %select_n3A_170 = arith.select %gt3A_169, %gather3A_168, %select_n3A_111 : vector<16xi1>, vector<16xf32>
        %select_n3A_171 = arith.select %gt3A_169, %add3A_136, %select_n3A_112 : vector<16xi1>, vector<16xi32>
        %add3A_172 = arith.constant 1 : i32
        %add3A_173 = vector.broadcast %add3A_172 : i32 to vector<16xi32>
        %add3A_174 = arith.addi %add3A_115, %add3A_173 : vector<16xi32>
        %gather3A_175 = tpu.vector_load_idx %arg7[%add3A_174] : memref<32768xf32, #tpu.memory_space<vmem>>[vector<16xi32>], vector<16xf32>,
        %gt3A_176 = arith.cmpf ogt, %gather3A_175, %select_n3A_118 : vector<16xf32>
        %select_n3A_177 = arith.select %gt3A_176, %gather3A_175, %select_n3A_118 : vector<16xi1>, vector<16xf32>
        %select_n3A_178 = arith.select %gt3A_176, %add3A_136, %select_n3A_119 : vector<16xi1>, vector<16xi32>
        %add3A_179 = arith.constant 1 : i32
        %add3A_180 = vector.broadcast %add3A_179 : i32 to vector<16xi32>
        %add3A_181 = arith.addi %add3A_122, %add3A_180 : vector<16xi32>
        %gather3A_182 = tpu.vector_load_idx %arg7[%add3A_181] : memref<32768xf32, #tpu.memory_space<vmem>>[vector<16xi32>], vector<16xf32>,
        %gt3A_183 = arith.cmpf ogt, %gather3A_182, %select_n3A_125 : vector<16xf32>
        %select_n3A_184 = arith.select %gt3A_183, %gather3A_182, %select_n3A_125 : vector<16xi1>, vector<16xf32>
        %select_n3A_185 = arith.select %gt3A_183, %add3A_136, %select_n3A_126 : vector<16xi1>, vector<16xi32>
        %add3A_186 = arith.constant 1 : i32
        %add3A_187 = vector.broadcast %add3A_186 : i32 to vector<16xi32>
        %add3A_188 = arith.addi %add3A_129, %add3A_187 : vector<16xi32>
        %gather3A_189 = tpu.vector_load_idx %arg7[%add3A_188] : memref<32768xf32, #tpu.memory_space<vmem>>[vector<16xi32>], vector<16xf32>,
        %gt3A_190 = arith.cmpf ogt, %gather3A_189, %select_n3A_132 : vector<16xf32>
        %select_n3A_191 = arith.select %gt3A_190, %gather3A_189, %select_n3A_132 : vector<16xi1>, vector<16xf32>
        %select_n3A_192 = arith.select %gt3A_190, %add3A_136, %select_n3A_133 : vector<16xi1>, vector<16xi32>
        %add3A_193 = arith.constant 1 : i32
        %add3A_194 = vector.broadcast %add3A_193 : i32 to vector<16xi32>
        %add3A_195 = arith.addi %add3A_136, %add3A_194 : vector<16xi32>
        %add3A_196 = arith.constant 1 : i32
        %add3A_197 = vector.broadcast %add3A_196 : i32 to vector<16xi32>
        %add3A_198 = arith.addi %add3A_139, %add3A_197 : vector<16xi32>
        %gather3A_199 = tpu.vector_load_idx %arg7[%add3A_198] : memref<32768xf32, #tpu.memory_space<vmem>>[vector<16xi32>], vector<16xf32>,
        %gt3A_200 = arith.cmpf ogt, %gather3A_199, %select_n3A_142 : vector<16xf32>
        %select_n3A_201 = arith.select %gt3A_200, %gather3A_199, %select_n3A_142 : vector<16xi1>, vector<16xf32>
        %select_n3A_202 = arith.select %gt3A_200, %add3A_195, %select_n3A_143 : vector<16xi1>, vector<16xi32>
        %add3A_203 = arith.constant 1 : i32
        %add3A_204 = vector.broadcast %add3A_203 : i32 to vector<16xi32>
        %add3A_205 = arith.addi %add3A_146, %add3A_204 : vector<16xi32>
        %gather3A_206 = tpu.vector_load_idx %arg7[%add3A_205] : memref<32768xf32, #tpu.memory_space<vmem>>[vector<16xi32>], vector<16xf32>,
        %gt3A_207 = arith.cmpf ogt, %gather3A_206, %select_n3A_149 : vector<16xf32>
        %select_n3A_208 = arith.select %gt3A_207, %gather3A_206, %select_n3A_149 : vector<16xi1>, vector<16xf32>
        %select_n3A_209 = arith.select %gt3A_207, %add3A_195, %select_n3A_150 : vector<16xi1>, vector<16xi32>
        %add3A_210 = arith.constant 1 : i32
        %add3A_211 = vector.broadcast %add3A_210 : i32 to vector<16xi32>
        %add3A_212 = arith.addi %add3A_153, %add3A_211 : vector<16xi32>
        %gather3A_213 = tpu.vector_load_idx %arg7[%add3A_212] : memref<32768xf32, #tpu.memory_space<vmem>>[vector<16xi32>], vector<16xf32>,
        %gt3A_214 = arith.cmpf ogt, %gather3A_213, %select_n3A_156 : vector<16xf32>
        %select_n3A_215 = arith.select %gt3A_214, %gather3A_213, %select_n3A_156 : vector<16xi1>, vector<16xf32>
        %select_n3A_216 = arith.select %gt3A_214, %add3A_195, %select_n3A_157 : vector<16xi1>, vector<16xi32>
        %add3A_217 = arith.constant 1 : i32
        %add3A_218 = vector.broadcast %add3A_217 : i32 to vector<16xi32>
        %add3A_219 = arith.addi %add3A_160, %add3A_218 : vector<16xi32>
        %gather3A_220 = tpu.vector_load_idx %arg7[%add3A_219] : memref<32768xf32, #tpu.memory_space<vmem>>[vector<16xi32>], vector<16xf32>,
        %gt3A_221 = arith.cmpf ogt, %gather3A_220, %select_n3A_163 : vector<16xf32>
        %select_n3A_222 = arith.select %gt3A_221, %gather3A_220, %select_n3A_163 : vector<16xi1>, vector<16xf32>
        %select_n3A_223 = arith.select %gt3A_221, %add3A_195, %select_n3A_164 : vector<16xi1>, vector<16xi32>
        %add3A_224 = arith.constant 1 : i32
        %add3A_225 = vector.broadcast %add3A_224 : i32 to vector<16xi32>
        %add3A_226 = arith.addi %add3A_167, %add3A_225 : vector<16xi32>
        %gather3A_227 = tpu.vector_load_idx %arg7[%add3A_226] : memref<32768xf32, #tpu.memory_space<vmem>>[vector<16xi32>], vector<16xf32>,
        %gt3A_228 = arith.cmpf ogt, %gather3A_227, %select_n3A_170 : vector<16xf32>
        %select_n3A_229 = arith.select %gt3A_228, %gather3A_227, %select_n3A_170 : vector<16xi1>, vector<16xf32>
        %select_n3A_230 = arith.select %gt3A_228, %add3A_195, %select_n3A_171 : vector<16xi1>, vector<16xi32>
        %add3A_231 = arith.constant 1 : i32
        %add3A_232 = vector.broadcast %add3A_231 : i32 to vector<16xi32>
        %add3A_233 = arith.addi %add3A_174, %add3A_232 : vector<16xi32>
        %gather3A_234 = tpu.vector_load_idx %arg7[%add3A_233] : memref<32768xf32, #tpu.memory_space<vmem>>[vector<16xi32>], vector<16xf32>,
        %gt3A_235 = arith.cmpf ogt, %gather3A_234, %select_n3A_177 : vector<16xf32>
        %select_n3A_236 = arith.select %gt3A_235, %gather3A_234, %select_n3A_177 : vector<16xi1>, vector<16xf32>
        %select_n3A_237 = arith.select %gt3A_235, %add3A_195, %select_n3A_178 : vector<16xi1>, vector<16xi32>
        %add3A_238 = arith.constant 1 : i32
        %add3A_239 = vector.broadcast %add3A_238 : i32 to vector<16xi32>
        %add3A_240 = arith.addi %add3A_181, %add3A_239 : vector<16xi32>
        %gather3A_241 = tpu.vector_load_idx %arg7[%add3A_240] : memref<32768xf32, #tpu.memory_space<vmem>>[vector<16xi32>], vector<16xf32>,
        %gt3A_242 = arith.cmpf ogt, %gather3A_241, %select_n3A_184 : vector<16xf32>
        %select_n3A_243 = arith.select %gt3A_242, %gather3A_241, %select_n3A_184 : vector<16xi1>, vector<16xf32>
        %select_n3A_244 = arith.select %gt3A_242, %add3A_195, %select_n3A_185 : vector<16xi1>, vector<16xi32>
        %add3A_245 = arith.constant 1 : i32
        %add3A_246 = vector.broadcast %add3A_245 : i32 to vector<16xi32>
        %add3A_247 = arith.addi %add3A_188, %add3A_246 : vector<16xi32>
        %gather3A_248 = tpu.vector_load_idx %arg7[%add3A_247] : memref<32768xf32, #tpu.memory_space<vmem>>[vector<16xi32>], vector<16xf32>,
        %gt3A_249 = arith.cmpf ogt, %gather3A_248, %select_n3A_191 : vector<16xf32>
        %select_n3A_250 = arith.select %gt3A_249, %gather3A_248, %select_n3A_191 : vector<16xi1>, vector<16xf32>
        %select_n3A_251 = arith.select %gt3A_249, %add3A_195, %select_n3A_192 : vector<16xi1>, vector<16xi32>
        %add3A_252 = arith.constant 1 : i32
        %add3A_253 = vector.broadcast %add3A_252 : i32 to vector<16xi32>
        %add3A_254 = arith.addi %add3A_195, %add3A_253 : vector<16xi32>
        %add3A_255 = arith.constant 1 : i32
        %add3A_256 = vector.broadcast %add3A_255 : i32 to vector<16xi32>
        %add3A_257 = arith.addi %add3A_198, %add3A_256 : vector<16xi32>
        %gather3A_258 = tpu.vector_load_idx %arg7[%add3A_257] : memref<32768xf32, #tpu.memory_space<vmem>>[vector<16xi32>], vector<16xf32>,
        %gt3A_259 = arith.cmpf ogt, %gather3A_258, %select_n3A_201 : vector<16xf32>
        %select_n3A_260 = arith.select %gt3A_259, %gather3A_258, %select_n3A_201 : vector<16xi1>, vector<16xf32>
        %select_n3A_261 = arith.select %gt3A_259, %add3A_254, %select_n3A_202 : vector<16xi1>, vector<16xi32>
        %add3A_262 = arith.constant 1 : i32
        %add3A_263 = vector.broadcast %add3A_262 : i32 to vector<16xi32>
        %add3A_264 = arith.addi %add3A_205, %add3A_263 : vector<16xi32>
        %gather3A_265 = tpu.vector_load_idx %arg7[%add3A_264] : memref<32768xf32, #tpu.memory_space<vmem>>[vector<16xi32>], vector<16xf32>,
        %gt3A_266 = arith.cmpf ogt, %gather3A_265, %select_n3A_208 : vector<16xf32>
        %select_n3A_267 = arith.select %gt3A_266, %gather3A_265, %select_n3A_208 : vector<16xi1>, vector<16xf32>
        %select_n3A_268 = arith.select %gt3A_266, %add3A_254, %select_n3A_209 : vector<16xi1>, vector<16xi32>
        %add3A_269 = arith.constant 1 : i32
        %add3A_270 = vector.broadcast %add3A_269 : i32 to vector<16xi32>
        %add3A_271 = arith.addi %add3A_212, %add3A_270 : vector<16xi32>
        %gather3A_272 = tpu.vector_load_idx %arg7[%add3A_271] : memref<32768xf32, #tpu.memory_space<vmem>>[vector<16xi32>], vector<16xf32>,
        %gt3A_273 = arith.cmpf ogt, %gather3A_272, %select_n3A_215 : vector<16xf32>
        %select_n3A_274 = arith.select %gt3A_273, %gather3A_272, %select_n3A_215 : vector<16xi1>, vector<16xf32>
        %select_n3A_275 = arith.select %gt3A_273, %add3A_254, %select_n3A_216 : vector<16xi1>, vector<16xi32>
        %add3A_276 = arith.constant 1 : i32
        %add3A_277 = vector.broadcast %add3A_276 : i32 to vector<16xi32>
        %add3A_278 = arith.addi %add3A_219, %add3A_277 : vector<16xi32>
        %gather3A_279 = tpu.vector_load_idx %arg7[%add3A_278] : memref<32768xf32, #tpu.memory_space<vmem>>[vector<16xi32>], vector<16xf32>,
        %gt3A_280 = arith.cmpf ogt, %gather3A_279, %select_n3A_222 : vector<16xf32>
        %select_n3A_281 = arith.select %gt3A_280, %gather3A_279, %select_n3A_222 : vector<16xi1>, vector<16xf32>
        %select_n3A_282 = arith.select %gt3A_280, %add3A_254, %select_n3A_223 : vector<16xi1>, vector<16xi32>
        %add3A_283 = arith.constant 1 : i32
        %add3A_284 = vector.broadcast %add3A_283 : i32 to vector<16xi32>
        %add3A_285 = arith.addi %add3A_226, %add3A_284 : vector<16xi32>
        %gather3A_286 = tpu.vector_load_idx %arg7[%add3A_285] : memref<32768xf32, #tpu.memory_space<vmem>>[vector<16xi32>], vector<16xf32>,
        %gt3A_287 = arith.cmpf ogt, %gather3A_286, %select_n3A_229 : vector<16xf32>
        %select_n3A_288 = arith.select %gt3A_287, %gather3A_286, %select_n3A_229 : vector<16xi1>, vector<16xf32>
        %select_n3A_289 = arith.select %gt3A_287, %add3A_254, %select_n3A_230 : vector<16xi1>, vector<16xi32>
        %add3A_290 = arith.constant 1 : i32
        %add3A_291 = vector.broadcast %add3A_290 : i32 to vector<16xi32>
        %add3A_292 = arith.addi %add3A_233, %add3A_291 : vector<16xi32>
        %gather3A_293 = tpu.vector_load_idx %arg7[%add3A_292] : memref<32768xf32, #tpu.memory_space<vmem>>[vector<16xi32>], vector<16xf32>,
        %gt3A_294 = arith.cmpf ogt, %gather3A_293, %select_n3A_236 : vector<16xf32>
        %select_n3A_295 = arith.select %gt3A_294, %gather3A_293, %select_n3A_236 : vector<16xi1>, vector<16xf32>
        %select_n3A_296 = arith.select %gt3A_294, %add3A_254, %select_n3A_237 : vector<16xi1>, vector<16xi32>
        %add3A_297 = arith.constant 1 : i32
        %add3A_298 = vector.broadcast %add3A_297 : i32 to vector<16xi32>
        %add3A_299 = arith.addi %add3A_240, %add3A_298 : vector<16xi32>
        %gather3A_300 = tpu.vector_load_idx %arg7[%add3A_299] : memref<32768xf32, #tpu.memory_space<vmem>>[vector<16xi32>], vector<16xf32>,
        %gt3A_301 = arith.cmpf ogt, %gather3A_300, %select_n3A_243 : vector<16xf32>
        %select_n3A_302 = arith.select %gt3A_301, %gather3A_300, %select_n3A_243 : vector<16xi1>, vector<16xf32>
        %select_n3A_303 = arith.select %gt3A_301, %add3A_254, %select_n3A_244 : vector<16xi1>, vector<16xi32>
        %add3A_304 = arith.constant 1 : i32
        %add3A_305 = vector.broadcast %add3A_304 : i32 to vector<16xi32>
        %add3A_306 = arith.addi %add3A_247, %add3A_305 : vector<16xi32>
        %gather3A_307 = tpu.vector_load_idx %arg7[%add3A_306] : memref<32768xf32, #tpu.memory_space<vmem>>[vector<16xi32>], vector<16xf32>,
        %gt3A_308 = arith.cmpf ogt, %gather3A_307, %select_n3A_250 : vector<16xf32>
        %select_n3A_309 = arith.select %gt3A_308, %gather3A_307, %select_n3A_250 : vector<16xi1>, vector<16xf32>
        %select_n3A_310 = arith.select %gt3A_308, %add3A_254, %select_n3A_251 : vector<16xi1>, vector<16xi32>
        %add3A_311 = arith.constant 1 : i32
        %add3A_312 = vector.broadcast %add3A_311 : i32 to vector<16xi32>
        %add3A_313 = arith.addi %add3A_254, %add3A_312 : vector<16xi32>
        %add3A_314 = arith.constant 1 : i32
        %add3A_315 = vector.broadcast %add3A_314 : i32 to vector<16xi32>
        %add3A_316 = arith.addi %add3A_257, %add3A_315 : vector<16xi32>
        %gather3A_317 = tpu.vector_load_idx %arg7[%add3A_316] : memref<32768xf32, #tpu.memory_space<vmem>>[vector<16xi32>], vector<16xf32>,
        %gt3A_318 = arith.cmpf ogt, %gather3A_317, %select_n3A_260 : vector<16xf32>
        %select_n3A_319 = arith.select %gt3A_318, %gather3A_317, %select_n3A_260 : vector<16xi1>, vector<16xf32>
        %select_n3A_320 = arith.select %gt3A_318, %add3A_313, %select_n3A_261 : vector<16xi1>, vector<16xi32>
        %add3A_321 = arith.constant 1 : i32
        %add3A_322 = vector.broadcast %add3A_321 : i32 to vector<16xi32>
        %add3A_323 = arith.addi %add3A_264, %add3A_322 : vector<16xi32>
        %gather3A_324 = tpu.vector_load_idx %arg7[%add3A_323] : memref<32768xf32, #tpu.memory_space<vmem>>[vector<16xi32>], vector<16xf32>,
        %gt3A_325 = arith.cmpf ogt, %gather3A_324, %select_n3A_267 : vector<16xf32>
        %select_n3A_326 = arith.select %gt3A_325, %gather3A_324, %select_n3A_267 : vector<16xi1>, vector<16xf32>
        %select_n3A_327 = arith.select %gt3A_325, %add3A_313, %select_n3A_268 : vector<16xi1>, vector<16xi32>
        %add3A_328 = arith.constant 1 : i32
        %add3A_329 = vector.broadcast %add3A_328 : i32 to vector<16xi32>
        %add3A_330 = arith.addi %add3A_271, %add3A_329 : vector<16xi32>
        %gather3A_331 = tpu.vector_load_idx %arg7[%add3A_330] : memref<32768xf32, #tpu.memory_space<vmem>>[vector<16xi32>], vector<16xf32>,
        %gt3A_332 = arith.cmpf ogt, %gather3A_331, %select_n3A_274 : vector<16xf32>
        %select_n3A_333 = arith.select %gt3A_332, %gather3A_331, %select_n3A_274 : vector<16xi1>, vector<16xf32>
        %select_n3A_334 = arith.select %gt3A_332, %add3A_313, %select_n3A_275 : vector<16xi1>, vector<16xi32>
        %add3A_335 = arith.constant 1 : i32
        %add3A_336 = vector.broadcast %add3A_335 : i32 to vector<16xi32>
        %add3A_337 = arith.addi %add3A_278, %add3A_336 : vector<16xi32>
        %gather3A_338 = tpu.vector_load_idx %arg7[%add3A_337] : memref<32768xf32, #tpu.memory_space<vmem>>[vector<16xi32>], vector<16xf32>,
        %gt3A_339 = arith.cmpf ogt, %gather3A_338, %select_n3A_281 : vector<16xf32>
        %select_n3A_340 = arith.select %gt3A_339, %gather3A_338, %select_n3A_281 : vector<16xi1>, vector<16xf32>
        %select_n3A_341 = arith.select %gt3A_339, %add3A_313, %select_n3A_282 : vector<16xi1>, vector<16xi32>
        %add3A_342 = arith.constant 1 : i32
        %add3A_343 = vector.broadcast %add3A_342 : i32 to vector<16xi32>
        %add3A_344 = arith.addi %add3A_285, %add3A_343 : vector<16xi32>
        %gather3A_345 = tpu.vector_load_idx %arg7[%add3A_344] : memref<32768xf32, #tpu.memory_space<vmem>>[vector<16xi32>], vector<16xf32>,
        %gt3A_346 = arith.cmpf ogt, %gather3A_345, %select_n3A_288 : vector<16xf32>
        %select_n3A_347 = arith.select %gt3A_346, %gather3A_345, %select_n3A_288 : vector<16xi1>, vector<16xf32>
        %select_n3A_348 = arith.select %gt3A_346, %add3A_313, %select_n3A_289 : vector<16xi1>, vector<16xi32>
        %add3A_349 = arith.constant 1 : i32
        %add3A_350 = vector.broadcast %add3A_349 : i32 to vector<16xi32>
        %add3A_351 = arith.addi %add3A_292, %add3A_350 : vector<16xi32>
        %gather3A_352 = tpu.vector_load_idx %arg7[%add3A_351] : memref<32768xf32, #tpu.memory_space<vmem>>[vector<16xi32>], vector<16xf32>,
        %gt3A_353 = arith.cmpf ogt, %gather3A_352, %select_n3A_295 : vector<16xf32>
        %select_n3A_354 = arith.select %gt3A_353, %gather3A_352, %select_n3A_295 : vector<16xi1>, vector<16xf32>
        %select_n3A_355 = arith.select %gt3A_353, %add3A_313, %select_n3A_296 : vector<16xi1>, vector<16xi32>
        %add3A_356 = arith.constant 1 : i32
        %add3A_357 = vector.broadcast %add3A_356 : i32 to vector<16xi32>
        %add3A_358 = arith.addi %add3A_299, %add3A_357 : vector<16xi32>
        %gather3A_359 = tpu.vector_load_idx %arg7[%add3A_358] : memref<32768xf32, #tpu.memory_space<vmem>>[vector<16xi32>], vector<16xf32>,
        %gt3A_360 = arith.cmpf ogt, %gather3A_359, %select_n3A_302 : vector<16xf32>
        %select_n3A_361 = arith.select %gt3A_360, %gather3A_359, %select_n3A_302 : vector<16xi1>, vector<16xf32>
        %select_n3A_362 = arith.select %gt3A_360, %add3A_313, %select_n3A_303 : vector<16xi1>, vector<16xi32>
        %add3A_363 = arith.constant 1 : i32
        %add3A_364 = vector.broadcast %add3A_363 : i32 to vector<16xi32>
        %add3A_365 = arith.addi %add3A_306, %add3A_364 : vector<16xi32>
        %gather3A_366 = tpu.vector_load_idx %arg7[%add3A_365] : memref<32768xf32, #tpu.memory_space<vmem>>[vector<16xi32>], vector<16xf32>,
        %gt3A_367 = arith.cmpf ogt, %gather3A_366, %select_n3A_309 : vector<16xf32>
        %select_n3A_368 = arith.select %gt3A_367, %gather3A_366, %select_n3A_309 : vector<16xi1>, vector<16xf32>
        %select_n3A_369 = arith.select %gt3A_367, %add3A_313, %select_n3A_310 : vector<16xi1>, vector<16xi32>
        %add3A_370 = arith.constant 1 : i32
        %add3A_371 = vector.broadcast %add3A_370 : i32 to vector<16xi32>
        %add3A_372 = arith.addi %add3A_313, %add3A_371 : vector<16xi32>
        %add3A_373 = arith.constant 1 : i32
        %add3A_374 = vector.broadcast %add3A_373 : i32 to vector<16xi32>
        %add3A_375 = arith.addi %add3A_316, %add3A_374 : vector<16xi32>
        %gather3A_376 = tpu.vector_load_idx %arg7[%add3A_375] : memref<32768xf32, #tpu.memory_space<vmem>>[vector<16xi32>], vector<16xf32>,
        %gt3A_377 = arith.cmpf ogt, %gather3A_376, %select_n3A_319 : vector<16xf32>
        %select_n3A_378 = arith.select %gt3A_377, %gather3A_376, %select_n3A_319 : vector<16xi1>, vector<16xf32>
        %select_n3A_379 = arith.select %gt3A_377, %add3A_372, %select_n3A_320 : vector<16xi1>, vector<16xi32>
        %add3A_380 = arith.constant 1 : i32
        %add3A_381 = vector.broadcast %add3A_380 : i32 to vector<16xi32>
        %add3A_382 = arith.addi %add3A_323, %add3A_381 : vector<16xi32>
        %gather3A_383 = tpu.vector_load_idx %arg7[%add3A_382] : memref<32768xf32, #tpu.memory_space<vmem>>[vector<16xi32>], vector<16xf32>,
        %gt3A_384 = arith.cmpf ogt, %gather3A_383, %select_n3A_326 : vector<16xf32>
        %select_n3A_385 = arith.select %gt3A_384, %gather3A_383, %select_n3A_326 : vector<16xi1>, vector<16xf32>
        %select_n3A_386 = arith.select %gt3A_384, %add3A_372, %select_n3A_327 : vector<16xi1>, vector<16xi32>
        %add3A_387 = arith.constant 1 : i32
        %add3A_388 = vector.broadcast %add3A_387 : i32 to vector<16xi32>
        %add3A_389 = arith.addi %add3A_330, %add3A_388 : vector<16xi32>
        %gather3A_390 = tpu.vector_load_idx %arg7[%add3A_389] : memref<32768xf32, #tpu.memory_space<vmem>>[vector<16xi32>], vector<16xf32>,
        %gt3A_391 = arith.cmpf ogt, %gather3A_390, %select_n3A_333 : vector<16xf32>
        %select_n3A_392 = arith.select %gt3A_391, %gather3A_390, %select_n3A_333 : vector<16xi1>, vector<16xf32>
        %select_n3A_393 = arith.select %gt3A_391, %add3A_372, %select_n3A_334 : vector<16xi1>, vector<16xi32>
        %add3A_394 = arith.constant 1 : i32
        %add3A_395 = vector.broadcast %add3A_394 : i32 to vector<16xi32>
        %add3A_396 = arith.addi %add3A_337, %add3A_395 : vector<16xi32>
        %gather3A_397 = tpu.vector_load_idx %arg7[%add3A_396] : memref<32768xf32, #tpu.memory_space<vmem>>[vector<16xi32>], vector<16xf32>,
        %gt3A_398 = arith.cmpf ogt, %gather3A_397, %select_n3A_340 : vector<16xf32>
        %select_n3A_399 = arith.select %gt3A_398, %gather3A_397, %select_n3A_340 : vector<16xi1>, vector<16xf32>
        %select_n3A_400 = arith.select %gt3A_398, %add3A_372, %select_n3A_341 : vector<16xi1>, vector<16xi32>
        %add3A_401 = arith.constant 1 : i32
        %add3A_402 = vector.broadcast %add3A_401 : i32 to vector<16xi32>
        %add3A_403 = arith.addi %add3A_344, %add3A_402 : vector<16xi32>
        %gather3A_404 = tpu.vector_load_idx %arg7[%add3A_403] : memref<32768xf32, #tpu.memory_space<vmem>>[vector<16xi32>], vector<16xf32>,
        %gt3A_405 = arith.cmpf ogt, %gather3A_404, %select_n3A_347 : vector<16xf32>
        %select_n3A_406 = arith.select %gt3A_405, %gather3A_404, %select_n3A_347 : vector<16xi1>, vector<16xf32>
        %select_n3A_407 = arith.select %gt3A_405, %add3A_372, %select_n3A_348 : vector<16xi1>, vector<16xi32>
        %add3A_408 = arith.constant 1 : i32
        %add3A_409 = vector.broadcast %add3A_408 : i32 to vector<16xi32>
        %add3A_410 = arith.addi %add3A_351, %add3A_409 : vector<16xi32>
        %gather3A_411 = tpu.vector_load_idx %arg7[%add3A_410] : memref<32768xf32, #tpu.memory_space<vmem>>[vector<16xi32>], vector<16xf32>,
        %gt3A_412 = arith.cmpf ogt, %gather3A_411, %select_n3A_354 : vector<16xf32>
        %select_n3A_413 = arith.select %gt3A_412, %gather3A_411, %select_n3A_354 : vector<16xi1>, vector<16xf32>
        %select_n3A_414 = arith.select %gt3A_412, %add3A_372, %select_n3A_355 : vector<16xi1>, vector<16xi32>
        %add3A_415 = arith.constant 1 : i32
        %add3A_416 = vector.broadcast %add3A_415 : i32 to vector<16xi32>
        %add3A_417 = arith.addi %add3A_358, %add3A_416 : vector<16xi32>
        %gather3A_418 = tpu.vector_load_idx %arg7[%add3A_417] : memref<32768xf32, #tpu.memory_space<vmem>>[vector<16xi32>], vector<16xf32>,
        %gt3A_419 = arith.cmpf ogt, %gather3A_418, %select_n3A_361 : vector<16xf32>
        %select_n3A_420 = arith.select %gt3A_419, %gather3A_418, %select_n3A_361 : vector<16xi1>, vector<16xf32>
        %select_n3A_421 = arith.select %gt3A_419, %add3A_372, %select_n3A_362 : vector<16xi1>, vector<16xi32>
        %add3A_422 = arith.constant 1 : i32
        %add3A_423 = vector.broadcast %add3A_422 : i32 to vector<16xi32>
        %add3A_424 = arith.addi %add3A_365, %add3A_423 : vector<16xi32>
        %gather3A_425 = tpu.vector_load_idx %arg7[%add3A_424] : memref<32768xf32, #tpu.memory_space<vmem>>[vector<16xi32>], vector<16xf32>,
        %gt3A_426 = arith.cmpf ogt, %gather3A_425, %select_n3A_368 : vector<16xf32>
        %select_n3A_427 = arith.select %gt3A_426, %gather3A_425, %select_n3A_368 : vector<16xi1>, vector<16xf32>
        %select_n3A_428 = arith.select %gt3A_426, %add3A_372, %select_n3A_369 : vector<16xi1>, vector<16xi32>
        %add3A_429 = arith.constant 1 : i32
        %add3A_430 = vector.broadcast %add3A_429 : i32 to vector<16xi32>
        %add3A_431 = arith.addi %add3A_372, %add3A_430 : vector<16xi32>
        %add3A_432 = arith.constant 1 : i32
        %add3A_433 = vector.broadcast %add3A_432 : i32 to vector<16xi32>
        %add3A_434 = arith.addi %add3A_375, %add3A_433 : vector<16xi32>
        %gather3A_435 = tpu.vector_load_idx %arg7[%add3A_434] : memref<32768xf32, #tpu.memory_space<vmem>>[vector<16xi32>], vector<16xf32>,
        %gt3A_436 = arith.cmpf ogt, %gather3A_435, %select_n3A_378 : vector<16xf32>
        %select_n3A_437 = arith.select %gt3A_436, %gather3A_435, %select_n3A_378 : vector<16xi1>, vector<16xf32>
        %select_n3A_438 = arith.select %gt3A_436, %add3A_431, %select_n3A_379 : vector<16xi1>, vector<16xi32>
        %add3A_439 = arith.constant 1 : i32
        %add3A_440 = vector.broadcast %add3A_439 : i32 to vector<16xi32>
        %add3A_441 = arith.addi %add3A_382, %add3A_440 : vector<16xi32>
        %gather3A_442 = tpu.vector_load_idx %arg7[%add3A_441] : memref<32768xf32, #tpu.memory_space<vmem>>[vector<16xi32>], vector<16xf32>,
        %gt3A_443 = arith.cmpf ogt, %gather3A_442, %select_n3A_385 : vector<16xf32>
        %select_n3A_444 = arith.select %gt3A_443, %gather3A_442, %select_n3A_385 : vector<16xi1>, vector<16xf32>
        %select_n3A_445 = arith.select %gt3A_443, %add3A_431, %select_n3A_386 : vector<16xi1>, vector<16xi32>
        %add3A_446 = arith.constant 1 : i32
        %add3A_447 = vector.broadcast %add3A_446 : i32 to vector<16xi32>
        %add3A_448 = arith.addi %add3A_389, %add3A_447 : vector<16xi32>
        %gather3A_449 = tpu.vector_load_idx %arg7[%add3A_448] : memref<32768xf32, #tpu.memory_space<vmem>>[vector<16xi32>], vector<16xf32>,
        %gt3A_450 = arith.cmpf ogt, %gather3A_449, %select_n3A_392 : vector<16xf32>
        %select_n3A_451 = arith.select %gt3A_450, %gather3A_449, %select_n3A_392 : vector<16xi1>, vector<16xf32>
        %select_n3A_452 = arith.select %gt3A_450, %add3A_431, %select_n3A_393 : vector<16xi1>, vector<16xi32>
        %add3A_453 = arith.constant 1 : i32
        %add3A_454 = vector.broadcast %add3A_453 : i32 to vector<16xi32>
        %add3A_455 = arith.addi %add3A_396, %add3A_454 : vector<16xi32>
        %gather3A_456 = tpu.vector_load_idx %arg7[%add3A_455] : memref<32768xf32, #tpu.memory_space<vmem>>[vector<16xi32>], vector<16xf32>,
        %gt3A_457 = arith.cmpf ogt, %gather3A_456, %select_n3A_399 : vector<16xf32>
        %select_n3A_458 = arith.select %gt3A_457, %gather3A_456, %select_n3A_399 : vector<16xi1>, vector<16xf32>
        %select_n3A_459 = arith.select %gt3A_457, %add3A_431, %select_n3A_400 : vector<16xi1>, vector<16xi32>
        %add3A_460 = arith.constant 1 : i32
        %add3A_461 = vector.broadcast %add3A_460 : i32 to vector<16xi32>
        %add3A_462 = arith.addi %add3A_403, %add3A_461 : vector<16xi32>
        %gather3A_463 = tpu.vector_load_idx %arg7[%add3A_462] : memref<32768xf32, #tpu.memory_space<vmem>>[vector<16xi32>], vector<16xf32>,
        %gt3A_464 = arith.cmpf ogt, %gather3A_463, %select_n3A_406 : vector<16xf32>
        %select_n3A_465 = arith.select %gt3A_464, %gather3A_463, %select_n3A_406 : vector<16xi1>, vector<16xf32>
        %select_n3A_466 = arith.select %gt3A_464, %add3A_431, %select_n3A_407 : vector<16xi1>, vector<16xi32>
        %add3A_467 = arith.constant 1 : i32
        %add3A_468 = vector.broadcast %add3A_467 : i32 to vector<16xi32>
        %add3A_469 = arith.addi %add3A_410, %add3A_468 : vector<16xi32>
        %gather3A_470 = tpu.vector_load_idx %arg7[%add3A_469] : memref<32768xf32, #tpu.memory_space<vmem>>[vector<16xi32>], vector<16xf32>,
        %gt3A_471 = arith.cmpf ogt, %gather3A_470, %select_n3A_413 : vector<16xf32>
        %select_n3A_472 = arith.select %gt3A_471, %gather3A_470, %select_n3A_413 : vector<16xi1>, vector<16xf32>
        %select_n3A_473 = arith.select %gt3A_471, %add3A_431, %select_n3A_414 : vector<16xi1>, vector<16xi32>
        %add3A_474 = arith.constant 1 : i32
        %add3A_475 = vector.broadcast %add3A_474 : i32 to vector<16xi32>
        %add3A_476 = arith.addi %add3A_417, %add3A_475 : vector<16xi32>
        %gather3A_477 = tpu.vector_load_idx %arg7[%add3A_476] : memref<32768xf32, #tpu.memory_space<vmem>>[vector<16xi32>], vector<16xf32>,
        %gt3A_478 = arith.cmpf ogt, %gather3A_477, %select_n3A_420 : vector<16xf32>
        %select_n3A_479 = arith.select %gt3A_478, %gather3A_477, %select_n3A_420 : vector<16xi1>, vector<16xf32>
        %select_n3A_480 = arith.select %gt3A_478, %add3A_431, %select_n3A_421 : vector<16xi1>, vector<16xi32>
        %add3A_481 = arith.constant 1 : i32
        %add3A_482 = vector.broadcast %add3A_481 : i32 to vector<16xi32>
        %add3A_483 = arith.addi %add3A_424, %add3A_482 : vector<16xi32>
        %gather3A_484 = tpu.vector_load_idx %arg7[%add3A_483] : memref<32768xf32, #tpu.memory_space<vmem>>[vector<16xi32>], vector<16xf32>,
        %gt3A_485 = arith.cmpf ogt, %gather3A_484, %select_n3A_427 : vector<16xf32>
        %select_n3A_486 = arith.select %gt3A_485, %gather3A_484, %select_n3A_427 : vector<16xi1>, vector<16xf32>
        %select_n3A_487 = arith.select %gt3A_485, %add3A_431, %select_n3A_428 : vector<16xi1>, vector<16xi32>
        %add3A_488 = arith.constant 1 : i32
        %add3A_489 = vector.broadcast %add3A_488 : i32 to vector<16xi32>
        %add3A_490 = arith.addi %add3A_431, %add3A_489 : vector<16xi32>
        %add3A_491 = arith.constant 1 : i32
        %add3A_492 = vector.broadcast %add3A_491 : i32 to vector<16xi32>
        %add3A_493 = arith.addi %add3A_434, %add3A_492 : vector<16xi32>
        %gather3A_494 = tpu.vector_load_idx %arg7[%add3A_493] : memref<32768xf32, #tpu.memory_space<vmem>>[vector<16xi32>], vector<16xf32>,
        %gt3A_495 = arith.cmpf ogt, %gather3A_494, %select_n3A_437 : vector<16xf32>
        %select_n3A_496 = arith.select %gt3A_495, %gather3A_494, %select_n3A_437 : vector<16xi1>, vector<16xf32>
        %select_n3A_497 = arith.select %gt3A_495, %add3A_490, %select_n3A_438 : vector<16xi1>, vector<16xi32>
        %add3A_498 = arith.constant 1 : i32
        %add3A_499 = vector.broadcast %add3A_498 : i32 to vector<16xi32>
        %add3A_500 = arith.addi %add3A_441, %add3A_499 : vector<16xi32>
        %gather3A_501 = tpu.vector_load_idx %arg7[%add3A_500] : memref<32768xf32, #tpu.memory_space<vmem>>[vector<16xi32>], vector<16xf32>,
        %gt3A_502 = arith.cmpf ogt, %gather3A_501, %select_n3A_444 : vector<16xf32>
        %select_n3A_503 = arith.select %gt3A_502, %gather3A_501, %select_n3A_444 : vector<16xi1>, vector<16xf32>
        %select_n3A_504 = arith.select %gt3A_502, %add3A_490, %select_n3A_445 : vector<16xi1>, vector<16xi32>
        %add3A_505 = arith.constant 1 : i32
        %add3A_506 = vector.broadcast %add3A_505 : i32 to vector<16xi32>
        %add3A_507 = arith.addi %add3A_448, %add3A_506 : vector<16xi32>
        %gather3A_508 = tpu.vector_load_idx %arg7[%add3A_507] : memref<32768xf32, #tpu.memory_space<vmem>>[vector<16xi32>], vector<16xf32>,
        %gt3A_509 = arith.cmpf ogt, %gather3A_508, %select_n3A_451 : vector<16xf32>
        %select_n3A_510 = arith.select %gt3A_509, %gather3A_508, %select_n3A_451 : vector<16xi1>, vector<16xf32>
        %select_n3A_511 = arith.select %gt3A_509, %add3A_490, %select_n3A_452 : vector<16xi1>, vector<16xi32>
        %add3A_512 = arith.constant 1 : i32
        %add3A_513 = vector.broadcast %add3A_512 : i32 to vector<16xi32>
        %add3A_514 = arith.addi %add3A_455, %add3A_513 : vector<16xi32>
        %gather3A_515 = tpu.vector_load_idx %arg7[%add3A_514] : memref<32768xf32, #tpu.memory_space<vmem>>[vector<16xi32>], vector<16xf32>,
        %gt3A_516 = arith.cmpf ogt, %gather3A_515, %select_n3A_458 : vector<16xf32>
        %select_n3A_517 = arith.select %gt3A_516, %gather3A_515, %select_n3A_458 : vector<16xi1>, vector<16xf32>
        %select_n3A_518 = arith.select %gt3A_516, %add3A_490, %select_n3A_459 : vector<16xi1>, vector<16xi32>
        %add3A_519 = arith.constant 1 : i32
        %add3A_520 = vector.broadcast %add3A_519 : i32 to vector<16xi32>
        %add3A_521 = arith.addi %add3A_462, %add3A_520 : vector<16xi32>
        %gather3A_522 = tpu.vector_load_idx %arg7[%add3A_521] : memref<32768xf32, #tpu.memory_space<vmem>>[vector<16xi32>], vector<16xf32>,
        %gt3A_523 = arith.cmpf ogt, %gather3A_522, %select_n3A_465 : vector<16xf32>
        %select_n3A_524 = arith.select %gt3A_523, %gather3A_522, %select_n3A_465 : vector<16xi1>, vector<16xf32>
        %select_n3A_525 = arith.select %gt3A_523, %add3A_490, %select_n3A_466 : vector<16xi1>, vector<16xi32>
        %add3A_526 = arith.constant 1 : i32
        %add3A_527 = vector.broadcast %add3A_526 : i32 to vector<16xi32>
        %add3A_528 = arith.addi %add3A_469, %add3A_527 : vector<16xi32>
        %gather3A_529 = tpu.vector_load_idx %arg7[%add3A_528] : memref<32768xf32, #tpu.memory_space<vmem>>[vector<16xi32>], vector<16xf32>,
        %gt3A_530 = arith.cmpf ogt, %gather3A_529, %select_n3A_472 : vector<16xf32>
        %select_n3A_531 = arith.select %gt3A_530, %gather3A_529, %select_n3A_472 : vector<16xi1>, vector<16xf32>
        %select_n3A_532 = arith.select %gt3A_530, %add3A_490, %select_n3A_473 : vector<16xi1>, vector<16xi32>
        %add3A_533 = arith.constant 1 : i32
        %add3A_534 = vector.broadcast %add3A_533 : i32 to vector<16xi32>
        %add3A_535 = arith.addi %add3A_476, %add3A_534 : vector<16xi32>
        %gather3A_536 = tpu.vector_load_idx %arg7[%add3A_535] : memref<32768xf32, #tpu.memory_space<vmem>>[vector<16xi32>], vector<16xf32>,
        %gt3A_537 = arith.cmpf ogt, %gather3A_536, %select_n3A_479 : vector<16xf32>
        %select_n3A_538 = arith.select %gt3A_537, %gather3A_536, %select_n3A_479 : vector<16xi1>, vector<16xf32>
        %select_n3A_539 = arith.select %gt3A_537, %add3A_490, %select_n3A_480 : vector<16xi1>, vector<16xi32>
        %add3A_540 = arith.constant 1 : i32
        %add3A_541 = vector.broadcast %add3A_540 : i32 to vector<16xi32>
        %add3A_542 = arith.addi %add3A_483, %add3A_541 : vector<16xi32>
        %gather3A_543 = tpu.vector_load_idx %arg7[%add3A_542] : memref<32768xf32, #tpu.memory_space<vmem>>[vector<16xi32>], vector<16xf32>,
        %gt3A_544 = arith.cmpf ogt, %gather3A_543, %select_n3A_486 : vector<16xf32>
        %select_n3A_545 = arith.select %gt3A_544, %gather3A_543, %select_n3A_486 : vector<16xi1>, vector<16xf32>
        %select_n3A_546 = arith.select %gt3A_544, %add3A_490, %select_n3A_487 : vector<16xi1>, vector<16xi32>
        %add3A_547 = arith.constant 1 : i32
        %add3A_548 = vector.broadcast %add3A_547 : i32 to vector<16xi32>
        %add3A_549 = arith.addi %add3A_490, %add3A_548 : vector<16xi32>
        %add3A_550 = arith.constant 1 : i32
        %add3A_551 = vector.broadcast %add3A_550 : i32 to vector<16xi32>
        %add3A_552 = arith.addi %add3A_493, %add3A_551 : vector<16xi32>
        %gather3A_553 = tpu.vector_load_idx %arg7[%add3A_552] : memref<32768xf32, #tpu.memory_space<vmem>>[vector<16xi32>], vector<16xf32>,
        %gt3A_554 = arith.cmpf ogt, %gather3A_553, %select_n3A_496 : vector<16xf32>
        %select_n3A_555 = arith.select %gt3A_554, %gather3A_553, %select_n3A_496 : vector<16xi1>, vector<16xf32>
        %select_n3A_556 = arith.select %gt3A_554, %add3A_549, %select_n3A_497 : vector<16xi1>, vector<16xi32>
        %add3A_557 = arith.constant 1 : i32
        %add3A_558 = vector.broadcast %add3A_557 : i32 to vector<16xi32>
        %add3A_559 = arith.addi %add3A_500, %add3A_558 : vector<16xi32>
        %gather3A_560 = tpu.vector_load_idx %arg7[%add3A_559] : memref<32768xf32, #tpu.memory_space<vmem>>[vector<16xi32>], vector<16xf32>,
        %gt3A_561 = arith.cmpf ogt, %gather3A_560, %select_n3A_503 : vector<16xf32>
        %select_n3A_562 = arith.select %gt3A_561, %gather3A_560, %select_n3A_503 : vector<16xi1>, vector<16xf32>
        %select_n3A_563 = arith.select %gt3A_561, %add3A_549, %select_n3A_504 : vector<16xi1>, vector<16xi32>
        %add3A_564 = arith.constant 1 : i32
        %add3A_565 = vector.broadcast %add3A_564 : i32 to vector<16xi32>
        %add3A_566 = arith.addi %add3A_507, %add3A_565 : vector<16xi32>
        %gather3A_567 = tpu.vector_load_idx %arg7[%add3A_566] : memref<32768xf32, #tpu.memory_space<vmem>>[vector<16xi32>], vector<16xf32>,
        %gt3A_568 = arith.cmpf ogt, %gather3A_567, %select_n3A_510 : vector<16xf32>
        %select_n3A_569 = arith.select %gt3A_568, %gather3A_567, %select_n3A_510 : vector<16xi1>, vector<16xf32>
        %select_n3A_570 = arith.select %gt3A_568, %add3A_549, %select_n3A_511 : vector<16xi1>, vector<16xi32>
        %add3A_571 = arith.constant 1 : i32
        %add3A_572 = vector.broadcast %add3A_571 : i32 to vector<16xi32>
        %add3A_573 = arith.addi %add3A_514, %add3A_572 : vector<16xi32>
        %gather3A_574 = tpu.vector_load_idx %arg7[%add3A_573] : memref<32768xf32, #tpu.memory_space<vmem>>[vector<16xi32>], vector<16xf32>,
        %gt3A_575 = arith.cmpf ogt, %gather3A_574, %select_n3A_517 : vector<16xf32>
        %select_n3A_576 = arith.select %gt3A_575, %gather3A_574, %select_n3A_517 : vector<16xi1>, vector<16xf32>
        %select_n3A_577 = arith.select %gt3A_575, %add3A_549, %select_n3A_518 : vector<16xi1>, vector<16xi32>
        %add3A_578 = arith.constant 1 : i32
        %add3A_579 = vector.broadcast %add3A_578 : i32 to vector<16xi32>
        %add3A_580 = arith.addi %add3A_521, %add3A_579 : vector<16xi32>
        %gather3A_581 = tpu.vector_load_idx %arg7[%add3A_580] : memref<32768xf32, #tpu.memory_space<vmem>>[vector<16xi32>], vector<16xf32>,
        %gt3A_582 = arith.cmpf ogt, %gather3A_581, %select_n3A_524 : vector<16xf32>
        %select_n3A_583 = arith.select %gt3A_582, %gather3A_581, %select_n3A_524 : vector<16xi1>, vector<16xf32>
        %select_n3A_584 = arith.select %gt3A_582, %add3A_549, %select_n3A_525 : vector<16xi1>, vector<16xi32>
        %add3A_585 = arith.constant 1 : i32
        %add3A_586 = vector.broadcast %add3A_585 : i32 to vector<16xi32>
        %add3A_587 = arith.addi %add3A_528, %add3A_586 : vector<16xi32>
        %gather3A_588 = tpu.vector_load_idx %arg7[%add3A_587] : memref<32768xf32, #tpu.memory_space<vmem>>[vector<16xi32>], vector<16xf32>,
        %gt3A_589 = arith.cmpf ogt, %gather3A_588, %select_n3A_531 : vector<16xf32>
        %select_n3A_590 = arith.select %gt3A_589, %gather3A_588, %select_n3A_531 : vector<16xi1>, vector<16xf32>
        %select_n3A_591 = arith.select %gt3A_589, %add3A_549, %select_n3A_532 : vector<16xi1>, vector<16xi32>
        %add3A_592 = arith.constant 1 : i32
        %add3A_593 = vector.broadcast %add3A_592 : i32 to vector<16xi32>
        %add3A_594 = arith.addi %add3A_535, %add3A_593 : vector<16xi32>
        %gather3A_595 = tpu.vector_load_idx %arg7[%add3A_594] : memref<32768xf32, #tpu.memory_space<vmem>>[vector<16xi32>], vector<16xf32>,
        %gt3A_596 = arith.cmpf ogt, %gather3A_595, %select_n3A_538 : vector<16xf32>
        %select_n3A_597 = arith.select %gt3A_596, %gather3A_595, %select_n3A_538 : vector<16xi1>, vector<16xf32>
        %select_n3A_598 = arith.select %gt3A_596, %add3A_549, %select_n3A_539 : vector<16xi1>, vector<16xi32>
        %add3A_599 = arith.constant 1 : i32
        %add3A_600 = vector.broadcast %add3A_599 : i32 to vector<16xi32>
        %add3A_601 = arith.addi %add3A_542, %add3A_600 : vector<16xi32>
        %gather3A_602 = tpu.vector_load_idx %arg7[%add3A_601] : memref<32768xf32, #tpu.memory_space<vmem>>[vector<16xi32>], vector<16xf32>,
        %gt3A_603 = arith.cmpf ogt, %gather3A_602, %select_n3A_545 : vector<16xf32>
        %select_n3A_604 = arith.select %gt3A_603, %gather3A_602, %select_n3A_545 : vector<16xi1>, vector<16xf32>
        %select_n3A_605 = arith.select %gt3A_603, %add3A_549, %select_n3A_546 : vector<16xi1>, vector<16xi32>
        %add3A_606 = arith.constant 1 : i32
        %add3A_607 = vector.broadcast %add3A_606 : i32 to vector<16xi32>
        %add3A_608 = arith.addi %add3A_549, %add3A_607 : vector<16xi32>
        %add3A_609 = arith.constant 1 : i32
        %add3A_610 = vector.broadcast %add3A_609 : i32 to vector<16xi32>
        %add3A_611 = arith.addi %add3A_552, %add3A_610 : vector<16xi32>
        %gather3A_612 = tpu.vector_load_idx %arg7[%add3A_611] : memref<32768xf32, #tpu.memory_space<vmem>>[vector<16xi32>], vector<16xf32>,
        %gt3A_613 = arith.cmpf ogt, %gather3A_612, %select_n3A_555 : vector<16xf32>
        %select_n3A_614 = arith.select %gt3A_613, %gather3A_612, %select_n3A_555 : vector<16xi1>, vector<16xf32>
        %select_n3A_615 = arith.select %gt3A_613, %add3A_608, %select_n3A_556 : vector<16xi1>, vector<16xi32>
        %add3A_616 = arith.constant 1 : i32
        %add3A_617 = vector.broadcast %add3A_616 : i32 to vector<16xi32>
        %add3A_618 = arith.addi %add3A_559, %add3A_617 : vector<16xi32>
        %gather3A_619 = tpu.vector_load_idx %arg7[%add3A_618] : memref<32768xf32, #tpu.memory_space<vmem>>[vector<16xi32>], vector<16xf32>,
        %gt3A_620 = arith.cmpf ogt, %gather3A_619, %select_n3A_562 : vector<16xf32>
        %select_n3A_621 = arith.select %gt3A_620, %gather3A_619, %select_n3A_562 : vector<16xi1>, vector<16xf32>
        %select_n3A_622 = arith.select %gt3A_620, %add3A_608, %select_n3A_563 : vector<16xi1>, vector<16xi32>
        %add3A_623 = arith.constant 1 : i32
        %add3A_624 = vector.broadcast %add3A_623 : i32 to vector<16xi32>
        %add3A_625 = arith.addi %add3A_566, %add3A_624 : vector<16xi32>
        %gather3A_626 = tpu.vector_load_idx %arg7[%add3A_625] : memref<32768xf32, #tpu.memory_space<vmem>>[vector<16xi32>], vector<16xf32>,
        %gt3A_627 = arith.cmpf ogt, %gather3A_626, %select_n3A_569 : vector<16xf32>
        %select_n3A_628 = arith.select %gt3A_627, %gather3A_626, %select_n3A_569 : vector<16xi1>, vector<16xf32>
        %select_n3A_629 = arith.select %gt3A_627, %add3A_608, %select_n3A_570 : vector<16xi1>, vector<16xi32>
        %add3A_630 = arith.constant 1 : i32
        %add3A_631 = vector.broadcast %add3A_630 : i32 to vector<16xi32>
        %add3A_632 = arith.addi %add3A_573, %add3A_631 : vector<16xi32>
        %gather3A_633 = tpu.vector_load_idx %arg7[%add3A_632] : memref<32768xf32, #tpu.memory_space<vmem>>[vector<16xi32>], vector<16xf32>,
        %gt3A_634 = arith.cmpf ogt, %gather3A_633, %select_n3A_576 : vector<16xf32>
        %select_n3A_635 = arith.select %gt3A_634, %gather3A_633, %select_n3A_576 : vector<16xi1>, vector<16xf32>
        %select_n3A_636 = arith.select %gt3A_634, %add3A_608, %select_n3A_577 : vector<16xi1>, vector<16xi32>
        %add3A_637 = arith.constant 1 : i32
        %add3A_638 = vector.broadcast %add3A_637 : i32 to vector<16xi32>
        %add3A_639 = arith.addi %add3A_580, %add3A_638 : vector<16xi32>
        %gather3A_640 = tpu.vector_load_idx %arg7[%add3A_639] : memref<32768xf32, #tpu.memory_space<vmem>>[vector<16xi32>], vector<16xf32>,
        %gt3A_641 = arith.cmpf ogt, %gather3A_640, %select_n3A_583 : vector<16xf32>
        %select_n3A_642 = arith.select %gt3A_641, %gather3A_640, %select_n3A_583 : vector<16xi1>, vector<16xf32>
        %select_n3A_643 = arith.select %gt3A_641, %add3A_608, %select_n3A_584 : vector<16xi1>, vector<16xi32>
        %add3A_644 = arith.constant 1 : i32
        %add3A_645 = vector.broadcast %add3A_644 : i32 to vector<16xi32>
        %add3A_646 = arith.addi %add3A_587, %add3A_645 : vector<16xi32>
        %gather3A_647 = tpu.vector_load_idx %arg7[%add3A_646] : memref<32768xf32, #tpu.memory_space<vmem>>[vector<16xi32>], vector<16xf32>,
        %gt3A_648 = arith.cmpf ogt, %gather3A_647, %select_n3A_590 : vector<16xf32>
        %select_n3A_649 = arith.select %gt3A_648, %gather3A_647, %select_n3A_590 : vector<16xi1>, vector<16xf32>
        %select_n3A_650 = arith.select %gt3A_648, %add3A_608, %select_n3A_591 : vector<16xi1>, vector<16xi32>
        %add3A_651 = arith.constant 1 : i32
        %add3A_652 = vector.broadcast %add3A_651 : i32 to vector<16xi32>
        %add3A_653 = arith.addi %add3A_594, %add3A_652 : vector<16xi32>
        %gather3A_654 = tpu.vector_load_idx %arg7[%add3A_653] : memref<32768xf32, #tpu.memory_space<vmem>>[vector<16xi32>], vector<16xf32>,
        %gt3A_655 = arith.cmpf ogt, %gather3A_654, %select_n3A_597 : vector<16xf32>
        %select_n3A_656 = arith.select %gt3A_655, %gather3A_654, %select_n3A_597 : vector<16xi1>, vector<16xf32>
        %select_n3A_657 = arith.select %gt3A_655, %add3A_608, %select_n3A_598 : vector<16xi1>, vector<16xi32>
        %add3A_658 = arith.constant 1 : i32
        %add3A_659 = vector.broadcast %add3A_658 : i32 to vector<16xi32>
        %add3A_660 = arith.addi %add3A_601, %add3A_659 : vector<16xi32>
        %gather3A_661 = tpu.vector_load_idx %arg7[%add3A_660] : memref<32768xf32, #tpu.memory_space<vmem>>[vector<16xi32>], vector<16xf32>,
        %gt3A_662 = arith.cmpf ogt, %gather3A_661, %select_n3A_604 : vector<16xf32>
        %select_n3A_663 = arith.select %gt3A_662, %gather3A_661, %select_n3A_604 : vector<16xi1>, vector<16xf32>
        %select_n3A_664 = arith.select %gt3A_662, %add3A_608, %select_n3A_605 : vector<16xi1>, vector<16xi32>
        %add3A_665 = arith.constant 1 : i32
        %add3A_666 = vector.broadcast %add3A_665 : i32 to vector<16xi32>
        %add3A_667 = arith.addi %add3A_608, %add3A_666 : vector<16xi32>
        %add3A_668 = arith.constant 1 : i32
        %add3A_669 = vector.broadcast %add3A_668 : i32 to vector<16xi32>
        %add3A_670 = arith.addi %add3A_611, %add3A_669 : vector<16xi32>
        %gather3A_671 = tpu.vector_load_idx %arg7[%add3A_670] : memref<32768xf32, #tpu.memory_space<vmem>>[vector<16xi32>], vector<16xf32>,
        %gt3A_672 = arith.cmpf ogt, %gather3A_671, %select_n3A_614 : vector<16xf32>
        %select_n3A_673 = arith.select %gt3A_672, %gather3A_671, %select_n3A_614 : vector<16xi1>, vector<16xf32>
        %select_n3A_674 = arith.select %gt3A_672, %add3A_667, %select_n3A_615 : vector<16xi1>, vector<16xi32>
        %add3A_675 = arith.constant 1 : i32
        %add3A_676 = vector.broadcast %add3A_675 : i32 to vector<16xi32>
        %add3A_677 = arith.addi %add3A_618, %add3A_676 : vector<16xi32>
        %gather3A_678 = tpu.vector_load_idx %arg7[%add3A_677] : memref<32768xf32, #tpu.memory_space<vmem>>[vector<16xi32>], vector<16xf32>,
        %gt3A_679 = arith.cmpf ogt, %gather3A_678, %select_n3A_621 : vector<16xf32>
        %select_n3A_680 = arith.select %gt3A_679, %gather3A_678, %select_n3A_621 : vector<16xi1>, vector<16xf32>
        %select_n3A_681 = arith.select %gt3A_679, %add3A_667, %select_n3A_622 : vector<16xi1>, vector<16xi32>
        %add3A_682 = arith.constant 1 : i32
        %add3A_683 = vector.broadcast %add3A_682 : i32 to vector<16xi32>
        %add3A_684 = arith.addi %add3A_625, %add3A_683 : vector<16xi32>
        %gather3A_685 = tpu.vector_load_idx %arg7[%add3A_684] : memref<32768xf32, #tpu.memory_space<vmem>>[vector<16xi32>], vector<16xf32>,
        %gt3A_686 = arith.cmpf ogt, %gather3A_685, %select_n3A_628 : vector<16xf32>
        %select_n3A_687 = arith.select %gt3A_686, %gather3A_685, %select_n3A_628 : vector<16xi1>, vector<16xf32>
        %select_n3A_688 = arith.select %gt3A_686, %add3A_667, %select_n3A_629 : vector<16xi1>, vector<16xi32>
        %add3A_689 = arith.constant 1 : i32
        %add3A_690 = vector.broadcast %add3A_689 : i32 to vector<16xi32>
        %add3A_691 = arith.addi %add3A_632, %add3A_690 : vector<16xi32>
        %gather3A_692 = tpu.vector_load_idx %arg7[%add3A_691] : memref<32768xf32, #tpu.memory_space<vmem>>[vector<16xi32>], vector<16xf32>,
        %gt3A_693 = arith.cmpf ogt, %gather3A_692, %select_n3A_635 : vector<16xf32>
        %select_n3A_694 = arith.select %gt3A_693, %gather3A_692, %select_n3A_635 : vector<16xi1>, vector<16xf32>
        %select_n3A_695 = arith.select %gt3A_693, %add3A_667, %select_n3A_636 : vector<16xi1>, vector<16xi32>
        %add3A_696 = arith.constant 1 : i32
        %add3A_697 = vector.broadcast %add3A_696 : i32 to vector<16xi32>
        %add3A_698 = arith.addi %add3A_639, %add3A_697 : vector<16xi32>
        %gather3A_699 = tpu.vector_load_idx %arg7[%add3A_698] : memref<32768xf32, #tpu.memory_space<vmem>>[vector<16xi32>], vector<16xf32>,
        %gt3A_700 = arith.cmpf ogt, %gather3A_699, %select_n3A_642 : vector<16xf32>
        %select_n3A_701 = arith.select %gt3A_700, %gather3A_699, %select_n3A_642 : vector<16xi1>, vector<16xf32>
        %select_n3A_702 = arith.select %gt3A_700, %add3A_667, %select_n3A_643 : vector<16xi1>, vector<16xi32>
        %add3A_703 = arith.constant 1 : i32
        %add3A_704 = vector.broadcast %add3A_703 : i32 to vector<16xi32>
        %add3A_705 = arith.addi %add3A_646, %add3A_704 : vector<16xi32>
        %gather3A_706 = tpu.vector_load_idx %arg7[%add3A_705] : memref<32768xf32, #tpu.memory_space<vmem>>[vector<16xi32>], vector<16xf32>,
        %gt3A_707 = arith.cmpf ogt, %gather3A_706, %select_n3A_649 : vector<16xf32>
        %select_n3A_708 = arith.select %gt3A_707, %gather3A_706, %select_n3A_649 : vector<16xi1>, vector<16xf32>
        %select_n3A_709 = arith.select %gt3A_707, %add3A_667, %select_n3A_650 : vector<16xi1>, vector<16xi32>
        %add3A_710 = arith.constant 1 : i32
        %add3A_711 = vector.broadcast %add3A_710 : i32 to vector<16xi32>
        %add3A_712 = arith.addi %add3A_653, %add3A_711 : vector<16xi32>
        %gather3A_713 = tpu.vector_load_idx %arg7[%add3A_712] : memref<32768xf32, #tpu.memory_space<vmem>>[vector<16xi32>], vector<16xf32>,
        %gt3A_714 = arith.cmpf ogt, %gather3A_713, %select_n3A_656 : vector<16xf32>
        %select_n3A_715 = arith.select %gt3A_714, %gather3A_713, %select_n3A_656 : vector<16xi1>, vector<16xf32>
        %select_n3A_716 = arith.select %gt3A_714, %add3A_667, %select_n3A_657 : vector<16xi1>, vector<16xi32>
        %add3A_717 = arith.constant 1 : i32
        %add3A_718 = vector.broadcast %add3A_717 : i32 to vector<16xi32>
        %add3A_719 = arith.addi %add3A_660, %add3A_718 : vector<16xi32>
        %gather3A_720 = tpu.vector_load_idx %arg7[%add3A_719] : memref<32768xf32, #tpu.memory_space<vmem>>[vector<16xi32>], vector<16xf32>,
        %gt3A_721 = arith.cmpf ogt, %gather3A_720, %select_n3A_663 : vector<16xf32>
        %select_n3A_722 = arith.select %gt3A_721, %gather3A_720, %select_n3A_663 : vector<16xi1>, vector<16xf32>
        %select_n3A_723 = arith.select %gt3A_721, %add3A_667, %select_n3A_664 : vector<16xi1>, vector<16xi32>
        %add3A_724 = arith.constant 1 : i32
        %add3A_725 = vector.broadcast %add3A_724 : i32 to vector<16xi32>
        %add3A_726 = arith.addi %add3A_667, %add3A_725 : vector<16xi32>
        %add3A_727 = arith.constant 1 : i32
        %add3A_728 = vector.broadcast %add3A_727 : i32 to vector<16xi32>
        %add3A_729 = arith.addi %add3A_670, %add3A_728 : vector<16xi32>
        %gather3A_730 = tpu.vector_load_idx %arg7[%add3A_729] : memref<32768xf32, #tpu.memory_space<vmem>>[vector<16xi32>], vector<16xf32>,
        %gt3A_731 = arith.cmpf ogt, %gather3A_730, %select_n3A_673 : vector<16xf32>
        %select_n3A_732 = arith.select %gt3A_731, %gather3A_730, %select_n3A_673 : vector<16xi1>, vector<16xf32>
        %select_n3A_733 = arith.select %gt3A_731, %add3A_726, %select_n3A_674 : vector<16xi1>, vector<16xi32>
        %add3A_734 = arith.constant 1 : i32
        %add3A_735 = vector.broadcast %add3A_734 : i32 to vector<16xi32>
        %add3A_736 = arith.addi %add3A_677, %add3A_735 : vector<16xi32>
        %gather3A_737 = tpu.vector_load_idx %arg7[%add3A_736] : memref<32768xf32, #tpu.memory_space<vmem>>[vector<16xi32>], vector<16xf32>,
        %gt3A_738 = arith.cmpf ogt, %gather3A_737, %select_n3A_680 : vector<16xf32>
        %select_n3A_739 = arith.select %gt3A_738, %gather3A_737, %select_n3A_680 : vector<16xi1>, vector<16xf32>
        %select_n3A_740 = arith.select %gt3A_738, %add3A_726, %select_n3A_681 : vector<16xi1>, vector<16xi32>
        %add3A_741 = arith.constant 1 : i32
        %add3A_742 = vector.broadcast %add3A_741 : i32 to vector<16xi32>
        %add3A_743 = arith.addi %add3A_684, %add3A_742 : vector<16xi32>
        %gather3A_744 = tpu.vector_load_idx %arg7[%add3A_743] : memref<32768xf32, #tpu.memory_space<vmem>>[vector<16xi32>], vector<16xf32>,
        %gt3A_745 = arith.cmpf ogt, %gather3A_744, %select_n3A_687 : vector<16xf32>
        %select_n3A_746 = arith.select %gt3A_745, %gather3A_744, %select_n3A_687 : vector<16xi1>, vector<16xf32>
        %select_n3A_747 = arith.select %gt3A_745, %add3A_726, %select_n3A_688 : vector<16xi1>, vector<16xi32>
        %add3A_748 = arith.constant 1 : i32
        %add3A_749 = vector.broadcast %add3A_748 : i32 to vector<16xi32>
        %add3A_750 = arith.addi %add3A_691, %add3A_749 : vector<16xi32>
        %gather3A_751 = tpu.vector_load_idx %arg7[%add3A_750] : memref<32768xf32, #tpu.memory_space<vmem>>[vector<16xi32>], vector<16xf32>,
        %gt3A_752 = arith.cmpf ogt, %gather3A_751, %select_n3A_694 : vector<16xf32>
        %select_n3A_753 = arith.select %gt3A_752, %gather3A_751, %select_n3A_694 : vector<16xi1>, vector<16xf32>
        %select_n3A_754 = arith.select %gt3A_752, %add3A_726, %select_n3A_695 : vector<16xi1>, vector<16xi32>
        %add3A_755 = arith.constant 1 : i32
        %add3A_756 = vector.broadcast %add3A_755 : i32 to vector<16xi32>
        %add3A_757 = arith.addi %add3A_698, %add3A_756 : vector<16xi32>
        %gather3A_758 = tpu.vector_load_idx %arg7[%add3A_757] : memref<32768xf32, #tpu.memory_space<vmem>>[vector<16xi32>], vector<16xf32>,
        %gt3A_759 = arith.cmpf ogt, %gather3A_758, %select_n3A_701 : vector<16xf32>
        %select_n3A_760 = arith.select %gt3A_759, %gather3A_758, %select_n3A_701 : vector<16xi1>, vector<16xf32>
        %select_n3A_761 = arith.select %gt3A_759, %add3A_726, %select_n3A_702 : vector<16xi1>, vector<16xi32>
        %add3A_762 = arith.constant 1 : i32
        %add3A_763 = vector.broadcast %add3A_762 : i32 to vector<16xi32>
        %add3A_764 = arith.addi %add3A_705, %add3A_763 : vector<16xi32>
        %gather3A_765 = tpu.vector_load_idx %arg7[%add3A_764] : memref<32768xf32, #tpu.memory_space<vmem>>[vector<16xi32>], vector<16xf32>,
        %gt3A_766 = arith.cmpf ogt, %gather3A_765, %select_n3A_708 : vector<16xf32>
        %select_n3A_767 = arith.select %gt3A_766, %gather3A_765, %select_n3A_708 : vector<16xi1>, vector<16xf32>
        %select_n3A_768 = arith.select %gt3A_766, %add3A_726, %select_n3A_709 : vector<16xi1>, vector<16xi32>
        %add3A_769 = arith.constant 1 : i32
        %add3A_770 = vector.broadcast %add3A_769 : i32 to vector<16xi32>
        %add3A_771 = arith.addi %add3A_712, %add3A_770 : vector<16xi32>
        %gather3A_772 = tpu.vector_load_idx %arg7[%add3A_771] : memref<32768xf32, #tpu.memory_space<vmem>>[vector<16xi32>], vector<16xf32>,
        %gt3A_773 = arith.cmpf ogt, %gather3A_772, %select_n3A_715 : vector<16xf32>
        %select_n3A_774 = arith.select %gt3A_773, %gather3A_772, %select_n3A_715 : vector<16xi1>, vector<16xf32>
        %select_n3A_775 = arith.select %gt3A_773, %add3A_726, %select_n3A_716 : vector<16xi1>, vector<16xi32>
        %add3A_776 = arith.constant 1 : i32
        %add3A_777 = vector.broadcast %add3A_776 : i32 to vector<16xi32>
        %add3A_778 = arith.addi %add3A_719, %add3A_777 : vector<16xi32>
        %gather3A_779 = tpu.vector_load_idx %arg7[%add3A_778] : memref<32768xf32, #tpu.memory_space<vmem>>[vector<16xi32>], vector<16xf32>,
        %gt3A_780 = arith.cmpf ogt, %gather3A_779, %select_n3A_722 : vector<16xf32>
        %select_n3A_781 = arith.select %gt3A_780, %gather3A_779, %select_n3A_722 : vector<16xi1>, vector<16xf32>
        %select_n3A_782 = arith.select %gt3A_780, %add3A_726, %select_n3A_723 : vector<16xi1>, vector<16xi32>
        %add3A_783 = arith.constant 1 : i32
        %add3A_784 = vector.broadcast %add3A_783 : i32 to vector<16xi32>
        %add3A_785 = arith.addi %add3A_726, %add3A_784 : vector<16xi32>
        %add3A_786 = arith.constant 1 : i32
        %add3A_787 = vector.broadcast %add3A_786 : i32 to vector<16xi32>
        %add3A_788 = arith.addi %add3A_729, %add3A_787 : vector<16xi32>
        %gather3A_789 = tpu.vector_load_idx %arg7[%add3A_788] : memref<32768xf32, #tpu.memory_space<vmem>>[vector<16xi32>], vector<16xf32>,
        %gt3A_790 = arith.cmpf ogt, %gather3A_789, %select_n3A_732 : vector<16xf32>
        %select_n3A_791 = arith.select %gt3A_790, %gather3A_789, %select_n3A_732 : vector<16xi1>, vector<16xf32>
        %select_n3A_792 = arith.select %gt3A_790, %add3A_785, %select_n3A_733 : vector<16xi1>, vector<16xi32>
        %add3A_793 = arith.constant 1 : i32
        %add3A_794 = vector.broadcast %add3A_793 : i32 to vector<16xi32>
        %add3A_795 = arith.addi %add3A_736, %add3A_794 : vector<16xi32>
        %gather3A_796 = tpu.vector_load_idx %arg7[%add3A_795] : memref<32768xf32, #tpu.memory_space<vmem>>[vector<16xi32>], vector<16xf32>,
        %gt3A_797 = arith.cmpf ogt, %gather3A_796, %select_n3A_739 : vector<16xf32>
        %select_n3A_798 = arith.select %gt3A_797, %gather3A_796, %select_n3A_739 : vector<16xi1>, vector<16xf32>
        %select_n3A_799 = arith.select %gt3A_797, %add3A_785, %select_n3A_740 : vector<16xi1>, vector<16xi32>
        %add3A_800 = arith.constant 1 : i32
        %add3A_801 = vector.broadcast %add3A_800 : i32 to vector<16xi32>
        %add3A_802 = arith.addi %add3A_743, %add3A_801 : vector<16xi32>
        %gather3A_803 = tpu.vector_load_idx %arg7[%add3A_802] : memref<32768xf32, #tpu.memory_space<vmem>>[vector<16xi32>], vector<16xf32>,
        %gt3A_804 = arith.cmpf ogt, %gather3A_803, %select_n3A_746 : vector<16xf32>
        %select_n3A_805 = arith.select %gt3A_804, %gather3A_803, %select_n3A_746 : vector<16xi1>, vector<16xf32>
        %select_n3A_806 = arith.select %gt3A_804, %add3A_785, %select_n3A_747 : vector<16xi1>, vector<16xi32>
        %add3A_807 = arith.constant 1 : i32
        %add3A_808 = vector.broadcast %add3A_807 : i32 to vector<16xi32>
        %add3A_809 = arith.addi %add3A_750, %add3A_808 : vector<16xi32>
        %gather3A_810 = tpu.vector_load_idx %arg7[%add3A_809] : memref<32768xf32, #tpu.memory_space<vmem>>[vector<16xi32>], vector<16xf32>,
        %gt3A_811 = arith.cmpf ogt, %gather3A_810, %select_n3A_753 : vector<16xf32>
        %select_n3A_812 = arith.select %gt3A_811, %gather3A_810, %select_n3A_753 : vector<16xi1>, vector<16xf32>
        %select_n3A_813 = arith.select %gt3A_811, %add3A_785, %select_n3A_754 : vector<16xi1>, vector<16xi32>
        %add3A_814 = arith.constant 1 : i32
        %add3A_815 = vector.broadcast %add3A_814 : i32 to vector<16xi32>
        %add3A_816 = arith.addi %add3A_757, %add3A_815 : vector<16xi32>
        %gather3A_817 = tpu.vector_load_idx %arg7[%add3A_816] : memref<32768xf32, #tpu.memory_space<vmem>>[vector<16xi32>], vector<16xf32>,
        %gt3A_818 = arith.cmpf ogt, %gather3A_817, %select_n3A_760 : vector<16xf32>
        %select_n3A_819 = arith.select %gt3A_818, %gather3A_817, %select_n3A_760 : vector<16xi1>, vector<16xf32>
        %select_n3A_820 = arith.select %gt3A_818, %add3A_785, %select_n3A_761 : vector<16xi1>, vector<16xi32>
        %add3A_821 = arith.constant 1 : i32
        %add3A_822 = vector.broadcast %add3A_821 : i32 to vector<16xi32>
        %add3A_823 = arith.addi %add3A_764, %add3A_822 : vector<16xi32>
        %gather3A_824 = tpu.vector_load_idx %arg7[%add3A_823] : memref<32768xf32, #tpu.memory_space<vmem>>[vector<16xi32>], vector<16xf32>,
        %gt3A_825 = arith.cmpf ogt, %gather3A_824, %select_n3A_767 : vector<16xf32>
        %select_n3A_826 = arith.select %gt3A_825, %gather3A_824, %select_n3A_767 : vector<16xi1>, vector<16xf32>
        %select_n3A_827 = arith.select %gt3A_825, %add3A_785, %select_n3A_768 : vector<16xi1>, vector<16xi32>
        %add3A_828 = arith.constant 1 : i32
        %add3A_829 = vector.broadcast %add3A_828 : i32 to vector<16xi32>
        %add3A_830 = arith.addi %add3A_771, %add3A_829 : vector<16xi32>
        %gather3A_831 = tpu.vector_load_idx %arg7[%add3A_830] : memref<32768xf32, #tpu.memory_space<vmem>>[vector<16xi32>], vector<16xf32>,
        %gt3A_832 = arith.cmpf ogt, %gather3A_831, %select_n3A_774 : vector<16xf32>
        %select_n3A_833 = arith.select %gt3A_832, %gather3A_831, %select_n3A_774 : vector<16xi1>, vector<16xf32>
        %select_n3A_834 = arith.select %gt3A_832, %add3A_785, %select_n3A_775 : vector<16xi1>, vector<16xi32>
        %add3A_835 = arith.constant 1 : i32
        %add3A_836 = vector.broadcast %add3A_835 : i32 to vector<16xi32>
        %add3A_837 = arith.addi %add3A_778, %add3A_836 : vector<16xi32>
        %gather3A_838 = tpu.vector_load_idx %arg7[%add3A_837] : memref<32768xf32, #tpu.memory_space<vmem>>[vector<16xi32>], vector<16xf32>,
        %gt3A_839 = arith.cmpf ogt, %gather3A_838, %select_n3A_781 : vector<16xf32>
        %select_n3A_840 = arith.select %gt3A_839, %gather3A_838, %select_n3A_781 : vector<16xi1>, vector<16xf32>
        %select_n3A_841 = arith.select %gt3A_839, %add3A_785, %select_n3A_782 : vector<16xi1>, vector<16xi32>
        %add3A_842 = arith.constant 1 : i32
        %add3A_843 = vector.broadcast %add3A_842 : i32 to vector<16xi32>
        %add3A_844 = arith.addi %add3A_785, %add3A_843 : vector<16xi32>
        %add3A_845 = arith.constant 1 : i32
        %add3A_846 = vector.broadcast %add3A_845 : i32 to vector<16xi32>
        %add3A_847 = arith.addi %add3A_788, %add3A_846 : vector<16xi32>
        %gather3A_848 = tpu.vector_load_idx %arg7[%add3A_847] : memref<32768xf32, #tpu.memory_space<vmem>>[vector<16xi32>], vector<16xf32>,
        %gt3A_849 = arith.cmpf ogt, %gather3A_848, %select_n3A_791 : vector<16xf32>
        %select_n3A_850 = arith.select %gt3A_849, %gather3A_848, %select_n3A_791 : vector<16xi1>, vector<16xf32>
        %select_n3A_851 = arith.select %gt3A_849, %add3A_844, %select_n3A_792 : vector<16xi1>, vector<16xi32>
        %add3A_852 = arith.constant 1 : i32
        %add3A_853 = vector.broadcast %add3A_852 : i32 to vector<16xi32>
        %add3A_854 = arith.addi %add3A_795, %add3A_853 : vector<16xi32>
        %gather3A_855 = tpu.vector_load_idx %arg7[%add3A_854] : memref<32768xf32, #tpu.memory_space<vmem>>[vector<16xi32>], vector<16xf32>,
        %gt3A_856 = arith.cmpf ogt, %gather3A_855, %select_n3A_798 : vector<16xf32>
        %select_n3A_857 = arith.select %gt3A_856, %gather3A_855, %select_n3A_798 : vector<16xi1>, vector<16xf32>
        %select_n3A_858 = arith.select %gt3A_856, %add3A_844, %select_n3A_799 : vector<16xi1>, vector<16xi32>
        %add3A_859 = arith.constant 1 : i32
        %add3A_860 = vector.broadcast %add3A_859 : i32 to vector<16xi32>
        %add3A_861 = arith.addi %add3A_802, %add3A_860 : vector<16xi32>
        %gather3A_862 = tpu.vector_load_idx %arg7[%add3A_861] : memref<32768xf32, #tpu.memory_space<vmem>>[vector<16xi32>], vector<16xf32>,
        %gt3A_863 = arith.cmpf ogt, %gather3A_862, %select_n3A_805 : vector<16xf32>
        %select_n3A_864 = arith.select %gt3A_863, %gather3A_862, %select_n3A_805 : vector<16xi1>, vector<16xf32>
        %select_n3A_865 = arith.select %gt3A_863, %add3A_844, %select_n3A_806 : vector<16xi1>, vector<16xi32>
        %add3A_866 = arith.constant 1 : i32
        %add3A_867 = vector.broadcast %add3A_866 : i32 to vector<16xi32>
        %add3A_868 = arith.addi %add3A_809, %add3A_867 : vector<16xi32>
        %gather3A_869 = tpu.vector_load_idx %arg7[%add3A_868] : memref<32768xf32, #tpu.memory_space<vmem>>[vector<16xi32>], vector<16xf32>,
        %gt3A_870 = arith.cmpf ogt, %gather3A_869, %select_n3A_812 : vector<16xf32>
        %select_n3A_871 = arith.select %gt3A_870, %gather3A_869, %select_n3A_812 : vector<16xi1>, vector<16xf32>
        %select_n3A_872 = arith.select %gt3A_870, %add3A_844, %select_n3A_813 : vector<16xi1>, vector<16xi32>
        %add3A_873 = arith.constant 1 : i32
        %add3A_874 = vector.broadcast %add3A_873 : i32 to vector<16xi32>
        %add3A_875 = arith.addi %add3A_816, %add3A_874 : vector<16xi32>
        %gather3A_876 = tpu.vector_load_idx %arg7[%add3A_875] : memref<32768xf32, #tpu.memory_space<vmem>>[vector<16xi32>], vector<16xf32>,
        %gt3A_877 = arith.cmpf ogt, %gather3A_876, %select_n3A_819 : vector<16xf32>
        %select_n3A_878 = arith.select %gt3A_877, %gather3A_876, %select_n3A_819 : vector<16xi1>, vector<16xf32>
        %select_n3A_879 = arith.select %gt3A_877, %add3A_844, %select_n3A_820 : vector<16xi1>, vector<16xi32>
        %add3A_880 = arith.constant 1 : i32
        %add3A_881 = vector.broadcast %add3A_880 : i32 to vector<16xi32>
        %add3A_882 = arith.addi %add3A_823, %add3A_881 : vector<16xi32>
        %gather3A_883 = tpu.vector_load_idx %arg7[%add3A_882] : memref<32768xf32, #tpu.memory_space<vmem>>[vector<16xi32>], vector<16xf32>,
        %gt3A_884 = arith.cmpf ogt, %gather3A_883, %select_n3A_826 : vector<16xf32>
        %select_n3A_885 = arith.select %gt3A_884, %gather3A_883, %select_n3A_826 : vector<16xi1>, vector<16xf32>
        %select_n3A_886 = arith.select %gt3A_884, %add3A_844, %select_n3A_827 : vector<16xi1>, vector<16xi32>
        %add3A_887 = arith.constant 1 : i32
        %add3A_888 = vector.broadcast %add3A_887 : i32 to vector<16xi32>
        %add3A_889 = arith.addi %add3A_830, %add3A_888 : vector<16xi32>
        %gather3A_890 = tpu.vector_load_idx %arg7[%add3A_889] : memref<32768xf32, #tpu.memory_space<vmem>>[vector<16xi32>], vector<16xf32>,
        %gt3A_891 = arith.cmpf ogt, %gather3A_890, %select_n3A_833 : vector<16xf32>
        %select_n3A_892 = arith.select %gt3A_891, %gather3A_890, %select_n3A_833 : vector<16xi1>, vector<16xf32>
        %select_n3A_893 = arith.select %gt3A_891, %add3A_844, %select_n3A_834 : vector<16xi1>, vector<16xi32>
        %add3A_894 = arith.constant 1 : i32
        %add3A_895 = vector.broadcast %add3A_894 : i32 to vector<16xi32>
        %add3A_896 = arith.addi %add3A_837, %add3A_895 : vector<16xi32>
        %gather3A_897 = tpu.vector_load_idx %arg7[%add3A_896] : memref<32768xf32, #tpu.memory_space<vmem>>[vector<16xi32>], vector<16xf32>,
        %gt3A_898 = arith.cmpf ogt, %gather3A_897, %select_n3A_840 : vector<16xf32>
        %select_n3A_899 = arith.select %gt3A_898, %gather3A_897, %select_n3A_840 : vector<16xi1>, vector<16xf32>
        %select_n3A_900 = arith.select %gt3A_898, %add3A_844, %select_n3A_841 : vector<16xi1>, vector<16xi32>
        %add3A_901 = arith.constant 1 : i32
        %add3A_902 = vector.broadcast %add3A_901 : i32 to vector<16xi32>
        %add3A_903 = arith.addi %add3A_844, %add3A_902 : vector<16xi32>
        %add3A_904 = arith.constant 1 : i32
        %add3A_905 = vector.broadcast %add3A_904 : i32 to vector<16xi32>
        %add3A_906 = arith.addi %add3A_847, %add3A_905 : vector<16xi32>
        %gather3A_907 = tpu.vector_load_idx %arg7[%add3A_906] : memref<32768xf32, #tpu.memory_space<vmem>>[vector<16xi32>], vector<16xf32>,
        %gt3A_908 = arith.cmpf ogt, %gather3A_907, %select_n3A_850 : vector<16xf32>
        %select_n3A_909 = arith.select %gt3A_908, %gather3A_907, %select_n3A_850 : vector<16xi1>, vector<16xf32>
        %select_n3A_910 = arith.select %gt3A_908, %add3A_903, %select_n3A_851 : vector<16xi1>, vector<16xi32>
        %add3A_911 = arith.constant 1 : i32
        %add3A_912 = vector.broadcast %add3A_911 : i32 to vector<16xi32>
        %add3A_913 = arith.addi %add3A_854, %add3A_912 : vector<16xi32>
        %gather3A_914 = tpu.vector_load_idx %arg7[%add3A_913] : memref<32768xf32, #tpu.memory_space<vmem>>[vector<16xi32>], vector<16xf32>,
        %gt3A_915 = arith.cmpf ogt, %gather3A_914, %select_n3A_857 : vector<16xf32>
        %select_n3A_916 = arith.select %gt3A_915, %gather3A_914, %select_n3A_857 : vector<16xi1>, vector<16xf32>
        %select_n3A_917 = arith.select %gt3A_915, %add3A_903, %select_n3A_858 : vector<16xi1>, vector<16xi32>
        %add3A_918 = arith.constant 1 : i32
        %add3A_919 = vector.broadcast %add3A_918 : i32 to vector<16xi32>
        %add3A_920 = arith.addi %add3A_861, %add3A_919 : vector<16xi32>
        %gather3A_921 = tpu.vector_load_idx %arg7[%add3A_920] : memref<32768xf32, #tpu.memory_space<vmem>>[vector<16xi32>], vector<16xf32>,
        %gt3A_922 = arith.cmpf ogt, %gather3A_921, %select_n3A_864 : vector<16xf32>
        %select_n3A_923 = arith.select %gt3A_922, %gather3A_921, %select_n3A_864 : vector<16xi1>, vector<16xf32>
        %select_n3A_924 = arith.select %gt3A_922, %add3A_903, %select_n3A_865 : vector<16xi1>, vector<16xi32>
        %add3A_925 = arith.constant 1 : i32
        %add3A_926 = vector.broadcast %add3A_925 : i32 to vector<16xi32>
        %add3A_927 = arith.addi %add3A_868, %add3A_926 : vector<16xi32>
        %gather3A_928 = tpu.vector_load_idx %arg7[%add3A_927] : memref<32768xf32, #tpu.memory_space<vmem>>[vector<16xi32>], vector<16xf32>,
        %gt3A_929 = arith.cmpf ogt, %gather3A_928, %select_n3A_871 : vector<16xf32>
        %select_n3A_930 = arith.select %gt3A_929, %gather3A_928, %select_n3A_871 : vector<16xi1>, vector<16xf32>
        %select_n3A_931 = arith.select %gt3A_929, %add3A_903, %select_n3A_872 : vector<16xi1>, vector<16xi32>
        %add3A_932 = arith.constant 1 : i32
        %add3A_933 = vector.broadcast %add3A_932 : i32 to vector<16xi32>
        %add3A_934 = arith.addi %add3A_875, %add3A_933 : vector<16xi32>
        %gather3A_935 = tpu.vector_load_idx %arg7[%add3A_934] : memref<32768xf32, #tpu.memory_space<vmem>>[vector<16xi32>], vector<16xf32>,
        %gt3A_936 = arith.cmpf ogt, %gather3A_935, %select_n3A_878 : vector<16xf32>
        %select_n3A_937 = arith.select %gt3A_936, %gather3A_935, %select_n3A_878 : vector<16xi1>, vector<16xf32>
        %select_n3A_938 = arith.select %gt3A_936, %add3A_903, %select_n3A_879 : vector<16xi1>, vector<16xi32>
        %add3A_939 = arith.constant 1 : i32
        %add3A_940 = vector.broadcast %add3A_939 : i32 to vector<16xi32>
        %add3A_941 = arith.addi %add3A_882, %add3A_940 : vector<16xi32>
        %gather3A_942 = tpu.vector_load_idx %arg7[%add3A_941] : memref<32768xf32, #tpu.memory_space<vmem>>[vector<16xi32>], vector<16xf32>,
        %gt3A_943 = arith.cmpf ogt, %gather3A_942, %select_n3A_885 : vector<16xf32>
        %select_n3A_944 = arith.select %gt3A_943, %gather3A_942, %select_n3A_885 : vector<16xi1>, vector<16xf32>
        %select_n3A_945 = arith.select %gt3A_943, %add3A_903, %select_n3A_886 : vector<16xi1>, vector<16xi32>
        %add3A_946 = arith.constant 1 : i32
        %add3A_947 = vector.broadcast %add3A_946 : i32 to vector<16xi32>
        %add3A_948 = arith.addi %add3A_889, %add3A_947 : vector<16xi32>
        %gather3A_949 = tpu.vector_load_idx %arg7[%add3A_948] : memref<32768xf32, #tpu.memory_space<vmem>>[vector<16xi32>], vector<16xf32>,
        %gt3A_950 = arith.cmpf ogt, %gather3A_949, %select_n3A_892 : vector<16xf32>
        %select_n3A_951 = arith.select %gt3A_950, %gather3A_949, %select_n3A_892 : vector<16xi1>, vector<16xf32>
        %select_n3A_952 = arith.select %gt3A_950, %add3A_903, %select_n3A_893 : vector<16xi1>, vector<16xi32>
        %add3A_953 = arith.constant 1 : i32
        %add3A_954 = vector.broadcast %add3A_953 : i32 to vector<16xi32>
        %add3A_955 = arith.addi %add3A_896, %add3A_954 : vector<16xi32>
        %gather3A_956 = tpu.vector_load_idx %arg7[%add3A_955] : memref<32768xf32, #tpu.memory_space<vmem>>[vector<16xi32>], vector<16xf32>,
        %gt3A_957 = arith.cmpf ogt, %gather3A_956, %select_n3A_899 : vector<16xf32>
        %select_n3A_958 = arith.select %gt3A_957, %gather3A_956, %select_n3A_899 : vector<16xi1>, vector<16xf32>
        %select_n3A_959 = arith.select %gt3A_957, %add3A_903, %select_n3A_900 : vector<16xi1>, vector<16xi32>
        %add3A_960 = arith.constant 1 : i32
        %add3A_961 = vector.broadcast %add3A_960 : i32 to vector<16xi32>
        %add3A_962 = arith.addi %add3A_903, %add3A_961 : vector<16xi32>
        %add3A_963 = arith.constant 1 : i32
        %add3A_964 = vector.broadcast %add3A_963 : i32 to vector<16xi32>
        %add3A_965 = arith.addi %add3A_906, %add3A_964 : vector<16xi32>
        %gather3A_966 = tpu.vector_load_idx %arg7[%add3A_965] : memref<32768xf32, #tpu.memory_space<vmem>>[vector<16xi32>], vector<16xf32>,
        %gt3A_967 = arith.cmpf ogt, %gather3A_966, %select_n3A_909 : vector<16xf32>
        %select_n3A_968 = arith.select %gt3A_967, %gather3A_966, %select_n3A_909 : vector<16xi1>, vector<16xf32>
        %select_n3A_969 = arith.select %gt3A_967, %add3A_962, %select_n3A_910 : vector<16xi1>, vector<16xi32>
        %add3A_970 = arith.constant 1 : i32
        %add3A_971 = vector.broadcast %add3A_970 : i32 to vector<16xi32>
        %add3A_972 = arith.addi %add3A_913, %add3A_971 : vector<16xi32>
        %gather3A_973 = tpu.vector_load_idx %arg7[%add3A_972] : memref<32768xf32, #tpu.memory_space<vmem>>[vector<16xi32>], vector<16xf32>,
        %gt3A_974 = arith.cmpf ogt, %gather3A_973, %select_n3A_916 : vector<16xf32>
        %select_n3A_975 = arith.select %gt3A_974, %gather3A_973, %select_n3A_916 : vector<16xi1>, vector<16xf32>
        %select_n3A_976 = arith.select %gt3A_974, %add3A_962, %select_n3A_917 : vector<16xi1>, vector<16xi32>
        %add3A_977 = arith.constant 1 : i32
        %add3A_978 = vector.broadcast %add3A_977 : i32 to vector<16xi32>
        %add3A_979 = arith.addi %add3A_920, %add3A_978 : vector<16xi32>
        %gather3A_980 = tpu.vector_load_idx %arg7[%add3A_979] : memref<32768xf32, #tpu.memory_space<vmem>>[vector<16xi32>], vector<16xf32>,
        %gt3A_981 = arith.cmpf ogt, %gather3A_980, %select_n3A_923 : vector<16xf32>
        %select_n3A_982 = arith.select %gt3A_981, %gather3A_980, %select_n3A_923 : vector<16xi1>, vector<16xf32>
        %select_n3A_983 = arith.select %gt3A_981, %add3A_962, %select_n3A_924 : vector<16xi1>, vector<16xi32>
        %add3A_984 = arith.constant 1 : i32
        %add3A_985 = vector.broadcast %add3A_984 : i32 to vector<16xi32>
        %add3A_986 = arith.addi %add3A_927, %add3A_985 : vector<16xi32>
        %gather3A_987 = tpu.vector_load_idx %arg7[%add3A_986] : memref<32768xf32, #tpu.memory_space<vmem>>[vector<16xi32>], vector<16xf32>,
        %gt3A_988 = arith.cmpf ogt, %gather3A_987, %select_n3A_930 : vector<16xf32>
        %select_n3A_989 = arith.select %gt3A_988, %gather3A_987, %select_n3A_930 : vector<16xi1>, vector<16xf32>
        %select_n3A_990 = arith.select %gt3A_988, %add3A_962, %select_n3A_931 : vector<16xi1>, vector<16xi32>
        %add3A_991 = arith.constant 1 : i32
        %add3A_992 = vector.broadcast %add3A_991 : i32 to vector<16xi32>
        %add3A_993 = arith.addi %add3A_934, %add3A_992 : vector<16xi32>
        %gather3A_994 = tpu.vector_load_idx %arg7[%add3A_993] : memref<32768xf32, #tpu.memory_space<vmem>>[vector<16xi32>], vector<16xf32>,
        %gt3A_995 = arith.cmpf ogt, %gather3A_994, %select_n3A_937 : vector<16xf32>
        %select_n3A_996 = arith.select %gt3A_995, %gather3A_994, %select_n3A_937 : vector<16xi1>, vector<16xf32>
        %select_n3A_997 = arith.select %gt3A_995, %add3A_962, %select_n3A_938 : vector<16xi1>, vector<16xi32>
        %add3A_998 = arith.constant 1 : i32
        %add3A_999 = vector.broadcast %add3A_998 : i32 to vector<16xi32>
        %add3A_1000 = arith.addi %add3A_941, %add3A_999 : vector<16xi32>
        %gather3A_1001 = tpu.vector_load_idx %arg7[%add3A_1000] : memref<32768xf32, #tpu.memory_space<vmem>>[vector<16xi32>], vector<16xf32>,
        %gt3A_1002 = arith.cmpf ogt, %gather3A_1001, %select_n3A_944 : vector<16xf32>
        %select_n3A_1003 = arith.select %gt3A_1002, %gather3A_1001, %select_n3A_944 : vector<16xi1>, vector<16xf32>
        %select_n3A_1004 = arith.select %gt3A_1002, %add3A_962, %select_n3A_945 : vector<16xi1>, vector<16xi32>
        %add3A_1005 = arith.constant 1 : i32
        %add3A_1006 = vector.broadcast %add3A_1005 : i32 to vector<16xi32>
        %add3A_1007 = arith.addi %add3A_948, %add3A_1006 : vector<16xi32>
        %gather3A_1008 = tpu.vector_load_idx %arg7[%add3A_1007] : memref<32768xf32, #tpu.memory_space<vmem>>[vector<16xi32>], vector<16xf32>,
        %gt3A_1009 = arith.cmpf ogt, %gather3A_1008, %select_n3A_951 : vector<16xf32>
        %select_n3A_1010 = arith.select %gt3A_1009, %gather3A_1008, %select_n3A_951 : vector<16xi1>, vector<16xf32>
        %select_n3A_1011 = arith.select %gt3A_1009, %add3A_962, %select_n3A_952 : vector<16xi1>, vector<16xi32>
        %add3A_1012 = arith.constant 1 : i32
        %add3A_1013 = vector.broadcast %add3A_1012 : i32 to vector<16xi32>
        %add3A_1014 = arith.addi %add3A_955, %add3A_1013 : vector<16xi32>
        %gather3A_1015 = tpu.vector_load_idx %arg7[%add3A_1014] : memref<32768xf32, #tpu.memory_space<vmem>>[vector<16xi32>], vector<16xf32>,
        %gt3A_1016 = arith.cmpf ogt, %gather3A_1015, %select_n3A_958 : vector<16xf32>
        %select_n3A_1017 = arith.select %gt3A_1016, %gather3A_1015, %select_n3A_958 : vector<16xi1>, vector<16xf32>
        %select_n3A_1018 = arith.select %gt3A_1016, %add3A_962, %select_n3A_959 : vector<16xi1>, vector<16xi32>
        %add3A_1019 = arith.constant 1 : i32
        %add3A_1020 = vector.broadcast %add3A_1019 : i32 to vector<16xi32>
        %add3A_1021 = arith.addi %add3A_962, %add3A_1020 : vector<16xi32>
        %add3A_1022 = arith.constant 1 : i32
        %add3A_1023 = vector.broadcast %add3A_1022 : i32 to vector<16xi32>
        %add3A_1024 = arith.addi %add3A_965, %add3A_1023 : vector<16xi32>
        %gather3A_1025 = tpu.vector_load_idx %arg7[%add3A_1024] : memref<32768xf32, #tpu.memory_space<vmem>>[vector<16xi32>], vector<16xf32>,
        %gt3A_1026 = arith.cmpf ogt, %gather3A_1025, %select_n3A_968 : vector<16xf32>
        %select_n3A_1027 = arith.select %gt3A_1026, %gather3A_1025, %select_n3A_968 : vector<16xi1>, vector<16xf32>
        %select_n3A_1028 = arith.select %gt3A_1026, %add3A_1021, %select_n3A_969 : vector<16xi1>, vector<16xi32>
        %add3A_1029 = arith.constant 1 : i32
        %add3A_1030 = vector.broadcast %add3A_1029 : i32 to vector<16xi32>
        %add3A_1031 = arith.addi %add3A_972, %add3A_1030 : vector<16xi32>
        %gather3A_1032 = tpu.vector_load_idx %arg7[%add3A_1031] : memref<32768xf32, #tpu.memory_space<vmem>>[vector<16xi32>], vector<16xf32>,
        %gt3A_1033 = arith.cmpf ogt, %gather3A_1032, %select_n3A_975 : vector<16xf32>
        %select_n3A_1034 = arith.select %gt3A_1033, %gather3A_1032, %select_n3A_975 : vector<16xi1>, vector<16xf32>
        %select_n3A_1035 = arith.select %gt3A_1033, %add3A_1021, %select_n3A_976 : vector<16xi1>, vector<16xi32>
        %add3A_1036 = arith.constant 1 : i32
        %add3A_1037 = vector.broadcast %add3A_1036 : i32 to vector<16xi32>
        %add3A_1038 = arith.addi %add3A_979, %add3A_1037 : vector<16xi32>
        %gather3A_1039 = tpu.vector_load_idx %arg7[%add3A_1038] : memref<32768xf32, #tpu.memory_space<vmem>>[vector<16xi32>], vector<16xf32>,
        %gt3A_1040 = arith.cmpf ogt, %gather3A_1039, %select_n3A_982 : vector<16xf32>
        %select_n3A_1041 = arith.select %gt3A_1040, %gather3A_1039, %select_n3A_982 : vector<16xi1>, vector<16xf32>
        %select_n3A_1042 = arith.select %gt3A_1040, %add3A_1021, %select_n3A_983 : vector<16xi1>, vector<16xi32>
        %add3A_1043 = arith.constant 1 : i32
        %add3A_1044 = vector.broadcast %add3A_1043 : i32 to vector<16xi32>
        %add3A_1045 = arith.addi %add3A_986, %add3A_1044 : vector<16xi32>
        %gather3A_1046 = tpu.vector_load_idx %arg7[%add3A_1045] : memref<32768xf32, #tpu.memory_space<vmem>>[vector<16xi32>], vector<16xf32>,
        %gt3A_1047 = arith.cmpf ogt, %gather3A_1046, %select_n3A_989 : vector<16xf32>
        %select_n3A_1048 = arith.select %gt3A_1047, %gather3A_1046, %select_n3A_989 : vector<16xi1>, vector<16xf32>
        %select_n3A_1049 = arith.select %gt3A_1047, %add3A_1021, %select_n3A_990 : vector<16xi1>, vector<16xi32>
        %add3A_1050 = arith.constant 1 : i32
        %add3A_1051 = vector.broadcast %add3A_1050 : i32 to vector<16xi32>
        %add3A_1052 = arith.addi %add3A_993, %add3A_1051 : vector<16xi32>
        %gather3A_1053 = tpu.vector_load_idx %arg7[%add3A_1052] : memref<32768xf32, #tpu.memory_space<vmem>>[vector<16xi32>], vector<16xf32>,
        %gt3A_1054 = arith.cmpf ogt, %gather3A_1053, %select_n3A_996 : vector<16xf32>
        %select_n3A_1055 = arith.select %gt3A_1054, %gather3A_1053, %select_n3A_996 : vector<16xi1>, vector<16xf32>
        %select_n3A_1056 = arith.select %gt3A_1054, %add3A_1021, %select_n3A_997 : vector<16xi1>, vector<16xi32>
        %add3A_1057 = arith.constant 1 : i32
        %add3A_1058 = vector.broadcast %add3A_1057 : i32 to vector<16xi32>
        %add3A_1059 = arith.addi %add3A_1000, %add3A_1058 : vector<16xi32>
        %gather3A_1060 = tpu.vector_load_idx %arg7[%add3A_1059] : memref<32768xf32, #tpu.memory_space<vmem>>[vector<16xi32>], vector<16xf32>,
        %gt3A_1061 = arith.cmpf ogt, %gather3A_1060, %select_n3A_1003 : vector<16xf32>
        %select_n3A_1062 = arith.select %gt3A_1061, %gather3A_1060, %select_n3A_1003 : vector<16xi1>, vector<16xf32>
        %select_n3A_1063 = arith.select %gt3A_1061, %add3A_1021, %select_n3A_1004 : vector<16xi1>, vector<16xi32>
        %add3A_1064 = arith.constant 1 : i32
        %add3A_1065 = vector.broadcast %add3A_1064 : i32 to vector<16xi32>
        %add3A_1066 = arith.addi %add3A_1007, %add3A_1065 : vector<16xi32>
        %gather3A_1067 = tpu.vector_load_idx %arg7[%add3A_1066] : memref<32768xf32, #tpu.memory_space<vmem>>[vector<16xi32>], vector<16xf32>,
        %gt3A_1068 = arith.cmpf ogt, %gather3A_1067, %select_n3A_1010 : vector<16xf32>
        %select_n3A_1069 = arith.select %gt3A_1068, %gather3A_1067, %select_n3A_1010 : vector<16xi1>, vector<16xf32>
        %select_n3A_1070 = arith.select %gt3A_1068, %add3A_1021, %select_n3A_1011 : vector<16xi1>, vector<16xi32>
        %add3A_1071 = arith.constant 1 : i32
        %add3A_1072 = vector.broadcast %add3A_1071 : i32 to vector<16xi32>
        %add3A_1073 = arith.addi %add3A_1014, %add3A_1072 : vector<16xi32>
        %gather3A_1074 = tpu.vector_load_idx %arg7[%add3A_1073] : memref<32768xf32, #tpu.memory_space<vmem>>[vector<16xi32>], vector<16xf32>,
        %gt3A_1075 = arith.cmpf ogt, %gather3A_1074, %select_n3A_1017 : vector<16xf32>
        %select_n3A_1076 = arith.select %gt3A_1075, %gather3A_1074, %select_n3A_1017 : vector<16xi1>, vector<16xf32>
        %select_n3A_1077 = arith.select %gt3A_1075, %add3A_1021, %select_n3A_1018 : vector<16xi1>, vector<16xi32>
        %add3A_1078 = arith.constant 1 : i32
        %add3A_1079 = vector.broadcast %add3A_1078 : i32 to vector<16xi32>
        %add3A_1080 = arith.addi %add3A_1021, %add3A_1079 : vector<16xi32>
        %add3A_1081 = arith.constant 1 : i32
        %add3A_1082 = vector.broadcast %add3A_1081 : i32 to vector<16xi32>
        %add3A_1083 = arith.addi %add3A_1024, %add3A_1082 : vector<16xi32>
        %gather3A_1084 = tpu.vector_load_idx %arg7[%add3A_1083] : memref<32768xf32, #tpu.memory_space<vmem>>[vector<16xi32>], vector<16xf32>,
        %gt3A_1085 = arith.cmpf ogt, %gather3A_1084, %select_n3A_1027 : vector<16xf32>
        %select_n3A_1086 = arith.select %gt3A_1085, %gather3A_1084, %select_n3A_1027 : vector<16xi1>, vector<16xf32>
        %select_n3A_1087 = arith.select %gt3A_1085, %add3A_1080, %select_n3A_1028 : vector<16xi1>, vector<16xi32>
        %add3A_1088 = arith.constant 1 : i32
        %add3A_1089 = vector.broadcast %add3A_1088 : i32 to vector<16xi32>
        %add3A_1090 = arith.addi %add3A_1031, %add3A_1089 : vector<16xi32>
        %gather3A_1091 = tpu.vector_load_idx %arg7[%add3A_1090] : memref<32768xf32, #tpu.memory_space<vmem>>[vector<16xi32>], vector<16xf32>,
        %gt3A_1092 = arith.cmpf ogt, %gather3A_1091, %select_n3A_1034 : vector<16xf32>
        %select_n3A_1093 = arith.select %gt3A_1092, %gather3A_1091, %select_n3A_1034 : vector<16xi1>, vector<16xf32>
        %select_n3A_1094 = arith.select %gt3A_1092, %add3A_1080, %select_n3A_1035 : vector<16xi1>, vector<16xi32>
        %add3A_1095 = arith.constant 1 : i32
        %add3A_1096 = vector.broadcast %add3A_1095 : i32 to vector<16xi32>
        %add3A_1097 = arith.addi %add3A_1038, %add3A_1096 : vector<16xi32>
        %gather3A_1098 = tpu.vector_load_idx %arg7[%add3A_1097] : memref<32768xf32, #tpu.memory_space<vmem>>[vector<16xi32>], vector<16xf32>,
        %gt3A_1099 = arith.cmpf ogt, %gather3A_1098, %select_n3A_1041 : vector<16xf32>
        %select_n3A_1100 = arith.select %gt3A_1099, %gather3A_1098, %select_n3A_1041 : vector<16xi1>, vector<16xf32>
        %select_n3A_1101 = arith.select %gt3A_1099, %add3A_1080, %select_n3A_1042 : vector<16xi1>, vector<16xi32>
        %add3A_1102 = arith.constant 1 : i32
        %add3A_1103 = vector.broadcast %add3A_1102 : i32 to vector<16xi32>
        %add3A_1104 = arith.addi %add3A_1045, %add3A_1103 : vector<16xi32>
        %gather3A_1105 = tpu.vector_load_idx %arg7[%add3A_1104] : memref<32768xf32, #tpu.memory_space<vmem>>[vector<16xi32>], vector<16xf32>,
        %gt3A_1106 = arith.cmpf ogt, %gather3A_1105, %select_n3A_1048 : vector<16xf32>
        %select_n3A_1107 = arith.select %gt3A_1106, %gather3A_1105, %select_n3A_1048 : vector<16xi1>, vector<16xf32>
        %select_n3A_1108 = arith.select %gt3A_1106, %add3A_1080, %select_n3A_1049 : vector<16xi1>, vector<16xi32>
        %add3A_1109 = arith.constant 1 : i32
        %add3A_1110 = vector.broadcast %add3A_1109 : i32 to vector<16xi32>
        %add3A_1111 = arith.addi %add3A_1052, %add3A_1110 : vector<16xi32>
        %gather3A_1112 = tpu.vector_load_idx %arg7[%add3A_1111] : memref<32768xf32, #tpu.memory_space<vmem>>[vector<16xi32>], vector<16xf32>,
        %gt3A_1113 = arith.cmpf ogt, %gather3A_1112, %select_n3A_1055 : vector<16xf32>
        %select_n3A_1114 = arith.select %gt3A_1113, %gather3A_1112, %select_n3A_1055 : vector<16xi1>, vector<16xf32>
        %select_n3A_1115 = arith.select %gt3A_1113, %add3A_1080, %select_n3A_1056 : vector<16xi1>, vector<16xi32>
        %add3A_1116 = arith.constant 1 : i32
        %add3A_1117 = vector.broadcast %add3A_1116 : i32 to vector<16xi32>
        %add3A_1118 = arith.addi %add3A_1059, %add3A_1117 : vector<16xi32>
        %gather3A_1119 = tpu.vector_load_idx %arg7[%add3A_1118] : memref<32768xf32, #tpu.memory_space<vmem>>[vector<16xi32>], vector<16xf32>,
        %gt3A_1120 = arith.cmpf ogt, %gather3A_1119, %select_n3A_1062 : vector<16xf32>
        %select_n3A_1121 = arith.select %gt3A_1120, %gather3A_1119, %select_n3A_1062 : vector<16xi1>, vector<16xf32>
        %select_n3A_1122 = arith.select %gt3A_1120, %add3A_1080, %select_n3A_1063 : vector<16xi1>, vector<16xi32>
        %add3A_1123 = arith.constant 1 : i32
        %add3A_1124 = vector.broadcast %add3A_1123 : i32 to vector<16xi32>
        %add3A_1125 = arith.addi %add3A_1066, %add3A_1124 : vector<16xi32>
        %gather3A_1126 = tpu.vector_load_idx %arg7[%add3A_1125] : memref<32768xf32, #tpu.memory_space<vmem>>[vector<16xi32>], vector<16xf32>,
        %gt3A_1127 = arith.cmpf ogt, %gather3A_1126, %select_n3A_1069 : vector<16xf32>
        %select_n3A_1128 = arith.select %gt3A_1127, %gather3A_1126, %select_n3A_1069 : vector<16xi1>, vector<16xf32>
        %select_n3A_1129 = arith.select %gt3A_1127, %add3A_1080, %select_n3A_1070 : vector<16xi1>, vector<16xi32>
        %add3A_1130 = arith.constant 1 : i32
        %add3A_1131 = vector.broadcast %add3A_1130 : i32 to vector<16xi32>
        %add3A_1132 = arith.addi %add3A_1073, %add3A_1131 : vector<16xi32>
        %gather3A_1133 = tpu.vector_load_idx %arg7[%add3A_1132] : memref<32768xf32, #tpu.memory_space<vmem>>[vector<16xi32>], vector<16xf32>,
        %gt3A_1134 = arith.cmpf ogt, %gather3A_1133, %select_n3A_1076 : vector<16xf32>
        %select_n3A_1135 = arith.select %gt3A_1134, %gather3A_1133, %select_n3A_1076 : vector<16xi1>, vector<16xf32>
        %select_n3A_1136 = arith.select %gt3A_1134, %add3A_1080, %select_n3A_1077 : vector<16xi1>, vector<16xi32>
        %add3A_1137 = arith.constant 1 : i32
        %add3A_1138 = vector.broadcast %add3A_1137 : i32 to vector<16xi32>
        %add3A_1139 = arith.addi %add3A_1080, %add3A_1138 : vector<16xi32>
        %add3A_1140 = arith.constant 1 : i32
        %add3A_1141 = vector.broadcast %add3A_1140 : i32 to vector<16xi32>
        %add3A_1142 = arith.addi %add3A_1083, %add3A_1141 : vector<16xi32>
        %gather3A_1143 = tpu.vector_load_idx %arg7[%add3A_1142] : memref<32768xf32, #tpu.memory_space<vmem>>[vector<16xi32>], vector<16xf32>,
        %gt3A_1144 = arith.cmpf ogt, %gather3A_1143, %select_n3A_1086 : vector<16xf32>
        %select_n3A_1145 = arith.select %gt3A_1144, %gather3A_1143, %select_n3A_1086 : vector<16xi1>, vector<16xf32>
        %select_n3A_1146 = arith.select %gt3A_1144, %add3A_1139, %select_n3A_1087 : vector<16xi1>, vector<16xi32>
        %add3A_1147 = arith.constant 1 : i32
        %add3A_1148 = vector.broadcast %add3A_1147 : i32 to vector<16xi32>
        %add3A_1149 = arith.addi %add3A_1090, %add3A_1148 : vector<16xi32>
        %gather3A_1150 = tpu.vector_load_idx %arg7[%add3A_1149] : memref<32768xf32, #tpu.memory_space<vmem>>[vector<16xi32>], vector<16xf32>,
        %gt3A_1151 = arith.cmpf ogt, %gather3A_1150, %select_n3A_1093 : vector<16xf32>
        %select_n3A_1152 = arith.select %gt3A_1151, %gather3A_1150, %select_n3A_1093 : vector<16xi1>, vector<16xf32>
        %select_n3A_1153 = arith.select %gt3A_1151, %add3A_1139, %select_n3A_1094 : vector<16xi1>, vector<16xi32>
        %add3A_1154 = arith.constant 1 : i32
        %add3A_1155 = vector.broadcast %add3A_1154 : i32 to vector<16xi32>
        %add3A_1156 = arith.addi %add3A_1097, %add3A_1155 : vector<16xi32>
        %gather3A_1157 = tpu.vector_load_idx %arg7[%add3A_1156] : memref<32768xf32, #tpu.memory_space<vmem>>[vector<16xi32>], vector<16xf32>,
        %gt3A_1158 = arith.cmpf ogt, %gather3A_1157, %select_n3A_1100 : vector<16xf32>
        %select_n3A_1159 = arith.select %gt3A_1158, %gather3A_1157, %select_n3A_1100 : vector<16xi1>, vector<16xf32>
        %select_n3A_1160 = arith.select %gt3A_1158, %add3A_1139, %select_n3A_1101 : vector<16xi1>, vector<16xi32>
        %add3A_1161 = arith.constant 1 : i32
        %add3A_1162 = vector.broadcast %add3A_1161 : i32 to vector<16xi32>
        %add3A_1163 = arith.addi %add3A_1104, %add3A_1162 : vector<16xi32>
        %gather3A_1164 = tpu.vector_load_idx %arg7[%add3A_1163] : memref<32768xf32, #tpu.memory_space<vmem>>[vector<16xi32>], vector<16xf32>,
        %gt3A_1165 = arith.cmpf ogt, %gather3A_1164, %select_n3A_1107 : vector<16xf32>
        %select_n3A_1166 = arith.select %gt3A_1165, %gather3A_1164, %select_n3A_1107 : vector<16xi1>, vector<16xf32>
        %select_n3A_1167 = arith.select %gt3A_1165, %add3A_1139, %select_n3A_1108 : vector<16xi1>, vector<16xi32>
        %add3A_1168 = arith.constant 1 : i32
        %add3A_1169 = vector.broadcast %add3A_1168 : i32 to vector<16xi32>
        %add3A_1170 = arith.addi %add3A_1111, %add3A_1169 : vector<16xi32>
        %gather3A_1171 = tpu.vector_load_idx %arg7[%add3A_1170] : memref<32768xf32, #tpu.memory_space<vmem>>[vector<16xi32>], vector<16xf32>,
        %gt3A_1172 = arith.cmpf ogt, %gather3A_1171, %select_n3A_1114 : vector<16xf32>
        %select_n3A_1173 = arith.select %gt3A_1172, %gather3A_1171, %select_n3A_1114 : vector<16xi1>, vector<16xf32>
        %select_n3A_1174 = arith.select %gt3A_1172, %add3A_1139, %select_n3A_1115 : vector<16xi1>, vector<16xi32>
        %add3A_1175 = arith.constant 1 : i32
        %add3A_1176 = vector.broadcast %add3A_1175 : i32 to vector<16xi32>
        %add3A_1177 = arith.addi %add3A_1118, %add3A_1176 : vector<16xi32>
        %gather3A_1178 = tpu.vector_load_idx %arg7[%add3A_1177] : memref<32768xf32, #tpu.memory_space<vmem>>[vector<16xi32>], vector<16xf32>,
        %gt3A_1179 = arith.cmpf ogt, %gather3A_1178, %select_n3A_1121 : vector<16xf32>
        %select_n3A_1180 = arith.select %gt3A_1179, %gather3A_1178, %select_n3A_1121 : vector<16xi1>, vector<16xf32>
        %select_n3A_1181 = arith.select %gt3A_1179, %add3A_1139, %select_n3A_1122 : vector<16xi1>, vector<16xi32>
        %add3A_1182 = arith.constant 1 : i32
        %add3A_1183 = vector.broadcast %add3A_1182 : i32 to vector<16xi32>
        %add3A_1184 = arith.addi %add3A_1125, %add3A_1183 : vector<16xi32>
        %gather3A_1185 = tpu.vector_load_idx %arg7[%add3A_1184] : memref<32768xf32, #tpu.memory_space<vmem>>[vector<16xi32>], vector<16xf32>,
        %gt3A_1186 = arith.cmpf ogt, %gather3A_1185, %select_n3A_1128 : vector<16xf32>
        %select_n3A_1187 = arith.select %gt3A_1186, %gather3A_1185, %select_n3A_1128 : vector<16xi1>, vector<16xf32>
        %select_n3A_1188 = arith.select %gt3A_1186, %add3A_1139, %select_n3A_1129 : vector<16xi1>, vector<16xi32>
        %add3A_1189 = arith.constant 1 : i32
        %add3A_1190 = vector.broadcast %add3A_1189 : i32 to vector<16xi32>
        %add3A_1191 = arith.addi %add3A_1132, %add3A_1190 : vector<16xi32>
        %gather3A_1192 = tpu.vector_load_idx %arg7[%add3A_1191] : memref<32768xf32, #tpu.memory_space<vmem>>[vector<16xi32>], vector<16xf32>,
        %gt3A_1193 = arith.cmpf ogt, %gather3A_1192, %select_n3A_1135 : vector<16xf32>
        %select_n3A_1194 = arith.select %gt3A_1193, %gather3A_1192, %select_n3A_1135 : vector<16xi1>, vector<16xf32>
        %select_n3A_1195 = arith.select %gt3A_1193, %add3A_1139, %select_n3A_1136 : vector<16xi1>, vector<16xi32>
        %add3A_1196 = arith.constant 1 : i32
        %add3A_1197 = vector.broadcast %add3A_1196 : i32 to vector<16xi32>
        %add3A_1198 = arith.addi %add3A_1139, %add3A_1197 : vector<16xi32>
        %add3A_1199 = arith.constant 1 : i32
        %add3A_1200 = vector.broadcast %add3A_1199 : i32 to vector<16xi32>
        %add3A_1201 = arith.addi %add3A_1142, %add3A_1200 : vector<16xi32>
        %gather3A_1202 = tpu.vector_load_idx %arg7[%add3A_1201] : memref<32768xf32, #tpu.memory_space<vmem>>[vector<16xi32>], vector<16xf32>,
        %gt3A_1203 = arith.cmpf ogt, %gather3A_1202, %select_n3A_1145 : vector<16xf32>
        %select_n3A_1204 = arith.select %gt3A_1203, %gather3A_1202, %select_n3A_1145 : vector<16xi1>, vector<16xf32>
        %select_n3A_1205 = arith.select %gt3A_1203, %add3A_1198, %select_n3A_1146 : vector<16xi1>, vector<16xi32>
        %add3A_1206 = arith.constant 1 : i32
        %add3A_1207 = vector.broadcast %add3A_1206 : i32 to vector<16xi32>
        %add3A_1208 = arith.addi %add3A_1149, %add3A_1207 : vector<16xi32>
        %gather3A_1209 = tpu.vector_load_idx %arg7[%add3A_1208] : memref<32768xf32, #tpu.memory_space<vmem>>[vector<16xi32>], vector<16xf32>,
        %gt3A_1210 = arith.cmpf ogt, %gather3A_1209, %select_n3A_1152 : vector<16xf32>
        %select_n3A_1211 = arith.select %gt3A_1210, %gather3A_1209, %select_n3A_1152 : vector<16xi1>, vector<16xf32>
        %select_n3A_1212 = arith.select %gt3A_1210, %add3A_1198, %select_n3A_1153 : vector<16xi1>, vector<16xi32>
        %add3A_1213 = arith.constant 1 : i32
        %add3A_1214 = vector.broadcast %add3A_1213 : i32 to vector<16xi32>
        %add3A_1215 = arith.addi %add3A_1156, %add3A_1214 : vector<16xi32>
        %gather3A_1216 = tpu.vector_load_idx %arg7[%add3A_1215] : memref<32768xf32, #tpu.memory_space<vmem>>[vector<16xi32>], vector<16xf32>,
        %gt3A_1217 = arith.cmpf ogt, %gather3A_1216, %select_n3A_1159 : vector<16xf32>
        %select_n3A_1218 = arith.select %gt3A_1217, %gather3A_1216, %select_n3A_1159 : vector<16xi1>, vector<16xf32>
        %select_n3A_1219 = arith.select %gt3A_1217, %add3A_1198, %select_n3A_1160 : vector<16xi1>, vector<16xi32>
        %add3A_1220 = arith.constant 1 : i32
        %add3A_1221 = vector.broadcast %add3A_1220 : i32 to vector<16xi32>
        %add3A_1222 = arith.addi %add3A_1163, %add3A_1221 : vector<16xi32>
        %gather3A_1223 = tpu.vector_load_idx %arg7[%add3A_1222] : memref<32768xf32, #tpu.memory_space<vmem>>[vector<16xi32>], vector<16xf32>,
        %gt3A_1224 = arith.cmpf ogt, %gather3A_1223, %select_n3A_1166 : vector<16xf32>
        %select_n3A_1225 = arith.select %gt3A_1224, %gather3A_1223, %select_n3A_1166 : vector<16xi1>, vector<16xf32>
        %select_n3A_1226 = arith.select %gt3A_1224, %add3A_1198, %select_n3A_1167 : vector<16xi1>, vector<16xi32>
        %add3A_1227 = arith.constant 1 : i32
        %add3A_1228 = vector.broadcast %add3A_1227 : i32 to vector<16xi32>
        %add3A_1229 = arith.addi %add3A_1170, %add3A_1228 : vector<16xi32>
        %gather3A_1230 = tpu.vector_load_idx %arg7[%add3A_1229] : memref<32768xf32, #tpu.memory_space<vmem>>[vector<16xi32>], vector<16xf32>,
        %gt3A_1231 = arith.cmpf ogt, %gather3A_1230, %select_n3A_1173 : vector<16xf32>
        %select_n3A_1232 = arith.select %gt3A_1231, %gather3A_1230, %select_n3A_1173 : vector<16xi1>, vector<16xf32>
        %select_n3A_1233 = arith.select %gt3A_1231, %add3A_1198, %select_n3A_1174 : vector<16xi1>, vector<16xi32>
        %add3A_1234 = arith.constant 1 : i32
        %add3A_1235 = vector.broadcast %add3A_1234 : i32 to vector<16xi32>
        %add3A_1236 = arith.addi %add3A_1177, %add3A_1235 : vector<16xi32>
        %gather3A_1237 = tpu.vector_load_idx %arg7[%add3A_1236] : memref<32768xf32, #tpu.memory_space<vmem>>[vector<16xi32>], vector<16xf32>,
        %gt3A_1238 = arith.cmpf ogt, %gather3A_1237, %select_n3A_1180 : vector<16xf32>
        %select_n3A_1239 = arith.select %gt3A_1238, %gather3A_1237, %select_n3A_1180 : vector<16xi1>, vector<16xf32>
        %select_n3A_1240 = arith.select %gt3A_1238, %add3A_1198, %select_n3A_1181 : vector<16xi1>, vector<16xi32>
        %add3A_1241 = arith.constant 1 : i32
        %add3A_1242 = vector.broadcast %add3A_1241 : i32 to vector<16xi32>
        %add3A_1243 = arith.addi %add3A_1184, %add3A_1242 : vector<16xi32>
        %gather3A_1244 = tpu.vector_load_idx %arg7[%add3A_1243] : memref<32768xf32, #tpu.memory_space<vmem>>[vector<16xi32>], vector<16xf32>,
        %gt3A_1245 = arith.cmpf ogt, %gather3A_1244, %select_n3A_1187 : vector<16xf32>
        %select_n3A_1246 = arith.select %gt3A_1245, %gather3A_1244, %select_n3A_1187 : vector<16xi1>, vector<16xf32>
        %select_n3A_1247 = arith.select %gt3A_1245, %add3A_1198, %select_n3A_1188 : vector<16xi1>, vector<16xi32>
        %add3A_1248 = arith.constant 1 : i32
        %add3A_1249 = vector.broadcast %add3A_1248 : i32 to vector<16xi32>
        %add3A_1250 = arith.addi %add3A_1191, %add3A_1249 : vector<16xi32>
        %gather3A_1251 = tpu.vector_load_idx %arg7[%add3A_1250] : memref<32768xf32, #tpu.memory_space<vmem>>[vector<16xi32>], vector<16xf32>,
        %gt3A_1252 = arith.cmpf ogt, %gather3A_1251, %select_n3A_1194 : vector<16xf32>
        %select_n3A_1253 = arith.select %gt3A_1252, %gather3A_1251, %select_n3A_1194 : vector<16xi1>, vector<16xf32>
        %select_n3A_1254 = arith.select %gt3A_1252, %add3A_1198, %select_n3A_1195 : vector<16xi1>, vector<16xi32>
        %add3A_1255 = arith.constant 1 : i32
        %add3A_1256 = vector.broadcast %add3A_1255 : i32 to vector<16xi32>
        %add3A_1257 = arith.addi %add3A_1198, %add3A_1256 : vector<16xi32>
        %add3A_1258 = arith.constant 1 : i32
        %add3A_1259 = vector.broadcast %add3A_1258 : i32 to vector<16xi32>
        %add3A_1260 = arith.addi %add3A_1201, %add3A_1259 : vector<16xi32>
        %gather3A_1261 = tpu.vector_load_idx %arg7[%add3A_1260] : memref<32768xf32, #tpu.memory_space<vmem>>[vector<16xi32>], vector<16xf32>,
        %gt3A_1262 = arith.cmpf ogt, %gather3A_1261, %select_n3A_1204 : vector<16xf32>
        %select_n3A_1263 = arith.select %gt3A_1262, %gather3A_1261, %select_n3A_1204 : vector<16xi1>, vector<16xf32>
        %select_n3A_1264 = arith.select %gt3A_1262, %add3A_1257, %select_n3A_1205 : vector<16xi1>, vector<16xi32>
        %add3A_1265 = arith.constant 1 : i32
        %add3A_1266 = vector.broadcast %add3A_1265 : i32 to vector<16xi32>
        %add3A_1267 = arith.addi %add3A_1208, %add3A_1266 : vector<16xi32>
        %gather3A_1268 = tpu.vector_load_idx %arg7[%add3A_1267] : memref<32768xf32, #tpu.memory_space<vmem>>[vector<16xi32>], vector<16xf32>,
        %gt3A_1269 = arith.cmpf ogt, %gather3A_1268, %select_n3A_1211 : vector<16xf32>
        %select_n3A_1270 = arith.select %gt3A_1269, %gather3A_1268, %select_n3A_1211 : vector<16xi1>, vector<16xf32>
        %select_n3A_1271 = arith.select %gt3A_1269, %add3A_1257, %select_n3A_1212 : vector<16xi1>, vector<16xi32>
        %add3A_1272 = arith.constant 1 : i32
        %add3A_1273 = vector.broadcast %add3A_1272 : i32 to vector<16xi32>
        %add3A_1274 = arith.addi %add3A_1215, %add3A_1273 : vector<16xi32>
        %gather3A_1275 = tpu.vector_load_idx %arg7[%add3A_1274] : memref<32768xf32, #tpu.memory_space<vmem>>[vector<16xi32>], vector<16xf32>,
        %gt3A_1276 = arith.cmpf ogt, %gather3A_1275, %select_n3A_1218 : vector<16xf32>
        %select_n3A_1277 = arith.select %gt3A_1276, %gather3A_1275, %select_n3A_1218 : vector<16xi1>, vector<16xf32>
        %select_n3A_1278 = arith.select %gt3A_1276, %add3A_1257, %select_n3A_1219 : vector<16xi1>, vector<16xi32>
        %add3A_1279 = arith.constant 1 : i32
        %add3A_1280 = vector.broadcast %add3A_1279 : i32 to vector<16xi32>
        %add3A_1281 = arith.addi %add3A_1222, %add3A_1280 : vector<16xi32>
        %gather3A_1282 = tpu.vector_load_idx %arg7[%add3A_1281] : memref<32768xf32, #tpu.memory_space<vmem>>[vector<16xi32>], vector<16xf32>,
        %gt3A_1283 = arith.cmpf ogt, %gather3A_1282, %select_n3A_1225 : vector<16xf32>
        %select_n3A_1284 = arith.select %gt3A_1283, %gather3A_1282, %select_n3A_1225 : vector<16xi1>, vector<16xf32>
        %select_n3A_1285 = arith.select %gt3A_1283, %add3A_1257, %select_n3A_1226 : vector<16xi1>, vector<16xi32>
        %add3A_1286 = arith.constant 1 : i32
        %add3A_1287 = vector.broadcast %add3A_1286 : i32 to vector<16xi32>
        %add3A_1288 = arith.addi %add3A_1229, %add3A_1287 : vector<16xi32>
        %gather3A_1289 = tpu.vector_load_idx %arg7[%add3A_1288] : memref<32768xf32, #tpu.memory_space<vmem>>[vector<16xi32>], vector<16xf32>,
        %gt3A_1290 = arith.cmpf ogt, %gather3A_1289, %select_n3A_1232 : vector<16xf32>
        %select_n3A_1291 = arith.select %gt3A_1290, %gather3A_1289, %select_n3A_1232 : vector<16xi1>, vector<16xf32>
        %select_n3A_1292 = arith.select %gt3A_1290, %add3A_1257, %select_n3A_1233 : vector<16xi1>, vector<16xi32>
        %add3A_1293 = arith.constant 1 : i32
        %add3A_1294 = vector.broadcast %add3A_1293 : i32 to vector<16xi32>
        %add3A_1295 = arith.addi %add3A_1236, %add3A_1294 : vector<16xi32>
        %gather3A_1296 = tpu.vector_load_idx %arg7[%add3A_1295] : memref<32768xf32, #tpu.memory_space<vmem>>[vector<16xi32>], vector<16xf32>,
        %gt3A_1297 = arith.cmpf ogt, %gather3A_1296, %select_n3A_1239 : vector<16xf32>
        %select_n3A_1298 = arith.select %gt3A_1297, %gather3A_1296, %select_n3A_1239 : vector<16xi1>, vector<16xf32>
        %select_n3A_1299 = arith.select %gt3A_1297, %add3A_1257, %select_n3A_1240 : vector<16xi1>, vector<16xi32>
        %add3A_1300 = arith.constant 1 : i32
        %add3A_1301 = vector.broadcast %add3A_1300 : i32 to vector<16xi32>
        %add3A_1302 = arith.addi %add3A_1243, %add3A_1301 : vector<16xi32>
        %gather3A_1303 = tpu.vector_load_idx %arg7[%add3A_1302] : memref<32768xf32, #tpu.memory_space<vmem>>[vector<16xi32>], vector<16xf32>,
        %gt3A_1304 = arith.cmpf ogt, %gather3A_1303, %select_n3A_1246 : vector<16xf32>
        %select_n3A_1305 = arith.select %gt3A_1304, %gather3A_1303, %select_n3A_1246 : vector<16xi1>, vector<16xf32>
        %select_n3A_1306 = arith.select %gt3A_1304, %add3A_1257, %select_n3A_1247 : vector<16xi1>, vector<16xi32>
        %add3A_1307 = arith.constant 1 : i32
        %add3A_1308 = vector.broadcast %add3A_1307 : i32 to vector<16xi32>
        %add3A_1309 = arith.addi %add3A_1250, %add3A_1308 : vector<16xi32>
        %gather3A_1310 = tpu.vector_load_idx %arg7[%add3A_1309] : memref<32768xf32, #tpu.memory_space<vmem>>[vector<16xi32>], vector<16xf32>,
        %gt3A_1311 = arith.cmpf ogt, %gather3A_1310, %select_n3A_1253 : vector<16xf32>
        %select_n3A_1312 = arith.select %gt3A_1311, %gather3A_1310, %select_n3A_1253 : vector<16xi1>, vector<16xf32>
        %select_n3A_1313 = arith.select %gt3A_1311, %add3A_1257, %select_n3A_1254 : vector<16xi1>, vector<16xi32>
        %add3A_1314 = arith.constant 1 : i32
        %add3A_1315 = vector.broadcast %add3A_1314 : i32 to vector<16xi32>
        %add3A_1316 = arith.addi %add3A_1257, %add3A_1315 : vector<16xi32>
        %add3A_1317 = arith.constant 1 : i32
        %add3A_1318 = vector.broadcast %add3A_1317 : i32 to vector<16xi32>
        %add3A_1319 = arith.addi %add3A_1260, %add3A_1318 : vector<16xi32>
        %gather3A_1320 = tpu.vector_load_idx %arg7[%add3A_1319] : memref<32768xf32, #tpu.memory_space<vmem>>[vector<16xi32>], vector<16xf32>,
        %gt3A_1321 = arith.cmpf ogt, %gather3A_1320, %select_n3A_1263 : vector<16xf32>
        %select_n3A_1322 = arith.select %gt3A_1321, %gather3A_1320, %select_n3A_1263 : vector<16xi1>, vector<16xf32>
        %select_n3A_1323 = arith.select %gt3A_1321, %add3A_1316, %select_n3A_1264 : vector<16xi1>, vector<16xi32>
        %add3A_1324 = arith.constant 1 : i32
        %add3A_1325 = vector.broadcast %add3A_1324 : i32 to vector<16xi32>
        %add3A_1326 = arith.addi %add3A_1267, %add3A_1325 : vector<16xi32>
        %gather3A_1327 = tpu.vector_load_idx %arg7[%add3A_1326] : memref<32768xf32, #tpu.memory_space<vmem>>[vector<16xi32>], vector<16xf32>,
        %gt3A_1328 = arith.cmpf ogt, %gather3A_1327, %select_n3A_1270 : vector<16xf32>
        %select_n3A_1329 = arith.select %gt3A_1328, %gather3A_1327, %select_n3A_1270 : vector<16xi1>, vector<16xf32>
        %select_n3A_1330 = arith.select %gt3A_1328, %add3A_1316, %select_n3A_1271 : vector<16xi1>, vector<16xi32>
        %add3A_1331 = arith.constant 1 : i32
        %add3A_1332 = vector.broadcast %add3A_1331 : i32 to vector<16xi32>
        %add3A_1333 = arith.addi %add3A_1274, %add3A_1332 : vector<16xi32>
        %gather3A_1334 = tpu.vector_load_idx %arg7[%add3A_1333] : memref<32768xf32, #tpu.memory_space<vmem>>[vector<16xi32>], vector<16xf32>,
        %gt3A_1335 = arith.cmpf ogt, %gather3A_1334, %select_n3A_1277 : vector<16xf32>
        %select_n3A_1336 = arith.select %gt3A_1335, %gather3A_1334, %select_n3A_1277 : vector<16xi1>, vector<16xf32>
        %select_n3A_1337 = arith.select %gt3A_1335, %add3A_1316, %select_n3A_1278 : vector<16xi1>, vector<16xi32>
        %add3A_1338 = arith.constant 1 : i32
        %add3A_1339 = vector.broadcast %add3A_1338 : i32 to vector<16xi32>
        %add3A_1340 = arith.addi %add3A_1281, %add3A_1339 : vector<16xi32>
        %gather3A_1341 = tpu.vector_load_idx %arg7[%add3A_1340] : memref<32768xf32, #tpu.memory_space<vmem>>[vector<16xi32>], vector<16xf32>,
        %gt3A_1342 = arith.cmpf ogt, %gather3A_1341, %select_n3A_1284 : vector<16xf32>
        %select_n3A_1343 = arith.select %gt3A_1342, %gather3A_1341, %select_n3A_1284 : vector<16xi1>, vector<16xf32>
        %select_n3A_1344 = arith.select %gt3A_1342, %add3A_1316, %select_n3A_1285 : vector<16xi1>, vector<16xi32>
        %add3A_1345 = arith.constant 1 : i32
        %add3A_1346 = vector.broadcast %add3A_1345 : i32 to vector<16xi32>
        %add3A_1347 = arith.addi %add3A_1288, %add3A_1346 : vector<16xi32>
        %gather3A_1348 = tpu.vector_load_idx %arg7[%add3A_1347] : memref<32768xf32, #tpu.memory_space<vmem>>[vector<16xi32>], vector<16xf32>,
        %gt3A_1349 = arith.cmpf ogt, %gather3A_1348, %select_n3A_1291 : vector<16xf32>
        %select_n3A_1350 = arith.select %gt3A_1349, %gather3A_1348, %select_n3A_1291 : vector<16xi1>, vector<16xf32>
        %select_n3A_1351 = arith.select %gt3A_1349, %add3A_1316, %select_n3A_1292 : vector<16xi1>, vector<16xi32>
        %add3A_1352 = arith.constant 1 : i32
        %add3A_1353 = vector.broadcast %add3A_1352 : i32 to vector<16xi32>
        %add3A_1354 = arith.addi %add3A_1295, %add3A_1353 : vector<16xi32>
        %gather3A_1355 = tpu.vector_load_idx %arg7[%add3A_1354] : memref<32768xf32, #tpu.memory_space<vmem>>[vector<16xi32>], vector<16xf32>,
        %gt3A_1356 = arith.cmpf ogt, %gather3A_1355, %select_n3A_1298 : vector<16xf32>
        %select_n3A_1357 = arith.select %gt3A_1356, %gather3A_1355, %select_n3A_1298 : vector<16xi1>, vector<16xf32>
        %select_n3A_1358 = arith.select %gt3A_1356, %add3A_1316, %select_n3A_1299 : vector<16xi1>, vector<16xi32>
        %add3A_1359 = arith.constant 1 : i32
        %add3A_1360 = vector.broadcast %add3A_1359 : i32 to vector<16xi32>
        %add3A_1361 = arith.addi %add3A_1302, %add3A_1360 : vector<16xi32>
        %gather3A_1362 = tpu.vector_load_idx %arg7[%add3A_1361] : memref<32768xf32, #tpu.memory_space<vmem>>[vector<16xi32>], vector<16xf32>,
        %gt3A_1363 = arith.cmpf ogt, %gather3A_1362, %select_n3A_1305 : vector<16xf32>
        %select_n3A_1364 = arith.select %gt3A_1363, %gather3A_1362, %select_n3A_1305 : vector<16xi1>, vector<16xf32>
        %select_n3A_1365 = arith.select %gt3A_1363, %add3A_1316, %select_n3A_1306 : vector<16xi1>, vector<16xi32>
        %add3A_1366 = arith.constant 1 : i32
        %add3A_1367 = vector.broadcast %add3A_1366 : i32 to vector<16xi32>
        %add3A_1368 = arith.addi %add3A_1309, %add3A_1367 : vector<16xi32>
        %gather3A_1369 = tpu.vector_load_idx %arg7[%add3A_1368] : memref<32768xf32, #tpu.memory_space<vmem>>[vector<16xi32>], vector<16xf32>,
        %gt3A_1370 = arith.cmpf ogt, %gather3A_1369, %select_n3A_1312 : vector<16xf32>
        %select_n3A_1371 = arith.select %gt3A_1370, %gather3A_1369, %select_n3A_1312 : vector<16xi1>, vector<16xf32>
        %select_n3A_1372 = arith.select %gt3A_1370, %add3A_1316, %select_n3A_1313 : vector<16xi1>, vector<16xi32>
        %add3A_1373 = arith.constant 1 : i32
        %add3A_1374 = vector.broadcast %add3A_1373 : i32 to vector<16xi32>
        %add3A_1375 = arith.addi %add3A_1316, %add3A_1374 : vector<16xi32>
        %add3A_1376 = arith.constant 1 : i32
        %add3A_1377 = vector.broadcast %add3A_1376 : i32 to vector<16xi32>
        %add3A_1378 = arith.addi %add3A_1319, %add3A_1377 : vector<16xi32>
        %gather3A_1379 = tpu.vector_load_idx %arg7[%add3A_1378] : memref<32768xf32, #tpu.memory_space<vmem>>[vector<16xi32>], vector<16xf32>,
        %gt3A_1380 = arith.cmpf ogt, %gather3A_1379, %select_n3A_1322 : vector<16xf32>
        %select_n3A_1381 = arith.select %gt3A_1380, %gather3A_1379, %select_n3A_1322 : vector<16xi1>, vector<16xf32>
        %select_n3A_1382 = arith.select %gt3A_1380, %add3A_1375, %select_n3A_1323 : vector<16xi1>, vector<16xi32>
        %add3A_1383 = arith.constant 1 : i32
        %add3A_1384 = vector.broadcast %add3A_1383 : i32 to vector<16xi32>
        %add3A_1385 = arith.addi %add3A_1326, %add3A_1384 : vector<16xi32>
        %gather3A_1386 = tpu.vector_load_idx %arg7[%add3A_1385] : memref<32768xf32, #tpu.memory_space<vmem>>[vector<16xi32>], vector<16xf32>,
        %gt3A_1387 = arith.cmpf ogt, %gather3A_1386, %select_n3A_1329 : vector<16xf32>
        %select_n3A_1388 = arith.select %gt3A_1387, %gather3A_1386, %select_n3A_1329 : vector<16xi1>, vector<16xf32>
        %select_n3A_1389 = arith.select %gt3A_1387, %add3A_1375, %select_n3A_1330 : vector<16xi1>, vector<16xi32>
        %add3A_1390 = arith.constant 1 : i32
        %add3A_1391 = vector.broadcast %add3A_1390 : i32 to vector<16xi32>
        %add3A_1392 = arith.addi %add3A_1333, %add3A_1391 : vector<16xi32>
        %gather3A_1393 = tpu.vector_load_idx %arg7[%add3A_1392] : memref<32768xf32, #tpu.memory_space<vmem>>[vector<16xi32>], vector<16xf32>,
        %gt3A_1394 = arith.cmpf ogt, %gather3A_1393, %select_n3A_1336 : vector<16xf32>
        %select_n3A_1395 = arith.select %gt3A_1394, %gather3A_1393, %select_n3A_1336 : vector<16xi1>, vector<16xf32>
        %select_n3A_1396 = arith.select %gt3A_1394, %add3A_1375, %select_n3A_1337 : vector<16xi1>, vector<16xi32>
        %add3A_1397 = arith.constant 1 : i32
        %add3A_1398 = vector.broadcast %add3A_1397 : i32 to vector<16xi32>
        %add3A_1399 = arith.addi %add3A_1340, %add3A_1398 : vector<16xi32>
        %gather3A_1400 = tpu.vector_load_idx %arg7[%add3A_1399] : memref<32768xf32, #tpu.memory_space<vmem>>[vector<16xi32>], vector<16xf32>,
        %gt3A_1401 = arith.cmpf ogt, %gather3A_1400, %select_n3A_1343 : vector<16xf32>
        %select_n3A_1402 = arith.select %gt3A_1401, %gather3A_1400, %select_n3A_1343 : vector<16xi1>, vector<16xf32>
        %select_n3A_1403 = arith.select %gt3A_1401, %add3A_1375, %select_n3A_1344 : vector<16xi1>, vector<16xi32>
        %add3A_1404 = arith.constant 1 : i32
        %add3A_1405 = vector.broadcast %add3A_1404 : i32 to vector<16xi32>
        %add3A_1406 = arith.addi %add3A_1347, %add3A_1405 : vector<16xi32>
        %gather3A_1407 = tpu.vector_load_idx %arg7[%add3A_1406] : memref<32768xf32, #tpu.memory_space<vmem>>[vector<16xi32>], vector<16xf32>,
        %gt3A_1408 = arith.cmpf ogt, %gather3A_1407, %select_n3A_1350 : vector<16xf32>
        %select_n3A_1409 = arith.select %gt3A_1408, %gather3A_1407, %select_n3A_1350 : vector<16xi1>, vector<16xf32>
        %select_n3A_1410 = arith.select %gt3A_1408, %add3A_1375, %select_n3A_1351 : vector<16xi1>, vector<16xi32>
        %add3A_1411 = arith.constant 1 : i32
        %add3A_1412 = vector.broadcast %add3A_1411 : i32 to vector<16xi32>
        %add3A_1413 = arith.addi %add3A_1354, %add3A_1412 : vector<16xi32>
        %gather3A_1414 = tpu.vector_load_idx %arg7[%add3A_1413] : memref<32768xf32, #tpu.memory_space<vmem>>[vector<16xi32>], vector<16xf32>,
        %gt3A_1415 = arith.cmpf ogt, %gather3A_1414, %select_n3A_1357 : vector<16xf32>
        %select_n3A_1416 = arith.select %gt3A_1415, %gather3A_1414, %select_n3A_1357 : vector<16xi1>, vector<16xf32>
        %select_n3A_1417 = arith.select %gt3A_1415, %add3A_1375, %select_n3A_1358 : vector<16xi1>, vector<16xi32>
        %add3A_1418 = arith.constant 1 : i32
        %add3A_1419 = vector.broadcast %add3A_1418 : i32 to vector<16xi32>
        %add3A_1420 = arith.addi %add3A_1361, %add3A_1419 : vector<16xi32>
        %gather3A_1421 = tpu.vector_load_idx %arg7[%add3A_1420] : memref<32768xf32, #tpu.memory_space<vmem>>[vector<16xi32>], vector<16xf32>,
        %gt3A_1422 = arith.cmpf ogt, %gather3A_1421, %select_n3A_1364 : vector<16xf32>
        %select_n3A_1423 = arith.select %gt3A_1422, %gather3A_1421, %select_n3A_1364 : vector<16xi1>, vector<16xf32>
        %select_n3A_1424 = arith.select %gt3A_1422, %add3A_1375, %select_n3A_1365 : vector<16xi1>, vector<16xi32>
        %add3A_1425 = arith.constant 1 : i32
        %add3A_1426 = vector.broadcast %add3A_1425 : i32 to vector<16xi32>
        %add3A_1427 = arith.addi %add3A_1368, %add3A_1426 : vector<16xi32>
        %gather3A_1428 = tpu.vector_load_idx %arg7[%add3A_1427] : memref<32768xf32, #tpu.memory_space<vmem>>[vector<16xi32>], vector<16xf32>,
        %gt3A_1429 = arith.cmpf ogt, %gather3A_1428, %select_n3A_1371 : vector<16xf32>
        %select_n3A_1430 = arith.select %gt3A_1429, %gather3A_1428, %select_n3A_1371 : vector<16xi1>, vector<16xf32>
        %select_n3A_1431 = arith.select %gt3A_1429, %add3A_1375, %select_n3A_1372 : vector<16xi1>, vector<16xi32>
        %add3A_1432 = arith.constant 1 : i32
        %add3A_1433 = vector.broadcast %add3A_1432 : i32 to vector<16xi32>
        %add3A_1434 = arith.addi %add3A_1375, %add3A_1433 : vector<16xi32>
        %add3A_1435 = arith.constant 1 : i32
        %add3A_1436 = vector.broadcast %add3A_1435 : i32 to vector<16xi32>
        %add3A_1437 = arith.addi %add3A_1378, %add3A_1436 : vector<16xi32>
        %gather3A_1438 = tpu.vector_load_idx %arg7[%add3A_1437] : memref<32768xf32, #tpu.memory_space<vmem>>[vector<16xi32>], vector<16xf32>,
        %gt3A_1439 = arith.cmpf ogt, %gather3A_1438, %select_n3A_1381 : vector<16xf32>
        %select_n3A_1440 = arith.select %gt3A_1439, %gather3A_1438, %select_n3A_1381 : vector<16xi1>, vector<16xf32>
        %select_n3A_1441 = arith.select %gt3A_1439, %add3A_1434, %select_n3A_1382 : vector<16xi1>, vector<16xi32>
        %add3A_1442 = arith.constant 1 : i32
        %add3A_1443 = vector.broadcast %add3A_1442 : i32 to vector<16xi32>
        %add3A_1444 = arith.addi %add3A_1385, %add3A_1443 : vector<16xi32>
        %gather3A_1445 = tpu.vector_load_idx %arg7[%add3A_1444] : memref<32768xf32, #tpu.memory_space<vmem>>[vector<16xi32>], vector<16xf32>,
        %gt3A_1446 = arith.cmpf ogt, %gather3A_1445, %select_n3A_1388 : vector<16xf32>
        %select_n3A_1447 = arith.select %gt3A_1446, %gather3A_1445, %select_n3A_1388 : vector<16xi1>, vector<16xf32>
        %select_n3A_1448 = arith.select %gt3A_1446, %add3A_1434, %select_n3A_1389 : vector<16xi1>, vector<16xi32>
        %add3A_1449 = arith.constant 1 : i32
        %add3A_1450 = vector.broadcast %add3A_1449 : i32 to vector<16xi32>
        %add3A_1451 = arith.addi %add3A_1392, %add3A_1450 : vector<16xi32>
        %gather3A_1452 = tpu.vector_load_idx %arg7[%add3A_1451] : memref<32768xf32, #tpu.memory_space<vmem>>[vector<16xi32>], vector<16xf32>,
        %gt3A_1453 = arith.cmpf ogt, %gather3A_1452, %select_n3A_1395 : vector<16xf32>
        %select_n3A_1454 = arith.select %gt3A_1453, %gather3A_1452, %select_n3A_1395 : vector<16xi1>, vector<16xf32>
        %select_n3A_1455 = arith.select %gt3A_1453, %add3A_1434, %select_n3A_1396 : vector<16xi1>, vector<16xi32>
        %add3A_1456 = arith.constant 1 : i32
        %add3A_1457 = vector.broadcast %add3A_1456 : i32 to vector<16xi32>
        %add3A_1458 = arith.addi %add3A_1399, %add3A_1457 : vector<16xi32>
        %gather3A_1459 = tpu.vector_load_idx %arg7[%add3A_1458] : memref<32768xf32, #tpu.memory_space<vmem>>[vector<16xi32>], vector<16xf32>,
        %gt3A_1460 = arith.cmpf ogt, %gather3A_1459, %select_n3A_1402 : vector<16xf32>
        %select_n3A_1461 = arith.select %gt3A_1460, %gather3A_1459, %select_n3A_1402 : vector<16xi1>, vector<16xf32>
        %select_n3A_1462 = arith.select %gt3A_1460, %add3A_1434, %select_n3A_1403 : vector<16xi1>, vector<16xi32>
        %add3A_1463 = arith.constant 1 : i32
        %add3A_1464 = vector.broadcast %add3A_1463 : i32 to vector<16xi32>
        %add3A_1465 = arith.addi %add3A_1406, %add3A_1464 : vector<16xi32>
        %gather3A_1466 = tpu.vector_load_idx %arg7[%add3A_1465] : memref<32768xf32, #tpu.memory_space<vmem>>[vector<16xi32>], vector<16xf32>,
        %gt3A_1467 = arith.cmpf ogt, %gather3A_1466, %select_n3A_1409 : vector<16xf32>
        %select_n3A_1468 = arith.select %gt3A_1467, %gather3A_1466, %select_n3A_1409 : vector<16xi1>, vector<16xf32>
        %select_n3A_1469 = arith.select %gt3A_1467, %add3A_1434, %select_n3A_1410 : vector<16xi1>, vector<16xi32>
        %add3A_1470 = arith.constant 1 : i32
        %add3A_1471 = vector.broadcast %add3A_1470 : i32 to vector<16xi32>
        %add3A_1472 = arith.addi %add3A_1413, %add3A_1471 : vector<16xi32>
        %gather3A_1473 = tpu.vector_load_idx %arg7[%add3A_1472] : memref<32768xf32, #tpu.memory_space<vmem>>[vector<16xi32>], vector<16xf32>,
        %gt3A_1474 = arith.cmpf ogt, %gather3A_1473, %select_n3A_1416 : vector<16xf32>
        %select_n3A_1475 = arith.select %gt3A_1474, %gather3A_1473, %select_n3A_1416 : vector<16xi1>, vector<16xf32>
        %select_n3A_1476 = arith.select %gt3A_1474, %add3A_1434, %select_n3A_1417 : vector<16xi1>, vector<16xi32>
        %add3A_1477 = arith.constant 1 : i32
        %add3A_1478 = vector.broadcast %add3A_1477 : i32 to vector<16xi32>
        %add3A_1479 = arith.addi %add3A_1420, %add3A_1478 : vector<16xi32>
        %gather3A_1480 = tpu.vector_load_idx %arg7[%add3A_1479] : memref<32768xf32, #tpu.memory_space<vmem>>[vector<16xi32>], vector<16xf32>,
        %gt3A_1481 = arith.cmpf ogt, %gather3A_1480, %select_n3A_1423 : vector<16xf32>
        %select_n3A_1482 = arith.select %gt3A_1481, %gather3A_1480, %select_n3A_1423 : vector<16xi1>, vector<16xf32>
        %select_n3A_1483 = arith.select %gt3A_1481, %add3A_1434, %select_n3A_1424 : vector<16xi1>, vector<16xi32>
        %add3A_1484 = arith.constant 1 : i32
        %add3A_1485 = vector.broadcast %add3A_1484 : i32 to vector<16xi32>
        %add3A_1486 = arith.addi %add3A_1427, %add3A_1485 : vector<16xi32>
        %gather3A_1487 = tpu.vector_load_idx %arg7[%add3A_1486] : memref<32768xf32, #tpu.memory_space<vmem>>[vector<16xi32>], vector<16xf32>,
        %gt3A_1488 = arith.cmpf ogt, %gather3A_1487, %select_n3A_1430 : vector<16xf32>
        %select_n3A_1489 = arith.select %gt3A_1488, %gather3A_1487, %select_n3A_1430 : vector<16xi1>, vector<16xf32>
        %select_n3A_1490 = arith.select %gt3A_1488, %add3A_1434, %select_n3A_1431 : vector<16xi1>, vector<16xi32>
        %add3A_1491 = arith.constant 1 : i32
        %add3A_1492 = vector.broadcast %add3A_1491 : i32 to vector<16xi32>
        %add3A_1493 = arith.addi %add3A_1434, %add3A_1492 : vector<16xi32>
        %add3A_1494 = arith.constant 1 : i32
        %add3A_1495 = vector.broadcast %add3A_1494 : i32 to vector<16xi32>
        %add3A_1496 = arith.addi %add3A_1437, %add3A_1495 : vector<16xi32>
        %gather3A_1497 = tpu.vector_load_idx %arg7[%add3A_1496] : memref<32768xf32, #tpu.memory_space<vmem>>[vector<16xi32>], vector<16xf32>,
        %gt3A_1498 = arith.cmpf ogt, %gather3A_1497, %select_n3A_1440 : vector<16xf32>
        %select_n3A_1499 = arith.select %gt3A_1498, %gather3A_1497, %select_n3A_1440 : vector<16xi1>, vector<16xf32>
        %select_n3A_1500 = arith.select %gt3A_1498, %add3A_1493, %select_n3A_1441 : vector<16xi1>, vector<16xi32>
        %add3A_1501 = arith.constant 1 : i32
        %add3A_1502 = vector.broadcast %add3A_1501 : i32 to vector<16xi32>
        %add3A_1503 = arith.addi %add3A_1444, %add3A_1502 : vector<16xi32>
        %gather3A_1504 = tpu.vector_load_idx %arg7[%add3A_1503] : memref<32768xf32, #tpu.memory_space<vmem>>[vector<16xi32>], vector<16xf32>,
        %gt3A_1505 = arith.cmpf ogt, %gather3A_1504, %select_n3A_1447 : vector<16xf32>
        %select_n3A_1506 = arith.select %gt3A_1505, %gather3A_1504, %select_n3A_1447 : vector<16xi1>, vector<16xf32>
        %select_n3A_1507 = arith.select %gt3A_1505, %add3A_1493, %select_n3A_1448 : vector<16xi1>, vector<16xi32>
        %add3A_1508 = arith.constant 1 : i32
        %add3A_1509 = vector.broadcast %add3A_1508 : i32 to vector<16xi32>
        %add3A_1510 = arith.addi %add3A_1451, %add3A_1509 : vector<16xi32>
        %gather3A_1511 = tpu.vector_load_idx %arg7[%add3A_1510] : memref<32768xf32, #tpu.memory_space<vmem>>[vector<16xi32>], vector<16xf32>,
        %gt3A_1512 = arith.cmpf ogt, %gather3A_1511, %select_n3A_1454 : vector<16xf32>
        %select_n3A_1513 = arith.select %gt3A_1512, %gather3A_1511, %select_n3A_1454 : vector<16xi1>, vector<16xf32>
        %select_n3A_1514 = arith.select %gt3A_1512, %add3A_1493, %select_n3A_1455 : vector<16xi1>, vector<16xi32>
        %add3A_1515 = arith.constant 1 : i32
        %add3A_1516 = vector.broadcast %add3A_1515 : i32 to vector<16xi32>
        %add3A_1517 = arith.addi %add3A_1458, %add3A_1516 : vector<16xi32>
        %gather3A_1518 = tpu.vector_load_idx %arg7[%add3A_1517] : memref<32768xf32, #tpu.memory_space<vmem>>[vector<16xi32>], vector<16xf32>,
        %gt3A_1519 = arith.cmpf ogt, %gather3A_1518, %select_n3A_1461 : vector<16xf32>
        %select_n3A_1520 = arith.select %gt3A_1519, %gather3A_1518, %select_n3A_1461 : vector<16xi1>, vector<16xf32>
        %select_n3A_1521 = arith.select %gt3A_1519, %add3A_1493, %select_n3A_1462 : vector<16xi1>, vector<16xi32>
        %add3A_1522 = arith.constant 1 : i32
        %add3A_1523 = vector.broadcast %add3A_1522 : i32 to vector<16xi32>
        %add3A_1524 = arith.addi %add3A_1465, %add3A_1523 : vector<16xi32>
        %gather3A_1525 = tpu.vector_load_idx %arg7[%add3A_1524] : memref<32768xf32, #tpu.memory_space<vmem>>[vector<16xi32>], vector<16xf32>,
        %gt3A_1526 = arith.cmpf ogt, %gather3A_1525, %select_n3A_1468 : vector<16xf32>
        %select_n3A_1527 = arith.select %gt3A_1526, %gather3A_1525, %select_n3A_1468 : vector<16xi1>, vector<16xf32>
        %select_n3A_1528 = arith.select %gt3A_1526, %add3A_1493, %select_n3A_1469 : vector<16xi1>, vector<16xi32>
        %add3A_1529 = arith.constant 1 : i32
        %add3A_1530 = vector.broadcast %add3A_1529 : i32 to vector<16xi32>
        %add3A_1531 = arith.addi %add3A_1472, %add3A_1530 : vector<16xi32>
        %gather3A_1532 = tpu.vector_load_idx %arg7[%add3A_1531] : memref<32768xf32, #tpu.memory_space<vmem>>[vector<16xi32>], vector<16xf32>,
        %gt3A_1533 = arith.cmpf ogt, %gather3A_1532, %select_n3A_1475 : vector<16xf32>
        %select_n3A_1534 = arith.select %gt3A_1533, %gather3A_1532, %select_n3A_1475 : vector<16xi1>, vector<16xf32>
        %select_n3A_1535 = arith.select %gt3A_1533, %add3A_1493, %select_n3A_1476 : vector<16xi1>, vector<16xi32>
        %add3A_1536 = arith.constant 1 : i32
        %add3A_1537 = vector.broadcast %add3A_1536 : i32 to vector<16xi32>
        %add3A_1538 = arith.addi %add3A_1479, %add3A_1537 : vector<16xi32>
        %gather3A_1539 = tpu.vector_load_idx %arg7[%add3A_1538] : memref<32768xf32, #tpu.memory_space<vmem>>[vector<16xi32>], vector<16xf32>,
        %gt3A_1540 = arith.cmpf ogt, %gather3A_1539, %select_n3A_1482 : vector<16xf32>
        %select_n3A_1541 = arith.select %gt3A_1540, %gather3A_1539, %select_n3A_1482 : vector<16xi1>, vector<16xf32>
        %select_n3A_1542 = arith.select %gt3A_1540, %add3A_1493, %select_n3A_1483 : vector<16xi1>, vector<16xi32>
        %add3A_1543 = arith.constant 1 : i32
        %add3A_1544 = vector.broadcast %add3A_1543 : i32 to vector<16xi32>
        %add3A_1545 = arith.addi %add3A_1486, %add3A_1544 : vector<16xi32>
        %gather3A_1546 = tpu.vector_load_idx %arg7[%add3A_1545] : memref<32768xf32, #tpu.memory_space<vmem>>[vector<16xi32>], vector<16xf32>,
        %gt3A_1547 = arith.cmpf ogt, %gather3A_1546, %select_n3A_1489 : vector<16xf32>
        %select_n3A_1548 = arith.select %gt3A_1547, %gather3A_1546, %select_n3A_1489 : vector<16xi1>, vector<16xf32>
        %select_n3A_1549 = arith.select %gt3A_1547, %add3A_1493, %select_n3A_1490 : vector<16xi1>, vector<16xi32>
        %add3A_1550 = arith.constant 1 : i32
        %add3A_1551 = vector.broadcast %add3A_1550 : i32 to vector<16xi32>
        %add3A_1552 = arith.addi %add3A_1493, %add3A_1551 : vector<16xi32>
        %add3A_1553 = arith.constant 1 : i32
        %add3A_1554 = vector.broadcast %add3A_1553 : i32 to vector<16xi32>
        %add3A_1555 = arith.addi %add3A_1496, %add3A_1554 : vector<16xi32>
        %gather3A_1556 = tpu.vector_load_idx %arg7[%add3A_1555] : memref<32768xf32, #tpu.memory_space<vmem>>[vector<16xi32>], vector<16xf32>,
        %gt3A_1557 = arith.cmpf ogt, %gather3A_1556, %select_n3A_1499 : vector<16xf32>
        %select_n3A_1558 = arith.select %gt3A_1557, %gather3A_1556, %select_n3A_1499 : vector<16xi1>, vector<16xf32>
        %select_n3A_1559 = arith.select %gt3A_1557, %add3A_1552, %select_n3A_1500 : vector<16xi1>, vector<16xi32>
        %add3A_1560 = arith.constant 1 : i32
        %add3A_1561 = vector.broadcast %add3A_1560 : i32 to vector<16xi32>
        %add3A_1562 = arith.addi %add3A_1503, %add3A_1561 : vector<16xi32>
        %gather3A_1563 = tpu.vector_load_idx %arg7[%add3A_1562] : memref<32768xf32, #tpu.memory_space<vmem>>[vector<16xi32>], vector<16xf32>,
        %gt3A_1564 = arith.cmpf ogt, %gather3A_1563, %select_n3A_1506 : vector<16xf32>
        %select_n3A_1565 = arith.select %gt3A_1564, %gather3A_1563, %select_n3A_1506 : vector<16xi1>, vector<16xf32>
        %select_n3A_1566 = arith.select %gt3A_1564, %add3A_1552, %select_n3A_1507 : vector<16xi1>, vector<16xi32>
        %add3A_1567 = arith.constant 1 : i32
        %add3A_1568 = vector.broadcast %add3A_1567 : i32 to vector<16xi32>
        %add3A_1569 = arith.addi %add3A_1510, %add3A_1568 : vector<16xi32>
        %gather3A_1570 = tpu.vector_load_idx %arg7[%add3A_1569] : memref<32768xf32, #tpu.memory_space<vmem>>[vector<16xi32>], vector<16xf32>,
        %gt3A_1571 = arith.cmpf ogt, %gather3A_1570, %select_n3A_1513 : vector<16xf32>
        %select_n3A_1572 = arith.select %gt3A_1571, %gather3A_1570, %select_n3A_1513 : vector<16xi1>, vector<16xf32>
        %select_n3A_1573 = arith.select %gt3A_1571, %add3A_1552, %select_n3A_1514 : vector<16xi1>, vector<16xi32>
        %add3A_1574 = arith.constant 1 : i32
        %add3A_1575 = vector.broadcast %add3A_1574 : i32 to vector<16xi32>
        %add3A_1576 = arith.addi %add3A_1517, %add3A_1575 : vector<16xi32>
        %gather3A_1577 = tpu.vector_load_idx %arg7[%add3A_1576] : memref<32768xf32, #tpu.memory_space<vmem>>[vector<16xi32>], vector<16xf32>,
        %gt3A_1578 = arith.cmpf ogt, %gather3A_1577, %select_n3A_1520 : vector<16xf32>
        %select_n3A_1579 = arith.select %gt3A_1578, %gather3A_1577, %select_n3A_1520 : vector<16xi1>, vector<16xf32>
        %select_n3A_1580 = arith.select %gt3A_1578, %add3A_1552, %select_n3A_1521 : vector<16xi1>, vector<16xi32>
        %add3A_1581 = arith.constant 1 : i32
        %add3A_1582 = vector.broadcast %add3A_1581 : i32 to vector<16xi32>
        %add3A_1583 = arith.addi %add3A_1524, %add3A_1582 : vector<16xi32>
        %gather3A_1584 = tpu.vector_load_idx %arg7[%add3A_1583] : memref<32768xf32, #tpu.memory_space<vmem>>[vector<16xi32>], vector<16xf32>,
        %gt3A_1585 = arith.cmpf ogt, %gather3A_1584, %select_n3A_1527 : vector<16xf32>
        %select_n3A_1586 = arith.select %gt3A_1585, %gather3A_1584, %select_n3A_1527 : vector<16xi1>, vector<16xf32>
        %select_n3A_1587 = arith.select %gt3A_1585, %add3A_1552, %select_n3A_1528 : vector<16xi1>, vector<16xi32>
        %add3A_1588 = arith.constant 1 : i32
        %add3A_1589 = vector.broadcast %add3A_1588 : i32 to vector<16xi32>
        %add3A_1590 = arith.addi %add3A_1531, %add3A_1589 : vector<16xi32>
        %gather3A_1591 = tpu.vector_load_idx %arg7[%add3A_1590] : memref<32768xf32, #tpu.memory_space<vmem>>[vector<16xi32>], vector<16xf32>,
        %gt3A_1592 = arith.cmpf ogt, %gather3A_1591, %select_n3A_1534 : vector<16xf32>
        %select_n3A_1593 = arith.select %gt3A_1592, %gather3A_1591, %select_n3A_1534 : vector<16xi1>, vector<16xf32>
        %select_n3A_1594 = arith.select %gt3A_1592, %add3A_1552, %select_n3A_1535 : vector<16xi1>, vector<16xi32>
        %add3A_1595 = arith.constant 1 : i32
        %add3A_1596 = vector.broadcast %add3A_1595 : i32 to vector<16xi32>
        %add3A_1597 = arith.addi %add3A_1538, %add3A_1596 : vector<16xi32>
        %gather3A_1598 = tpu.vector_load_idx %arg7[%add3A_1597] : memref<32768xf32, #tpu.memory_space<vmem>>[vector<16xi32>], vector<16xf32>,
        %gt3A_1599 = arith.cmpf ogt, %gather3A_1598, %select_n3A_1541 : vector<16xf32>
        %select_n3A_1600 = arith.select %gt3A_1599, %gather3A_1598, %select_n3A_1541 : vector<16xi1>, vector<16xf32>
        %select_n3A_1601 = arith.select %gt3A_1599, %add3A_1552, %select_n3A_1542 : vector<16xi1>, vector<16xi32>
        %add3A_1602 = arith.constant 1 : i32
        %add3A_1603 = vector.broadcast %add3A_1602 : i32 to vector<16xi32>
        %add3A_1604 = arith.addi %add3A_1545, %add3A_1603 : vector<16xi32>
        %gather3A_1605 = tpu.vector_load_idx %arg7[%add3A_1604] : memref<32768xf32, #tpu.memory_space<vmem>>[vector<16xi32>], vector<16xf32>,
        %gt3A_1606 = arith.cmpf ogt, %gather3A_1605, %select_n3A_1548 : vector<16xf32>
        %select_n3A_1607 = arith.select %gt3A_1606, %gather3A_1605, %select_n3A_1548 : vector<16xi1>, vector<16xf32>
        %select_n3A_1608 = arith.select %gt3A_1606, %add3A_1552, %select_n3A_1549 : vector<16xi1>, vector<16xi32>
        %add3A_1609 = arith.constant 1 : i32
        %add3A_1610 = vector.broadcast %add3A_1609 : i32 to vector<16xi32>
        %add3A_1611 = arith.addi %add3A_1552, %add3A_1610 : vector<16xi32>
        %add3A_1612 = arith.constant 1 : i32
        %add3A_1613 = vector.broadcast %add3A_1612 : i32 to vector<16xi32>
        %add3A_1614 = arith.addi %add3A_1555, %add3A_1613 : vector<16xi32>
        %gather3A_1615 = tpu.vector_load_idx %arg7[%add3A_1614] : memref<32768xf32, #tpu.memory_space<vmem>>[vector<16xi32>], vector<16xf32>,
        %gt3A_1616 = arith.cmpf ogt, %gather3A_1615, %select_n3A_1558 : vector<16xf32>
        %select_n3A_1617 = arith.select %gt3A_1616, %gather3A_1615, %select_n3A_1558 : vector<16xi1>, vector<16xf32>
        %select_n3A_1618 = arith.select %gt3A_1616, %add3A_1611, %select_n3A_1559 : vector<16xi1>, vector<16xi32>
        %add3A_1619 = arith.constant 1 : i32
        %add3A_1620 = vector.broadcast %add3A_1619 : i32 to vector<16xi32>
        %add3A_1621 = arith.addi %add3A_1562, %add3A_1620 : vector<16xi32>
        %gather3A_1622 = tpu.vector_load_idx %arg7[%add3A_1621] : memref<32768xf32, #tpu.memory_space<vmem>>[vector<16xi32>], vector<16xf32>,
        %gt3A_1623 = arith.cmpf ogt, %gather3A_1622, %select_n3A_1565 : vector<16xf32>
        %select_n3A_1624 = arith.select %gt3A_1623, %gather3A_1622, %select_n3A_1565 : vector<16xi1>, vector<16xf32>
        %select_n3A_1625 = arith.select %gt3A_1623, %add3A_1611, %select_n3A_1566 : vector<16xi1>, vector<16xi32>
        %add3A_1626 = arith.constant 1 : i32
        %add3A_1627 = vector.broadcast %add3A_1626 : i32 to vector<16xi32>
        %add3A_1628 = arith.addi %add3A_1569, %add3A_1627 : vector<16xi32>
        %gather3A_1629 = tpu.vector_load_idx %arg7[%add3A_1628] : memref<32768xf32, #tpu.memory_space<vmem>>[vector<16xi32>], vector<16xf32>,
        %gt3A_1630 = arith.cmpf ogt, %gather3A_1629, %select_n3A_1572 : vector<16xf32>
        %select_n3A_1631 = arith.select %gt3A_1630, %gather3A_1629, %select_n3A_1572 : vector<16xi1>, vector<16xf32>
        %select_n3A_1632 = arith.select %gt3A_1630, %add3A_1611, %select_n3A_1573 : vector<16xi1>, vector<16xi32>
        %add3A_1633 = arith.constant 1 : i32
        %add3A_1634 = vector.broadcast %add3A_1633 : i32 to vector<16xi32>
        %add3A_1635 = arith.addi %add3A_1576, %add3A_1634 : vector<16xi32>
        %gather3A_1636 = tpu.vector_load_idx %arg7[%add3A_1635] : memref<32768xf32, #tpu.memory_space<vmem>>[vector<16xi32>], vector<16xf32>,
        %gt3A_1637 = arith.cmpf ogt, %gather3A_1636, %select_n3A_1579 : vector<16xf32>
        %select_n3A_1638 = arith.select %gt3A_1637, %gather3A_1636, %select_n3A_1579 : vector<16xi1>, vector<16xf32>
        %select_n3A_1639 = arith.select %gt3A_1637, %add3A_1611, %select_n3A_1580 : vector<16xi1>, vector<16xi32>
        %add3A_1640 = arith.constant 1 : i32
        %add3A_1641 = vector.broadcast %add3A_1640 : i32 to vector<16xi32>
        %add3A_1642 = arith.addi %add3A_1583, %add3A_1641 : vector<16xi32>
        %gather3A_1643 = tpu.vector_load_idx %arg7[%add3A_1642] : memref<32768xf32, #tpu.memory_space<vmem>>[vector<16xi32>], vector<16xf32>,
        %gt3A_1644 = arith.cmpf ogt, %gather3A_1643, %select_n3A_1586 : vector<16xf32>
        %select_n3A_1645 = arith.select %gt3A_1644, %gather3A_1643, %select_n3A_1586 : vector<16xi1>, vector<16xf32>
        %select_n3A_1646 = arith.select %gt3A_1644, %add3A_1611, %select_n3A_1587 : vector<16xi1>, vector<16xi32>
        %add3A_1647 = arith.constant 1 : i32
        %add3A_1648 = vector.broadcast %add3A_1647 : i32 to vector<16xi32>
        %add3A_1649 = arith.addi %add3A_1590, %add3A_1648 : vector<16xi32>
        %gather3A_1650 = tpu.vector_load_idx %arg7[%add3A_1649] : memref<32768xf32, #tpu.memory_space<vmem>>[vector<16xi32>], vector<16xf32>,
        %gt3A_1651 = arith.cmpf ogt, %gather3A_1650, %select_n3A_1593 : vector<16xf32>
        %select_n3A_1652 = arith.select %gt3A_1651, %gather3A_1650, %select_n3A_1593 : vector<16xi1>, vector<16xf32>
        %select_n3A_1653 = arith.select %gt3A_1651, %add3A_1611, %select_n3A_1594 : vector<16xi1>, vector<16xi32>
        %add3A_1654 = arith.constant 1 : i32
        %add3A_1655 = vector.broadcast %add3A_1654 : i32 to vector<16xi32>
        %add3A_1656 = arith.addi %add3A_1597, %add3A_1655 : vector<16xi32>
        %gather3A_1657 = tpu.vector_load_idx %arg7[%add3A_1656] : memref<32768xf32, #tpu.memory_space<vmem>>[vector<16xi32>], vector<16xf32>,
        %gt3A_1658 = arith.cmpf ogt, %gather3A_1657, %select_n3A_1600 : vector<16xf32>
        %select_n3A_1659 = arith.select %gt3A_1658, %gather3A_1657, %select_n3A_1600 : vector<16xi1>, vector<16xf32>
        %select_n3A_1660 = arith.select %gt3A_1658, %add3A_1611, %select_n3A_1601 : vector<16xi1>, vector<16xi32>
        %add3A_1661 = arith.constant 1 : i32
        %add3A_1662 = vector.broadcast %add3A_1661 : i32 to vector<16xi32>
        %add3A_1663 = arith.addi %add3A_1604, %add3A_1662 : vector<16xi32>
        %gather3A_1664 = tpu.vector_load_idx %arg7[%add3A_1663] : memref<32768xf32, #tpu.memory_space<vmem>>[vector<16xi32>], vector<16xf32>,
        %gt3A_1665 = arith.cmpf ogt, %gather3A_1664, %select_n3A_1607 : vector<16xf32>
        %select_n3A_1666 = arith.select %gt3A_1665, %gather3A_1664, %select_n3A_1607 : vector<16xi1>, vector<16xf32>
        %select_n3A_1667 = arith.select %gt3A_1665, %add3A_1611, %select_n3A_1608 : vector<16xi1>, vector<16xi32>
        %add3A_1668 = arith.constant 1 : i32
        %add3A_1669 = vector.broadcast %add3A_1668 : i32 to vector<16xi32>
        %add3A_1670 = arith.addi %add3A_1611, %add3A_1669 : vector<16xi32>
        %add3A_1671 = arith.constant 1 : i32
        %add3A_1672 = vector.broadcast %add3A_1671 : i32 to vector<16xi32>
        %add3A_1673 = arith.addi %add3A_1614, %add3A_1672 : vector<16xi32>
        %gather3A_1674 = tpu.vector_load_idx %arg7[%add3A_1673] : memref<32768xf32, #tpu.memory_space<vmem>>[vector<16xi32>], vector<16xf32>,
        %gt3A_1675 = arith.cmpf ogt, %gather3A_1674, %select_n3A_1617 : vector<16xf32>
        %select_n3A_1676 = arith.select %gt3A_1675, %gather3A_1674, %select_n3A_1617 : vector<16xi1>, vector<16xf32>
        %select_n3A_1677 = arith.select %gt3A_1675, %add3A_1670, %select_n3A_1618 : vector<16xi1>, vector<16xi32>
        %add3A_1678 = arith.constant 1 : i32
        %add3A_1679 = vector.broadcast %add3A_1678 : i32 to vector<16xi32>
        %add3A_1680 = arith.addi %add3A_1621, %add3A_1679 : vector<16xi32>
        %gather3A_1681 = tpu.vector_load_idx %arg7[%add3A_1680] : memref<32768xf32, #tpu.memory_space<vmem>>[vector<16xi32>], vector<16xf32>,
        %gt3A_1682 = arith.cmpf ogt, %gather3A_1681, %select_n3A_1624 : vector<16xf32>
        %select_n3A_1683 = arith.select %gt3A_1682, %gather3A_1681, %select_n3A_1624 : vector<16xi1>, vector<16xf32>
        %select_n3A_1684 = arith.select %gt3A_1682, %add3A_1670, %select_n3A_1625 : vector<16xi1>, vector<16xi32>
        %add3A_1685 = arith.constant 1 : i32
        %add3A_1686 = vector.broadcast %add3A_1685 : i32 to vector<16xi32>
        %add3A_1687 = arith.addi %add3A_1628, %add3A_1686 : vector<16xi32>
        %gather3A_1688 = tpu.vector_load_idx %arg7[%add3A_1687] : memref<32768xf32, #tpu.memory_space<vmem>>[vector<16xi32>], vector<16xf32>,
        %gt3A_1689 = arith.cmpf ogt, %gather3A_1688, %select_n3A_1631 : vector<16xf32>
        %select_n3A_1690 = arith.select %gt3A_1689, %gather3A_1688, %select_n3A_1631 : vector<16xi1>, vector<16xf32>
        %select_n3A_1691 = arith.select %gt3A_1689, %add3A_1670, %select_n3A_1632 : vector<16xi1>, vector<16xi32>
        %add3A_1692 = arith.constant 1 : i32
        %add3A_1693 = vector.broadcast %add3A_1692 : i32 to vector<16xi32>
        %add3A_1694 = arith.addi %add3A_1635, %add3A_1693 : vector<16xi32>
        %gather3A_1695 = tpu.vector_load_idx %arg7[%add3A_1694] : memref<32768xf32, #tpu.memory_space<vmem>>[vector<16xi32>], vector<16xf32>,
        %gt3A_1696 = arith.cmpf ogt, %gather3A_1695, %select_n3A_1638 : vector<16xf32>
        %select_n3A_1697 = arith.select %gt3A_1696, %gather3A_1695, %select_n3A_1638 : vector<16xi1>, vector<16xf32>
        %select_n3A_1698 = arith.select %gt3A_1696, %add3A_1670, %select_n3A_1639 : vector<16xi1>, vector<16xi32>
        %add3A_1699 = arith.constant 1 : i32
        %add3A_1700 = vector.broadcast %add3A_1699 : i32 to vector<16xi32>
        %add3A_1701 = arith.addi %add3A_1642, %add3A_1700 : vector<16xi32>
        %gather3A_1702 = tpu.vector_load_idx %arg7[%add3A_1701] : memref<32768xf32, #tpu.memory_space<vmem>>[vector<16xi32>], vector<16xf32>,
        %gt3A_1703 = arith.cmpf ogt, %gather3A_1702, %select_n3A_1645 : vector<16xf32>
        %select_n3A_1704 = arith.select %gt3A_1703, %gather3A_1702, %select_n3A_1645 : vector<16xi1>, vector<16xf32>
        %select_n3A_1705 = arith.select %gt3A_1703, %add3A_1670, %select_n3A_1646 : vector<16xi1>, vector<16xi32>
        %add3A_1706 = arith.constant 1 : i32
        %add3A_1707 = vector.broadcast %add3A_1706 : i32 to vector<16xi32>
        %add3A_1708 = arith.addi %add3A_1649, %add3A_1707 : vector<16xi32>
        %gather3A_1709 = tpu.vector_load_idx %arg7[%add3A_1708] : memref<32768xf32, #tpu.memory_space<vmem>>[vector<16xi32>], vector<16xf32>,
        %gt3A_1710 = arith.cmpf ogt, %gather3A_1709, %select_n3A_1652 : vector<16xf32>
        %select_n3A_1711 = arith.select %gt3A_1710, %gather3A_1709, %select_n3A_1652 : vector<16xi1>, vector<16xf32>
        %select_n3A_1712 = arith.select %gt3A_1710, %add3A_1670, %select_n3A_1653 : vector<16xi1>, vector<16xi32>
        %add3A_1713 = arith.constant 1 : i32
        %add3A_1714 = vector.broadcast %add3A_1713 : i32 to vector<16xi32>
        %add3A_1715 = arith.addi %add3A_1656, %add3A_1714 : vector<16xi32>
        %gather3A_1716 = tpu.vector_load_idx %arg7[%add3A_1715] : memref<32768xf32, #tpu.memory_space<vmem>>[vector<16xi32>], vector<16xf32>,
        %gt3A_1717 = arith.cmpf ogt, %gather3A_1716, %select_n3A_1659 : vector<16xf32>
        %select_n3A_1718 = arith.select %gt3A_1717, %gather3A_1716, %select_n3A_1659 : vector<16xi1>, vector<16xf32>
        %select_n3A_1719 = arith.select %gt3A_1717, %add3A_1670, %select_n3A_1660 : vector<16xi1>, vector<16xi32>
        %add3A_1720 = arith.constant 1 : i32
        %add3A_1721 = vector.broadcast %add3A_1720 : i32 to vector<16xi32>
        %add3A_1722 = arith.addi %add3A_1663, %add3A_1721 : vector<16xi32>
        %gather3A_1723 = tpu.vector_load_idx %arg7[%add3A_1722] : memref<32768xf32, #tpu.memory_space<vmem>>[vector<16xi32>], vector<16xf32>,
        %gt3A_1724 = arith.cmpf ogt, %gather3A_1723, %select_n3A_1666 : vector<16xf32>
        %select_n3A_1725 = arith.select %gt3A_1724, %gather3A_1723, %select_n3A_1666 : vector<16xi1>, vector<16xf32>
        %select_n3A_1726 = arith.select %gt3A_1724, %add3A_1670, %select_n3A_1667 : vector<16xi1>, vector<16xi32>
        %add3A_1727 = arith.constant 1 : i32
        %add3A_1728 = vector.broadcast %add3A_1727 : i32 to vector<16xi32>
        %add3A_1729 = arith.addi %add3A_1670, %add3A_1728 : vector<16xi32>
        %add3A_1730 = arith.constant 1 : i32
        %add3A_1731 = vector.broadcast %add3A_1730 : i32 to vector<16xi32>
        %add3A_1732 = arith.addi %add3A_1673, %add3A_1731 : vector<16xi32>
        %gather3A_1733 = tpu.vector_load_idx %arg7[%add3A_1732] : memref<32768xf32, #tpu.memory_space<vmem>>[vector<16xi32>], vector<16xf32>,
        %gt3A_1734 = arith.cmpf ogt, %gather3A_1733, %select_n3A_1676 : vector<16xf32>
        %select_n3A_1735 = arith.select %gt3A_1734, %gather3A_1733, %select_n3A_1676 : vector<16xi1>, vector<16xf32>
        %select_n3A_1736 = arith.select %gt3A_1734, %add3A_1729, %select_n3A_1677 : vector<16xi1>, vector<16xi32>
        %add3A_1737 = arith.constant 1 : i32
        %add3A_1738 = vector.broadcast %add3A_1737 : i32 to vector<16xi32>
        %add3A_1739 = arith.addi %add3A_1680, %add3A_1738 : vector<16xi32>
        %gather3A_1740 = tpu.vector_load_idx %arg7[%add3A_1739] : memref<32768xf32, #tpu.memory_space<vmem>>[vector<16xi32>], vector<16xf32>,
        %gt3A_1741 = arith.cmpf ogt, %gather3A_1740, %select_n3A_1683 : vector<16xf32>
        %select_n3A_1742 = arith.select %gt3A_1741, %gather3A_1740, %select_n3A_1683 : vector<16xi1>, vector<16xf32>
        %select_n3A_1743 = arith.select %gt3A_1741, %add3A_1729, %select_n3A_1684 : vector<16xi1>, vector<16xi32>
        %add3A_1744 = arith.constant 1 : i32
        %add3A_1745 = vector.broadcast %add3A_1744 : i32 to vector<16xi32>
        %add3A_1746 = arith.addi %add3A_1687, %add3A_1745 : vector<16xi32>
        %gather3A_1747 = tpu.vector_load_idx %arg7[%add3A_1746] : memref<32768xf32, #tpu.memory_space<vmem>>[vector<16xi32>], vector<16xf32>,
        %gt3A_1748 = arith.cmpf ogt, %gather3A_1747, %select_n3A_1690 : vector<16xf32>
        %select_n3A_1749 = arith.select %gt3A_1748, %gather3A_1747, %select_n3A_1690 : vector<16xi1>, vector<16xf32>
        %select_n3A_1750 = arith.select %gt3A_1748, %add3A_1729, %select_n3A_1691 : vector<16xi1>, vector<16xi32>
        %add3A_1751 = arith.constant 1 : i32
        %add3A_1752 = vector.broadcast %add3A_1751 : i32 to vector<16xi32>
        %add3A_1753 = arith.addi %add3A_1694, %add3A_1752 : vector<16xi32>
        %gather3A_1754 = tpu.vector_load_idx %arg7[%add3A_1753] : memref<32768xf32, #tpu.memory_space<vmem>>[vector<16xi32>], vector<16xf32>,
        %gt3A_1755 = arith.cmpf ogt, %gather3A_1754, %select_n3A_1697 : vector<16xf32>
        %select_n3A_1756 = arith.select %gt3A_1755, %gather3A_1754, %select_n3A_1697 : vector<16xi1>, vector<16xf32>
        %select_n3A_1757 = arith.select %gt3A_1755, %add3A_1729, %select_n3A_1698 : vector<16xi1>, vector<16xi32>
        %add3A_1758 = arith.constant 1 : i32
        %add3A_1759 = vector.broadcast %add3A_1758 : i32 to vector<16xi32>
        %add3A_1760 = arith.addi %add3A_1701, %add3A_1759 : vector<16xi32>
        %gather3A_1761 = tpu.vector_load_idx %arg7[%add3A_1760] : memref<32768xf32, #tpu.memory_space<vmem>>[vector<16xi32>], vector<16xf32>,
        %gt3A_1762 = arith.cmpf ogt, %gather3A_1761, %select_n3A_1704 : vector<16xf32>
        %select_n3A_1763 = arith.select %gt3A_1762, %gather3A_1761, %select_n3A_1704 : vector<16xi1>, vector<16xf32>
        %select_n3A_1764 = arith.select %gt3A_1762, %add3A_1729, %select_n3A_1705 : vector<16xi1>, vector<16xi32>
        %add3A_1765 = arith.constant 1 : i32
        %add3A_1766 = vector.broadcast %add3A_1765 : i32 to vector<16xi32>
        %add3A_1767 = arith.addi %add3A_1708, %add3A_1766 : vector<16xi32>
        %gather3A_1768 = tpu.vector_load_idx %arg7[%add3A_1767] : memref<32768xf32, #tpu.memory_space<vmem>>[vector<16xi32>], vector<16xf32>,
        %gt3A_1769 = arith.cmpf ogt, %gather3A_1768, %select_n3A_1711 : vector<16xf32>
        %select_n3A_1770 = arith.select %gt3A_1769, %gather3A_1768, %select_n3A_1711 : vector<16xi1>, vector<16xf32>
        %select_n3A_1771 = arith.select %gt3A_1769, %add3A_1729, %select_n3A_1712 : vector<16xi1>, vector<16xi32>
        %add3A_1772 = arith.constant 1 : i32
        %add3A_1773 = vector.broadcast %add3A_1772 : i32 to vector<16xi32>
        %add3A_1774 = arith.addi %add3A_1715, %add3A_1773 : vector<16xi32>
        %gather3A_1775 = tpu.vector_load_idx %arg7[%add3A_1774] : memref<32768xf32, #tpu.memory_space<vmem>>[vector<16xi32>], vector<16xf32>,
        %gt3A_1776 = arith.cmpf ogt, %gather3A_1775, %select_n3A_1718 : vector<16xf32>
        %select_n3A_1777 = arith.select %gt3A_1776, %gather3A_1775, %select_n3A_1718 : vector<16xi1>, vector<16xf32>
        %select_n3A_1778 = arith.select %gt3A_1776, %add3A_1729, %select_n3A_1719 : vector<16xi1>, vector<16xi32>
        %add3A_1779 = arith.constant 1 : i32
        %add3A_1780 = vector.broadcast %add3A_1779 : i32 to vector<16xi32>
        %add3A_1781 = arith.addi %add3A_1722, %add3A_1780 : vector<16xi32>
        %gather3A_1782 = tpu.vector_load_idx %arg7[%add3A_1781] : memref<32768xf32, #tpu.memory_space<vmem>>[vector<16xi32>], vector<16xf32>,
        %gt3A_1783 = arith.cmpf ogt, %gather3A_1782, %select_n3A_1725 : vector<16xf32>
        %select_n3A_1784 = arith.select %gt3A_1783, %gather3A_1782, %select_n3A_1725 : vector<16xi1>, vector<16xf32>
        %select_n3A_1785 = arith.select %gt3A_1783, %add3A_1729, %select_n3A_1726 : vector<16xi1>, vector<16xi32>
        %add3A_1786 = arith.constant 1 : i32
        %add3A_1787 = vector.broadcast %add3A_1786 : i32 to vector<16xi32>
        %add3A_1788 = arith.addi %add3A_1729, %add3A_1787 : vector<16xi32>
        %add3A_1789 = arith.constant 1 : i32
        %add3A_1790 = vector.broadcast %add3A_1789 : i32 to vector<16xi32>
        %add3A_1791 = arith.addi %add3A_1732, %add3A_1790 : vector<16xi32>
        %gather3A_1792 = tpu.vector_load_idx %arg7[%add3A_1791] : memref<32768xf32, #tpu.memory_space<vmem>>[vector<16xi32>], vector<16xf32>,
        %gt3A_1793 = arith.cmpf ogt, %gather3A_1792, %select_n3A_1735 : vector<16xf32>
        %select_n3A_1794 = arith.select %gt3A_1793, %gather3A_1792, %select_n3A_1735 : vector<16xi1>, vector<16xf32>
        %select_n3A_1795 = arith.select %gt3A_1793, %add3A_1788, %select_n3A_1736 : vector<16xi1>, vector<16xi32>
        %add3A_1796 = arith.constant 1 : i32
        %add3A_1797 = vector.broadcast %add3A_1796 : i32 to vector<16xi32>
        %add3A_1798 = arith.addi %add3A_1739, %add3A_1797 : vector<16xi32>
        %gather3A_1799 = tpu.vector_load_idx %arg7[%add3A_1798] : memref<32768xf32, #tpu.memory_space<vmem>>[vector<16xi32>], vector<16xf32>,
        %gt3A_1800 = arith.cmpf ogt, %gather3A_1799, %select_n3A_1742 : vector<16xf32>
        %select_n3A_1801 = arith.select %gt3A_1800, %gather3A_1799, %select_n3A_1742 : vector<16xi1>, vector<16xf32>
        %select_n3A_1802 = arith.select %gt3A_1800, %add3A_1788, %select_n3A_1743 : vector<16xi1>, vector<16xi32>
        %add3A_1803 = arith.constant 1 : i32
        %add3A_1804 = vector.broadcast %add3A_1803 : i32 to vector<16xi32>
        %add3A_1805 = arith.addi %add3A_1746, %add3A_1804 : vector<16xi32>
        %gather3A_1806 = tpu.vector_load_idx %arg7[%add3A_1805] : memref<32768xf32, #tpu.memory_space<vmem>>[vector<16xi32>], vector<16xf32>,
        %gt3A_1807 = arith.cmpf ogt, %gather3A_1806, %select_n3A_1749 : vector<16xf32>
        %select_n3A_1808 = arith.select %gt3A_1807, %gather3A_1806, %select_n3A_1749 : vector<16xi1>, vector<16xf32>
        %select_n3A_1809 = arith.select %gt3A_1807, %add3A_1788, %select_n3A_1750 : vector<16xi1>, vector<16xi32>
        %add3A_1810 = arith.constant 1 : i32
        %add3A_1811 = vector.broadcast %add3A_1810 : i32 to vector<16xi32>
        %add3A_1812 = arith.addi %add3A_1753, %add3A_1811 : vector<16xi32>
        %gather3A_1813 = tpu.vector_load_idx %arg7[%add3A_1812] : memref<32768xf32, #tpu.memory_space<vmem>>[vector<16xi32>], vector<16xf32>,
        %gt3A_1814 = arith.cmpf ogt, %gather3A_1813, %select_n3A_1756 : vector<16xf32>
        %select_n3A_1815 = arith.select %gt3A_1814, %gather3A_1813, %select_n3A_1756 : vector<16xi1>, vector<16xf32>
        %select_n3A_1816 = arith.select %gt3A_1814, %add3A_1788, %select_n3A_1757 : vector<16xi1>, vector<16xi32>
        %add3A_1817 = arith.constant 1 : i32
        %add3A_1818 = vector.broadcast %add3A_1817 : i32 to vector<16xi32>
        %add3A_1819 = arith.addi %add3A_1760, %add3A_1818 : vector<16xi32>
        %gather3A_1820 = tpu.vector_load_idx %arg7[%add3A_1819] : memref<32768xf32, #tpu.memory_space<vmem>>[vector<16xi32>], vector<16xf32>,
        %gt3A_1821 = arith.cmpf ogt, %gather3A_1820, %select_n3A_1763 : vector<16xf32>
        %select_n3A_1822 = arith.select %gt3A_1821, %gather3A_1820, %select_n3A_1763 : vector<16xi1>, vector<16xf32>
        %select_n3A_1823 = arith.select %gt3A_1821, %add3A_1788, %select_n3A_1764 : vector<16xi1>, vector<16xi32>
        %add3A_1824 = arith.constant 1 : i32
        %add3A_1825 = vector.broadcast %add3A_1824 : i32 to vector<16xi32>
        %add3A_1826 = arith.addi %add3A_1767, %add3A_1825 : vector<16xi32>
        %gather3A_1827 = tpu.vector_load_idx %arg7[%add3A_1826] : memref<32768xf32, #tpu.memory_space<vmem>>[vector<16xi32>], vector<16xf32>,
        %gt3A_1828 = arith.cmpf ogt, %gather3A_1827, %select_n3A_1770 : vector<16xf32>
        %select_n3A_1829 = arith.select %gt3A_1828, %gather3A_1827, %select_n3A_1770 : vector<16xi1>, vector<16xf32>
        %select_n3A_1830 = arith.select %gt3A_1828, %add3A_1788, %select_n3A_1771 : vector<16xi1>, vector<16xi32>
        %add3A_1831 = arith.constant 1 : i32
        %add3A_1832 = vector.broadcast %add3A_1831 : i32 to vector<16xi32>
        %add3A_1833 = arith.addi %add3A_1774, %add3A_1832 : vector<16xi32>
        %gather3A_1834 = tpu.vector_load_idx %arg7[%add3A_1833] : memref<32768xf32, #tpu.memory_space<vmem>>[vector<16xi32>], vector<16xf32>,
        %gt3A_1835 = arith.cmpf ogt, %gather3A_1834, %select_n3A_1777 : vector<16xf32>
        %select_n3A_1836 = arith.select %gt3A_1835, %gather3A_1834, %select_n3A_1777 : vector<16xi1>, vector<16xf32>
        %select_n3A_1837 = arith.select %gt3A_1835, %add3A_1788, %select_n3A_1778 : vector<16xi1>, vector<16xi32>
        %add3A_1838 = arith.constant 1 : i32
        %add3A_1839 = vector.broadcast %add3A_1838 : i32 to vector<16xi32>
        %add3A_1840 = arith.addi %add3A_1781, %add3A_1839 : vector<16xi32>
        %gather3A_1841 = tpu.vector_load_idx %arg7[%add3A_1840] : memref<32768xf32, #tpu.memory_space<vmem>>[vector<16xi32>], vector<16xf32>,
        %gt3A_1842 = arith.cmpf ogt, %gather3A_1841, %select_n3A_1784 : vector<16xf32>
        %select_n3A_1843 = arith.select %gt3A_1842, %gather3A_1841, %select_n3A_1784 : vector<16xi1>, vector<16xf32>
        %select_n3A_1844 = arith.select %gt3A_1842, %add3A_1788, %select_n3A_1785 : vector<16xi1>, vector<16xi32>
        %add3A_1845 = arith.constant 1 : i32
        %add3A_1846 = vector.broadcast %add3A_1845 : i32 to vector<16xi32>
        %add3A_1847 = arith.addi %add3A_1788, %add3A_1846 : vector<16xi32>
        %add3A_1848 = arith.constant 1 : i32
        %add3A_1849 = vector.broadcast %add3A_1848 : i32 to vector<16xi32>
        %add3A_1850 = arith.addi %add3A_1791, %add3A_1849 : vector<16xi32>
        %gather3A_1851 = tpu.vector_load_idx %arg7[%add3A_1850] : memref<32768xf32, #tpu.memory_space<vmem>>[vector<16xi32>], vector<16xf32>,
        %gt3A_1852 = arith.cmpf ogt, %gather3A_1851, %select_n3A_1794 : vector<16xf32>
        %select_n3A_1853 = arith.select %gt3A_1852, %gather3A_1851, %select_n3A_1794 : vector<16xi1>, vector<16xf32>
        %select_n3A_1854 = arith.select %gt3A_1852, %add3A_1847, %select_n3A_1795 : vector<16xi1>, vector<16xi32>
        %add3A_1855 = arith.constant 1 : i32
        %add3A_1856 = vector.broadcast %add3A_1855 : i32 to vector<16xi32>
        %add3A_1857 = arith.addi %add3A_1798, %add3A_1856 : vector<16xi32>
        %gather3A_1858 = tpu.vector_load_idx %arg7[%add3A_1857] : memref<32768xf32, #tpu.memory_space<vmem>>[vector<16xi32>], vector<16xf32>,
        %gt3A_1859 = arith.cmpf ogt, %gather3A_1858, %select_n3A_1801 : vector<16xf32>
        %select_n3A_1860 = arith.select %gt3A_1859, %gather3A_1858, %select_n3A_1801 : vector<16xi1>, vector<16xf32>
        %select_n3A_1861 = arith.select %gt3A_1859, %add3A_1847, %select_n3A_1802 : vector<16xi1>, vector<16xi32>
        %add3A_1862 = arith.constant 1 : i32
        %add3A_1863 = vector.broadcast %add3A_1862 : i32 to vector<16xi32>
        %add3A_1864 = arith.addi %add3A_1805, %add3A_1863 : vector<16xi32>
        %gather3A_1865 = tpu.vector_load_idx %arg7[%add3A_1864] : memref<32768xf32, #tpu.memory_space<vmem>>[vector<16xi32>], vector<16xf32>,
        %gt3A_1866 = arith.cmpf ogt, %gather3A_1865, %select_n3A_1808 : vector<16xf32>
        %select_n3A_1867 = arith.select %gt3A_1866, %gather3A_1865, %select_n3A_1808 : vector<16xi1>, vector<16xf32>
        %select_n3A_1868 = arith.select %gt3A_1866, %add3A_1847, %select_n3A_1809 : vector<16xi1>, vector<16xi32>
        %add3A_1869 = arith.constant 1 : i32
        %add3A_1870 = vector.broadcast %add3A_1869 : i32 to vector<16xi32>
        %add3A_1871 = arith.addi %add3A_1812, %add3A_1870 : vector<16xi32>
        %gather3A_1872 = tpu.vector_load_idx %arg7[%add3A_1871] : memref<32768xf32, #tpu.memory_space<vmem>>[vector<16xi32>], vector<16xf32>,
        %gt3A_1873 = arith.cmpf ogt, %gather3A_1872, %select_n3A_1815 : vector<16xf32>
        %select_n3A_1874 = arith.select %gt3A_1873, %gather3A_1872, %select_n3A_1815 : vector<16xi1>, vector<16xf32>
        %select_n3A_1875 = arith.select %gt3A_1873, %add3A_1847, %select_n3A_1816 : vector<16xi1>, vector<16xi32>
        %add3A_1876 = arith.constant 1 : i32
        %add3A_1877 = vector.broadcast %add3A_1876 : i32 to vector<16xi32>
        %add3A_1878 = arith.addi %add3A_1819, %add3A_1877 : vector<16xi32>
        %gather3A_1879 = tpu.vector_load_idx %arg7[%add3A_1878] : memref<32768xf32, #tpu.memory_space<vmem>>[vector<16xi32>], vector<16xf32>,
        %gt3A_1880 = arith.cmpf ogt, %gather3A_1879, %select_n3A_1822 : vector<16xf32>
        %select_n3A_1881 = arith.select %gt3A_1880, %gather3A_1879, %select_n3A_1822 : vector<16xi1>, vector<16xf32>
        %select_n3A_1882 = arith.select %gt3A_1880, %add3A_1847, %select_n3A_1823 : vector<16xi1>, vector<16xi32>
        %add3A_1883 = arith.constant 1 : i32
        %add3A_1884 = vector.broadcast %add3A_1883 : i32 to vector<16xi32>
        %add3A_1885 = arith.addi %add3A_1826, %add3A_1884 : vector<16xi32>
        %gather3A_1886 = tpu.vector_load_idx %arg7[%add3A_1885] : memref<32768xf32, #tpu.memory_space<vmem>>[vector<16xi32>], vector<16xf32>,
        %gt3A_1887 = arith.cmpf ogt, %gather3A_1886, %select_n3A_1829 : vector<16xf32>
        %select_n3A_1888 = arith.select %gt3A_1887, %gather3A_1886, %select_n3A_1829 : vector<16xi1>, vector<16xf32>
        %select_n3A_1889 = arith.select %gt3A_1887, %add3A_1847, %select_n3A_1830 : vector<16xi1>, vector<16xi32>
        %add3A_1890 = arith.constant 1 : i32
        %add3A_1891 = vector.broadcast %add3A_1890 : i32 to vector<16xi32>
        %add3A_1892 = arith.addi %add3A_1833, %add3A_1891 : vector<16xi32>
        %gather3A_1893 = tpu.vector_load_idx %arg7[%add3A_1892] : memref<32768xf32, #tpu.memory_space<vmem>>[vector<16xi32>], vector<16xf32>,
        %gt3A_1894 = arith.cmpf ogt, %gather3A_1893, %select_n3A_1836 : vector<16xf32>
        %select_n3A_1895 = arith.select %gt3A_1894, %gather3A_1893, %select_n3A_1836 : vector<16xi1>, vector<16xf32>
        %select_n3A_1896 = arith.select %gt3A_1894, %add3A_1847, %select_n3A_1837 : vector<16xi1>, vector<16xi32>
        %add3A_1897 = arith.constant 1 : i32
        %add3A_1898 = vector.broadcast %add3A_1897 : i32 to vector<16xi32>
        %add3A_1899 = arith.addi %add3A_1840, %add3A_1898 : vector<16xi32>
        %gather3A_1900 = tpu.vector_load_idx %arg7[%add3A_1899] : memref<32768xf32, #tpu.memory_space<vmem>>[vector<16xi32>], vector<16xf32>,
        %gt3A_1901 = arith.cmpf ogt, %gather3A_1900, %select_n3A_1843 : vector<16xf32>
        %select_n3A_1902 = arith.select %gt3A_1901, %gather3A_1900, %select_n3A_1843 : vector<16xi1>, vector<16xf32>
        %select_n3A_1903 = arith.select %gt3A_1901, %add3A_1847, %select_n3A_1844 : vector<16xi1>, vector<16xi32>
        %add3A_1904 = arith.constant 32 : i32
        %add3A_1905 = vector.broadcast %add3A_1904 : i32 to vector<16xi32>
        %add3A_1906 = arith.addi %select_n3A_1861, %add3A_1905 : vector<16xi32>
        %gt3A_1907 = arith.cmpf ogt, %select_n3A_1860, %select_n3A_1853 : vector<16xf32>
        %select_n3A_1908 = arith.select %gt3A_1907, %select_n3A_1860, %select_n3A_1853 : vector<16xi1>, vector<16xf32>
        %select_n3A_1909 = arith.select %gt3A_1907, %add3A_1906, %select_n3A_1854 : vector<16xi1>, vector<16xi32>
        %add3A_1910 = arith.constant 64 : i32
        %add3A_1911 = vector.broadcast %add3A_1910 : i32 to vector<16xi32>
        %add3A_1912 = arith.addi %select_n3A_1868, %add3A_1911 : vector<16xi32>
        %gt3A_1913 = arith.cmpf ogt, %select_n3A_1867, %select_n3A_1908 : vector<16xf32>
        %select_n3A_1914 = arith.select %gt3A_1913, %select_n3A_1867, %select_n3A_1908 : vector<16xi1>, vector<16xf32>
        %select_n3A_1915 = arith.select %gt3A_1913, %add3A_1912, %select_n3A_1909 : vector<16xi1>, vector<16xi32>
        %add3A_1916 = arith.constant 96 : i32
        %add3A_1917 = vector.broadcast %add3A_1916 : i32 to vector<16xi32>
        %add3A_1918 = arith.addi %select_n3A_1875, %add3A_1917 : vector<16xi32>
        %gt3A_1919 = arith.cmpf ogt, %select_n3A_1874, %select_n3A_1914 : vector<16xf32>
        %select_n3A_1920 = arith.select %gt3A_1919, %select_n3A_1874, %select_n3A_1914 : vector<16xi1>, vector<16xf32>
        %select_n3A_1921 = arith.select %gt3A_1919, %add3A_1918, %select_n3A_1915 : vector<16xi1>, vector<16xi32>
        %add3A_1922 = arith.constant 128 : i32
        %add3A_1923 = vector.broadcast %add3A_1922 : i32 to vector<16xi32>
        %add3A_1924 = arith.addi %select_n3A_1882, %add3A_1923 : vector<16xi32>
        %gt3A_1925 = arith.cmpf ogt, %select_n3A_1881, %select_n3A_1920 : vector<16xf32>
        %select_n3A_1926 = arith.select %gt3A_1925, %select_n3A_1881, %select_n3A_1920 : vector<16xi1>, vector<16xf32>
        %select_n3A_1927 = arith.select %gt3A_1925, %add3A_1924, %select_n3A_1921 : vector<16xi1>, vector<16xi32>
        %add3A_1928 = arith.constant 160 : i32
        %add3A_1929 = vector.broadcast %add3A_1928 : i32 to vector<16xi32>
        %add3A_1930 = arith.addi %select_n3A_1889, %add3A_1929 : vector<16xi32>
        %gt3A_1931 = arith.cmpf ogt, %select_n3A_1888, %select_n3A_1926 : vector<16xf32>
        %select_n3A_1932 = arith.select %gt3A_1931, %select_n3A_1888, %select_n3A_1926 : vector<16xi1>, vector<16xf32>
        %select_n3A_1933 = arith.select %gt3A_1931, %add3A_1930, %select_n3A_1927 : vector<16xi1>, vector<16xi32>
        %add3A_1934 = arith.constant 192 : i32
        %add3A_1935 = vector.broadcast %add3A_1934 : i32 to vector<16xi32>
        %add3A_1936 = arith.addi %select_n3A_1896, %add3A_1935 : vector<16xi32>
        %gt3A_1937 = arith.cmpf ogt, %select_n3A_1895, %select_n3A_1932 : vector<16xf32>
        %select_n3A_1938 = arith.select %gt3A_1937, %select_n3A_1895, %select_n3A_1932 : vector<16xi1>, vector<16xf32>
        %select_n3A_1939 = arith.select %gt3A_1937, %add3A_1936, %select_n3A_1933 : vector<16xi1>, vector<16xi32>
        %add3A_1940 = arith.constant 224 : i32
        %add3A_1941 = vector.broadcast %add3A_1940 : i32 to vector<16xi32>
        %add3A_1942 = arith.addi %select_n3A_1903, %add3A_1941 : vector<16xi32>
        %gt3A_1943 = arith.cmpf ogt, %select_n3A_1902, %select_n3A_1938 : vector<16xf32>
        %select_n3A_1944 = arith.select %gt3A_1943, %select_n3A_1902, %select_n3A_1938 : vector<16xi1>, vector<16xf32>
        %select_n3A_1945 = arith.select %gt3A_1943, %add3A_1942, %select_n3A_1939 : vector<16xi1>, vector<16xi32>
        %gt3A_1946 = arith.constant 0.000000e+00 : f32
        %gt3A_1947 = vector.broadcast %gt3A_1946 : f32 to vector<16xf32>
        %gt3A_1948 = arith.cmpf ogt, %select_n3A_1944, %gt3A_1947 : vector<16xf32>
        %select_n3A_1949 = arith.select %gt3A_1948, %select_n3A_1945, %broadcast_in_dim3A_14 : vector<16xi1>, vector<16xi32>
        %mul3A_1950 = arith.constant 16 : i32
        %mul3A_1951 = arith.muli %scan3A_40, %mul3A_1950 : i32
        %swap3A_1952 = arith.index_cast %mul3A_1951 : i32 to index
        %swap3A_1953 = tpu.vector_load %arg9[%swap3A_1952] {strides = array<i32>} : memref<128xi32, #tpu.memory_space<vmem>>, vector<16xi32>,
        tpu.vector_store %arg9[%swap3A_1952], %select_n3A_1949 {strides = array<i32>} : memref<128xi32, #tpu.memory_space<vmem>>, vector<16xi32>,
        %select_n3A_1954 = arith.select %gt3A_1948, %broadcast_in_dim3A_10, %broadcast_in_dim3A_12 : vector<16xi1>, vector<16xi32>
        %add3A_1955 = arith.addi %scan3A_41, %select_n3A_1954 : vector<16xi32>
        %mul3A_1956 = arith.constant 64 : i32
        %mul3A_1957 = arith.muli %scan3A_40, %mul3A_1956 : i32
        %add3A_1958 = vector.broadcast %mul3A_1957 : i32 to vector<16xi32>
        %add3A_1959 = arith.addi %mul3A_9, %add3A_1958 : vector<16xi32>
        %add3A_1960 = arith.constant 0 : i32
        %add3A_1961 = vector.broadcast %add3A_1960 : i32 to vector<16xi32>
        %add3A_1962 = arith.addi %add3A_1959, %add3A_1961 : vector<16xi32>
        %gather3A_1963 = tpu.vector_load_idx %arg8[%add3A_1962] : memref<512xf32, #tpu.memory_space<vmem>>[vector<16xi32>], vector<16xf32>,
        %jit3A = arith.constant 0.000000e+00 : f32
        %broadcast_in_dim3A_1964 = vector.broadcast %jit3A : f32 to vector<16xf32>
        %select_n3A_1965 = arith.select %gt3A_1948, %gather3A_1963, %broadcast_in_dim3A_1964 : vector<16xi1>, vector<16xf32>
        tpu.vector_store_idx %arg10[%add3A_1962], %select_n3A_1965 : memref<512xf32, #tpu.memory_space<vmem>>[vector<16xi32>], vector<16xf32>,
        %add3A_1966 = arith.constant 1 : i32
        %add3A_1967 = vector.broadcast %add3A_1966 : i32 to vector<16xi32>
        %add3A_1968 = arith.addi %add3A_1959, %add3A_1967 : vector<16xi32>
        %gather3A_1969 = tpu.vector_load_idx %arg8[%add3A_1968] : memref<512xf32, #tpu.memory_space<vmem>>[vector<16xi32>], vector<16xf32>,
        %jit3A_1970 = arith.constant 0.000000e+00 : f32
        %broadcast_in_dim3A_1971 = vector.broadcast %jit3A_1970 : f32 to vector<16xf32>
        %select_n3A_1972 = arith.select %gt3A_1948, %gather3A_1969, %broadcast_in_dim3A_1971 : vector<16xi1>, vector<16xf32>
        tpu.vector_store_idx %arg10[%add3A_1968], %select_n3A_1972 : memref<512xf32, #tpu.memory_space<vmem>>[vector<16xi32>], vector<16xf32>,
        %add3A_1973 = arith.constant 2 : i32
        %add3A_1974 = vector.broadcast %add3A_1973 : i32 to vector<16xi32>
        %add3A_1975 = arith.addi %add3A_1959, %add3A_1974 : vector<16xi32>
        %gather3A_1976 = tpu.vector_load_idx %arg8[%add3A_1975] : memref<512xf32, #tpu.memory_space<vmem>>[vector<16xi32>], vector<16xf32>,
        %jit3A_1977 = arith.constant 0.000000e+00 : f32
        %broadcast_in_dim3A_1978 = vector.broadcast %jit3A_1977 : f32 to vector<16xf32>
        %select_n3A_1979 = arith.select %gt3A_1948, %gather3A_1976, %broadcast_in_dim3A_1978 : vector<16xi1>, vector<16xf32>
        tpu.vector_store_idx %arg10[%add3A_1975], %select_n3A_1979 : memref<512xf32, #tpu.memory_space<vmem>>[vector<16xi32>], vector<16xf32>,
        %add3A_1980 = arith.constant 3 : i32
        %add3A_1981 = vector.broadcast %add3A_1980 : i32 to vector<16xi32>
        %add3A_1982 = arith.addi %add3A_1959, %add3A_1981 : vector<16xi32>
        %gather3A_1983 = tpu.vector_load_idx %arg8[%add3A_1982] : memref<512xf32, #tpu.memory_space<vmem>>[vector<16xi32>], vector<16xf32>,
        %jit3A_1984 = arith.constant 0.000000e+00 : f32
        %broadcast_in_dim3A_1985 = vector.broadcast %jit3A_1984 : f32 to vector<16xf32>
        %select_n3A_1986 = arith.select %gt3A_1948, %gather3A_1983, %broadcast_in_dim3A_1985 : vector<16xi1>, vector<16xf32>
        tpu.vector_store_idx %arg10[%add3A_1982], %select_n3A_1986 : memref<512xf32, #tpu.memory_space<vmem>>[vector<16xi32>], vector<16xf32>,
        scf.yield %add3A_1955 : vector<16xi32>
      }
      %scan3A_37 = arith.constant 8 : i32
      "tpu.region"() ({
        %run_scoped3A = tpu.sem_alloc : memref<!tpu.dma_semaphore, #tpu.memory_space<semaphore_mem>>
        %dma_start3A = tpu.memref_slice %arg4[%add3A_27] : memref<131072xi32, #tpu.memory_space<hbm>> -> memref<128xi32, #tpu.memory_space<hbm>>
        %dma_start3A_40 = tpu.memref_slice %arg4[%add3A_27] : memref<131072xi32, #tpu.memory_space<hbm>> -> memref<128xi32, #tpu.memory_space<hbm>>
        tpu.enqueue_dma source(%arg9 : memref<128xi32, #tpu.memory_space<vmem>>) target(%dma_start3A_40 : memref<128xi32, #tpu.memory_space<hbm>>) target_semaphore(%run_scoped3A : memref<!tpu.dma_semaphore, #tpu.memory_space<semaphore_mem>>)
        %dma_wait3A = tpu.memref_slice %arg4[%add3A_27] : memref<131072xi32, #tpu.memory_space<hbm>> -> memref<128xi32, #tpu.memory_space<hbm>>
        %dma_wait3A_41 = tpu.memref_slice %arg4[%add3A_27] : memref<131072xi32, #tpu.memory_space<hbm>> -> memref<128xi32, #tpu.memory_space<hbm>>
        tpu.wait_dma2 semaphore(%run_scoped3A : memref<!tpu.dma_semaphore, #tpu.memory_space<semaphore_mem>>) src(%arg9 : memref<128xi32, #tpu.memory_space<vmem>>) dst(%dma_wait3A_41 : memref<128xi32, #tpu.memory_space<hbm>>)
        tpu.yield
      }) : () -> ()
      %mul3A_38 = arith.constant 4 : i32
      %mul3A_39 = arith.muli %add3A_27, %mul3A_38 : i32
      "tpu.region"() ({
        %run_scoped3A = tpu.sem_alloc : memref<!tpu.dma_semaphore, #tpu.memory_space<semaphore_mem>>
        %dma_start3A = tpu.memref_slice %arg5[%mul3A_39] : memref<524288xf32, #tpu.memory_space<hbm>> -> memref<512xf32, #tpu.memory_space<hbm>>
        %dma_start3A_40 = tpu.memref_slice %arg5[%mul3A_39] : memref<524288xf32, #tpu.memory_space<hbm>> -> memref<512xf32, #tpu.memory_space<hbm>>
        tpu.enqueue_dma source(%arg10 : memref<512xf32, #tpu.memory_space<vmem>>) target(%dma_start3A_40 : memref<512xf32, #tpu.memory_space<hbm>>) target_semaphore(%run_scoped3A : memref<!tpu.dma_semaphore, #tpu.memory_space<semaphore_mem>>)
        %dma_wait3A = tpu.memref_slice %arg5[%mul3A_39] : memref<524288xf32, #tpu.memory_space<hbm>> -> memref<512xf32, #tpu.memory_space<hbm>>
        %dma_wait3A_41 = tpu.memref_slice %arg5[%mul3A_39] : memref<524288xf32, #tpu.memory_space<hbm>> -> memref<512xf32, #tpu.memory_space<hbm>>
        tpu.wait_dma2 semaphore(%run_scoped3A : memref<!tpu.dma_semaphore, #tpu.memory_space<semaphore_mem>>) src(%arg10 : memref<512xf32, #tpu.memory_space<vmem>>) dst(%dma_wait3A_41 : memref<512xf32, #tpu.memory_space<hbm>>)
        tpu.yield
      }) : () -> ()
      scf.yield %scan3A_36 : vector<16xi32>
    }
    %scan3A_19 = arith.constant 32 : i32
    %swap3A = arith.constant 0 : index
    %swap3A_20 = tpu.vector_load %arg11[%swap3A] {strides = array<i32>} : memref<16xi32, #tpu.memory_space<vmem>>, vector<16xi32>,
    tpu.vector_store %arg11[%swap3A], %scan3A_18 {strides = array<i32>} : memref<16xi32, #tpu.memory_space<vmem>>, vector<16xi32>,
    %mul3A_21 = arith.constant 16 : i32
    %mul3A_22 = arith.muli %add3A, %mul3A_21 : i32
    "tpu.region"() ({
      %run_scoped3A = tpu.sem_alloc : memref<!tpu.dma_semaphore, #tpu.memory_space<semaphore_mem>>
      %dma_start3A = tpu.memref_slice %arg6[%mul3A_22] : memref<512xi32, #tpu.memory_space<hbm>> -> memref<16xi32, #tpu.memory_space<hbm>>
      %dma_start3A_23 = tpu.memref_slice %arg6[%mul3A_22] : memref<512xi32, #tpu.memory_space<hbm>> -> memref<16xi32, #tpu.memory_space<hbm>>
      tpu.enqueue_dma source(%arg11 : memref<16xi32, #tpu.memory_space<vmem>>) target(%dma_start3A_23 : memref<16xi32, #tpu.memory_space<hbm>>) target_semaphore(%run_scoped3A : memref<!tpu.dma_semaphore, #tpu.memory_space<semaphore_mem>>)
      %dma_wait3A = tpu.memref_slice %arg6[%mul3A_22] : memref<512xi32, #tpu.memory_space<hbm>> -> memref<16xi32, #tpu.memory_space<hbm>>
      %dma_wait3A_24 = tpu.memref_slice %arg6[%mul3A_22] : memref<512xi32, #tpu.memory_space<hbm>> -> memref<16xi32, #tpu.memory_space<hbm>>
      tpu.wait_dma2 semaphore(%run_scoped3A : memref<!tpu.dma_semaphore, #tpu.memory_space<semaphore_mem>>) src(%arg11 : memref<16xi32, #tpu.memory_space<vmem>>) dst(%dma_wait3A_24 : memref<16xi32, #tpu.memory_space<hbm>>)
      tpu.yield
    }) : () -> ()
    return
  }
}

</mosaic_0001>

<sc_bundles>
// kernel: kernel.3.cloned.1.call-start
scs
__scs_entry_jumppad:
0x0: {  	(pc) =	sbr.rel $0x88, $3  }
0x1: {  	(tag) =	ssettag $0x0;
	lr =	simm.s32 $0x1  }
0x2: {  	[smem:$0x3F9F] =	sst lr;
	_ =	strace $0xD0000000  }
0x3: {  	_ = 	snop  }
0x4: {  	_ = 	snop  }
0x5: {  	_ = 	snop  }
0x6: {  	_ = 	snop  }
0x7: {  	_ = 	snop  }
__scs_overlays_trampoline_lowered:
0x8: {  	[smem:$0x3FAE] =	sst s0  }
0x9: {  	[smem:$0x3FAF] =	sst s1  }
0xa: {  	[smem:$0x3FB0] =	sst s2  }
0xb: {  	[smem:$0x3FB1] =	sst s3  }
0xc: {  	[smem:$0x3FB2] =	sst s4  }
0xd: {  	[smem:$0x3FB3] =	sst s5  }
0xe: {  	[smem:$0x3FB4] =	sst s6  }
0xf: {  	[smem:$0x3FB5] =	sst s7  }
0x10: {  	[smem:$0x3FB6] =	sst s8  }
0x11: {  	[smem:$0x3FB7] =	sst s9;
	s0 =	simm.s32 @!p0 $0x0  }
0x12: {  	s1 =	sld [smem:$0x3F9D];
	s0 =	simm.s32 @p0 $0x1  }
0x13: {  	[smem:$0x3FB8] =	sst s0;
	s0 =	simm.s32 @!p1 $0x0  }
0x14: {  	s2 =	sld [smem:$0x3F9C];
	s0 =	simm.s32 @p1 $0x1  }
0x15: {  	[smem:$0x3FB9] =	sst s0;
	s0 =	simm.s32 @!p2 $0x0  }
0x16: {  	s3 =	sld [smem:$0x3FDB];
	s0 =	simm.s32 @p2 $0x1  }
0x17: {  	s4 =	simm.s32 $0x1BF5;
	[smem:$0x3FBB] =	sst s0  }
0x18: {  	s0 =	sld [smem:$0x3F9E];
	_ =	swait.ge [sflag:s4], $0x0  }
0x19: {  	s7 =	sld [smem:$0x3F9F]  }
0x1a: {  	s8 =	sadd.s32 $0xFFFFE003, lr  }
0x1b: {  	s9 =	sadd.s32 $0xFFFFFEF7, lr;
	s5 =	simm.s32 $0xFFFFFFFF;
	p2 =	slt.u32 s8, $0xFFFFF086  }
0x1c: {  	p1 =	slt.u32 s9, $0xF7A;
	s5 =	simm.s32 @!p2 $0x0  }
0x1d: {  	s5 =	simm.s32 @p1 $0x1;
	p0 =	seq.s32 s7, s2  }
0x1e: {  	s7 =	smul.u32 @!p0 $0xF7A, s2;
	p2 =	seq.s32 @!p0 s5, $0x0  }
0x1f: {  	s9 =	smul.u32 $0xF7A, s1;
	s8 =	simm.s32 @!p0 $0x1BF5;
	p2 =	por !p2, p0  }
0x20: {  	[sflag:s8] =	ssyncset.s32 @!p0 $0xFFFFF086;
	s6 =	sadd.s32 @!p0 s3, s7;
	s7 =	simm.s32 @!p0 $0x108  }
0x21: {  	s3 =	sadd.s32 s3, s9;
	s6 =	sadd.s32 @!p0 $0x88, s6;
	s7 =	simm.s32 @p2 $0x1082  }
0x22: {  	[simem:s7], [sflag:s8] =	dma.local @!p0 [hbm:s6], $0xF7A  }
0x23: {  	s9 =	sor.u32 $0xD0000000, s2;
	s6 =	simm.s32 $0x108;
	_ =	swait.ge @!p0 [sflag:s8], $0x0  }
0x24: {  	s3 =	sadd.s32 $0x88, s3;
	s6 =	simm.s32 @!p1 $0x1082;
	[sflag:s4] =	ssyncset.s32 $0xFFFFF086  }
0x25: {  	[simem:s6], [sflag:s4] =	dma.local [hbm:s3], $0xF7A  }
0x26: {  	[smem:$0x3F9F] =	sst s1;
	(tag) =	ssettag s2;
	_ =	strace s9  }
0x27: {  	s1 =	sld [smem:$0x3FAF]  }
0x28: {  	s2 =	sld [smem:$0x3FB0]  }
0x29: {  	s4 =	sld [smem:$0x3FB2]  }
0x2a: {  	p0 =	seq.s32 s5, $0x0;
	s5 =	sld [smem:$0x3FB3]  }
0x2b: {  	s6 =	sld [smem:$0x3FB4]  }
0x2c: {  	s7 =	sld [smem:$0x3FB5]  }
0x2d: {  	s3 =	simm.s32 $0x108;
	s8 =	sld [smem:$0x3FB6]  }
0x2e: {  	s3 =	simm.s32 @!p0 $0x1082;
	s9 =	sld [smem:$0x3FB7]  }
0x2f: {  	lr =	sadd.s32 s0, s3;
	s0 =	sld [smem:$0x3FAE]  }
0x30: {  	s3 =	sld [smem:$0x3FB1]  }
0x31: {  	[smem:$0x3FBA] =	sst s10  }
0x32: {  	s10 =	sld [smem:$0x3FB8];
	_ =	sdelay $0x3  }
0x33: {  	p0 =	seq.s32 s10, $0x1;
	s10 =	sld [smem:$0x3FBA];
	_ =	sdelay $0x3  }
0x34: {  	[smem:$0x3FBA] =	sst s10  }
0x35: {  	s10 =	sld [smem:$0x3FB9];
	_ =	sdelay $0x3  }
0x36: {  	p1 =	seq.s32 s10, $0x1;
	s10 =	sld [smem:$0x3FBA];
	_ =	sdelay $0x3  }
0x37: {  	[smem:$0x3FBA] =	sst s10  }
0x38: {  	s10 =	sld [smem:$0x3FBB]  }
0x39: {  	_ = 	snop;
	(pc) =	sbr.ind lr, $3  }
0x3a: {  	_ = 	snop  }
0x3b: {  	_ = 	snop  }
0x3c: {  	p2 =	seq.s32 s10, $0x1;
	s10 =	sld [smem:$0x3FBA]  }
0x3d: {  	_ =	shalt  }
0x3e: {  	_ =	shalt  }
0x3f: {  	_ =	shalt  }
0x40: {  	_ =	shalt  }
0x41: {  	_ =	shalt  }
0x42: {  	_ =	shalt  }
0x43: {  	_ =	shalt  }
0x44: {  	_ =	shalt  }
0x45: {  	_ =	shalt  }
0x46: {  	_ =	shalt  }
0x47: {  	_ =	shalt  }
0x48: {  	_ =	shalt  }
0x49: {  	_ =	shalt  }
0x4a: {  	_ =	shalt  }
0x4b: {  	_ =	shalt  }
0x4c: {  	_ =	shalt  }
0x4d: {  	_ =	shalt  }
0x4e: {  	_ =	shalt  }
0x4f: {  	_ =	shalt  }
0x50: {  	_ =	shalt  }
0x51: {  	_ =	shalt  }
0x52: {  	_ =	shalt  }
0x53: {  	_ =	shalt  }
0x54: {  	_ =	shalt  }
0x55: {  	_ =	shalt  }
0x56: {  	_ =	shalt  }
0x57: {  	_ =	shalt  }
0x58: {  	_ =	shalt  }
0x59: {  	_ =	shalt  }
0x5a: {  	_ =	shalt  }
0x5b: {  	_ =	shalt  }
0x5c: {  	_ =	shalt  }
0x5d: {  	_ =	shalt  }
0x5e: {  	_ =	shalt  }
0x5f: {  	_ =	shalt  }
0x60: {  	_ =	shalt  }
0x61: {  	_ =	shalt  }
0x62: {  	_ =	shalt  }
0x63: {  	_ =	shalt  }
0x64: {  	_ =	shalt  }
0x65: {  	_ =	shalt  }
0x66: {  	_ =	shalt  }
0x67: {  	_ =	shalt  }
0x68: {  	_ =	shalt  }
0x69: {  	_ =	shalt  }
0x6a: {  	_ =	shalt  }
0x6b: {  	_ =	shalt  }
0x6c: {  	_ =	shalt  }
0x6d: {  	_ =	shalt  }
0x6e: {  	_ =	shalt  }
0x6f: {  	_ =	shalt  }
0x70: {  	_ =	shalt  }
0x71: {  	_ =	shalt  }
0x72: {  	_ =	shalt  }
0x73: {  	_ =	shalt  }
0x74: {  	_ =	shalt  }
0x75: {  	_ =	shalt  }
0x76: {  	_ =	shalt  }
0x77: {  	_ =	shalt  }
0x78: {  	_ =	shalt  }
0x79: {  	_ =	shalt  }
0x7a: {  	_ =	shalt  }
0x7b: {  	_ =	shalt  }
0x7c: {  	_ =	shalt  }
0x7d: {  	_ =	shalt  }
0x7e: {  	_ =	shalt  }
0x7f: {  	_ =	shalt  }
0x80: {  	_ =	shalt  }
0x81: {  	_ =	shalt  }
0x82: {  	_ =	shalt  }
0x83: {  	_ =	shalt  }
0x84: {  	_ =	shalt  }
0x85: {  	_ =	shalt  }
0x86: {  	_ =	shalt  }
0x87: {  	_ =	shalt  }
.Lfunc_end0:
.L_simem_size_0:
called_computation.1_lowered:
.L_overlay_start_0:
0x88: {  	s2 =	sld [smem:$0x3FD9]  }
0x89: {  	s3 =	sld [smem:$0x3FFE];
	_ =	sdelay $0x1  }
0x8a: {  	s1 =	srdreg.scid  }
0x8b: {  	s0 =	sand.u32 $0x1, s1  }
0x8c: {  	s14 =	sshll.u32 s0, $0xA;
	s2 =	sadd.s32 s3, s2  }
0x8d: {  	s2 =	sadd.s32 s2, s14  }
0x8e: {  	[smem:$0x3FC6] =	sst s2  }
0x8f: {  	_ = 	snop  }
0x90: {  	s2 =	sld [smem:$0x3FD0];
	_ =	sdelay $0x2  }
0x91: {  	s15 =	simm.s32 $0xA;
	s4 =	simm.s32 $0x10  }
0x92: {  	[smem:s4], [sflag:s15] =	dma.local [hbm:s2], $0x1  }
0x93: {  	_ =	swait.eq [sflag:s15], $0x1  }
0x94: {  	[sflag:s15] =	ssyncset.done $0x0  }
0x95: {  	s16 =	sld [smem:$0x10];
	[sflag:s15] =	ssyncadd.s32 $0xFFFFFFFF  }
0x96: {  	s17 =	sld [smem:$0x11];
	(tm) =	ssettm $0x1  }
0x97: {  	s18 =	sld [smem:$0x3FFB];
	_ =	sdelay $0x3  }
0x98: {  	_ =	strace s18  }
0x99: {  	s4 =	sld [smem:$0x3FFC];
	_ =	sdelay $0x3  }
0x9a: {  	_ =	strace s4  }
0x9b: {  	s4 =	sld [smem:$0x3FFD];
	_ =	sdelay $0x3  }
0x9c: {  	_ =	strace s4  }
0x9d: {  	_ =	strace $0x8FFFFFFF  }
0x9e: {  	s19 =	sld [smem:$0x3FDB];
	_ =	sdelay $0x1  }
0x9f: {  	s5 =	simm.s32 $_scs_section_size  }
0xa0: {  	s6 =	simm.s32 $_size__tile_overlayer_lowered;
	s7 =	simm.s32 $_tile_overlayer_lowered  }
0xa1: {  	s22 =	simm.s32 $0x1BFF;
	s21 =	sshll.u32 s7, $0x1;
	s4 =	sadd.s32 s5, s19  }
0xa2: {  	s8 =	simm.s32 $0x0;
	s20 =	sshll.u32 s6, $0x1;
	s6 =	sadd.s32 s21, s4  }
0xa3: {  	[timem:s8], [sflag:s22] =	dma.local [hbm:s6], s20  }
0xa4: {  	_ =	swait.ge [sflag:s22], s20  }
0xa5: {  	s5 =	ssub.s32 $0x0, s20;
	[sflag:s22] =	ssyncset.done $0x0  }
0xa6: {  	[sflag:s22] =	ssyncadd.s32 s5;
	_ =	sdelay $0x1  }
0xa7: {  	s23 =	simm.s32 $0x1B8B  }
0xa8: {  	_ =	swait.ge [sflag:s23], $0x1  }
0xa9: {  	[sflag:s23] =	ssyncset.done $0x0  }
0xaa: {  	s25 =	simm.s32 $0x1B8E;
	s24 =	sld [smem:$0x3FFE];
	[sflag:s23] =	ssyncadd.s32 $0xFFFFFFFF  }
0xab: {  	s26 =	simm.s32 $execute0_lowered;
	[smem:$0x3FD2] =	sst s25  }
0xac: {  	s6 =	sshll.u32 s26, $0x1;
	_ =	strace $0x80000049;
	[dreg:$0x1] =	wrdreg $0xFFFFFFFF  }
0xad: {  	s28 =	simm.s32 $_size_execute0_lowered;
	s4 =	sadd.s32 s4, s6;
	[dreg:$0x0] =	wrdreg $0x0  }
0xae: {  	s6 =	sshll.u32 s28, $0x1;
	[dreg:$0x2] =	wrdreg s4  }
0xaf: {  	[dreg:$0x3] =	wrdreg s6  }
0xb0: {  	[dreg:$0x4] =	wrdreg $0xC0  }
0xb1: {  	_ =	task [dreg:s8], $0x5FFFF  }
0xb2: {  	[dreg:$0x1] =	wrdreg $0xFFFFFFFF  }
0xb3: {  	[dreg:$0x0] =	wrdreg $0x60  }
0xb4: {  	[dreg:$0x2] =	wrdreg s24  }
0xb5: {  	[dreg:$0x3] =	wrdreg s17  }
0xb6: {  	[dreg:$0x4] =	wrdreg s16  }
0xb7: {  	[dreg:$0x5] =	wrdreg $0x9  }
0xb8: {  	_ =	task.clear_ibuf [dreg:s8], $0x6FFFF;
	_ =	strace $0x90000049  }
0xb9: {  	s29 =	simm.s32 $0x9;
	_ =	strace $0x8000004B  }
0xba: {  	_ =	swait.ge [sflag:s29], $0x1  }
0xbb: {  	[sflag:s29] =	ssyncadd.s32 $0xFFFFFFFF  }
0xbc: {  	_ =	strace $0x9000004B  }
0xbd: {  	_ =	sfence  }
0xbe: {  	s30 =	sld [smem:$0x0];
	_ =	sdelay $0x2  }
0xbf: {  	s31 =	sshll.u32 s1, $0xD;
	s1 =	sshrl.u32 s1, $0x2  }
0xc0: {  	s3 =	sand.u32 $0x4000, s31;
	s1 =	sadd.s32 s1, s30  }
0xc1: {  	s0 =	sor.u32 s3, s0;
	s1 =	sshll.u32 s1, $0x11  }
0xc2: {  	s0 =	sor.u32 s1, s0  }
0xc3: {  	s0 =	sadd.s32 $0x8F2B, s0  }
0xc4: {  	[sflag:s0] =	ssyncadd.remote.s32 $0x1  }
0xc5: {  	_ =	sfence.sel $0xFFFF  }
0xc6: {  	[dreg:$0x0] =	wrdreg $0xFFFFFFFF;
	(pc) =	sbr.abs _section_cstart, $3  }
0xc7: {  	[dreg:$0x1] =	wrdreg $0xFFFFFFFF  }
0xc8: {  	_ =	task.clear_ibuf [dreg:s8], $0x2FFFF;
	_ =	strace $0x9FFFFFFF  }
0xc9: {  	(tm) =	ssettm $0x7FFFFFFF  }
tec
execute0_lowered:
.L_overlay_start_1:
0x0: {  	(tag) =	ssettag $0x1  }
0x1: {  	v0 =	vlaneseq.u32  }
0x2: {  	v1 =	vmul.u32 $0x100, v0;
	_ =	sdelay $0x1  }
0x3: {  	v0 =	vor.u32 $0x42, v1  }
0x4: {  	[tilespmem:$0x1FE30] =	vst v0;
	v0 =	vor.u32 $0x62, v1  }
0x5: {  	[tilespmem:$0x1FE40] =	vst v0;
	v0 =	vor.u32 $0x82, v1  }
0x6: {  	[tilespmem:$0x1FE50] =	vst v0;
	v0 =	vor.u32 $0xA2, v1  }
0x7: {  	[tilespmem:$0x1FE60] =	vst v0;
	v0 =	vor.u32 $0xC2, v1  }
0x8: {  	[tilespmem:$0x1FE70] =	vst v0;
	v0 =	vor.u32 $0xE2, v1  }
0x9: {  	[tilespmem:$0x1FE80] =	vst v0;
	v0 =	vor.u32 $0x23, v1  }
0xa: {  	[tilespmem:$0x1FE90] =	vst v0;
	v0 =	vor.u32 $0x43, v1  }
0xb: {  	[tilespmem:$0x1FEA0] =	vst v0;
	v0 =	vor.u32 $0x63, v1  }
0xc: {  	[tilespmem:$0x1FEB0] =	vst v0;
	v0 =	vor.u32 $0x83, v1  }
0xd: {  	[tilespmem:$0x1FEC0] =	vst v0;
	v0 =	vor.u32 $0xA3, v1  }
0xe: {  	[tilespmem:$0x1FED0] =	vst v0;
	v0 =	vor.u32 $0xC3, v1  }
0xf: {  	[tilespmem:$0x1FEE0] =	vst v0;
	v0 =	vor.u32 $0xE3, v1  }
0x10: {  	[tilespmem:$0x1FEF0] =	vst v0;
	v0 =	vor.u32 $0x24, v1  }
0x11: {  	[tilespmem:$0x1FF00] =	vst v0;
	v0 =	vor.u32 $0x44, v1  }
0x12: {  	v21 =	vor.u32 $0x20, v1;
	[tilespmem:$0x1FF10] =	vst v0;
	v0 =	vor.u32 $0x64, v1  }
0x13: {  	v22 =	vor.u32 $0x40, v1;
	v23 =	vor.u32 $0x60, v1;
	[tilespmem:$0x1FF20] =	vst v0;
	v0 =	vor.u32 $0x84, v1  }
0x14: {  	v24 =	vor.u32 $0x80, v1;
	v25 =	vor.u32 $0xA0, v1;
	[tilespmem:$0x1FF30] =	vst v0;
	v0 =	vor.u32 $0xA4, v1  }
0x15: {  	s6 =	rddreg [dreg:$0x0];
	v26 =	vor.u32 $0xC0, v1;
	v27 =	vor.u32 $0xE0, v1;
	[tilespmem:$0x1FF40] =	vst v0;
	v0 =	vor.u32 $0x25, v1  }
0x16: {  	s0 =	rddreg [dreg:$0x1];
	v28 =	vor.u32 $0x1, v1;
	v29 =	vor.u32 $0x21, v1;
	[tilespmem:$0x1FF50] =	vst v0;
	v0 =	vor.u32 $0x45, v1  }
0x17: {  	s8 =	rddreg [dreg:$0x2];
	v30 =	vor.u32 $0x41, v1;
	v31 =	vor.u32 $0x61, v1;
	[tilespmem:$0x1FF60] =	vst v0;
	v0 =	vor.u32 $0x65, v1  }
0x18: {  	s1 =	rddreg [dreg:$0x3];
	s2 =	simm.s32 $0x0;
	v32 =	vor.u32 $0x81, v1;
	v33 =	vor.u32 $0xA1, v1;
	[tilespmem:$0x1FF70] =	vst v0;
	v0 =	vor.u32 $0x85, v1  }
0x19: {  	s4 =	srdreg.scid;
	[smem:$0x7FF] =	sst s2;
	v34 =	vor.u32 $0xC1, v1;
	v35 =	vor.u32 $0xE1, v1;
	[tilespmem:$0x1FF80] =	vst v0;
	v0 =	vor.u32 $0x26, v1  }
0x1a: {  	s3 =	stileid.u32;
	s12 =	simm.s32 $0x8280;
	v36 =	vor.u32 $0x2, v1;
	v20 =	vor.u32 $0x22, v1;
	_ =	strace $0x8000004A;
	[tilespmem:$0x1FF90] =	vst v0;
	v0 =	vor.u32 $0x46, v1  }
0x1b: {  	s13 =	simm.s32 $0x8200;
	s14 =	simm.s32 $0x8480;
	s15 =	simm.s32 $0x0;
	v44 =	vor.u32 $0x3, v1;
	v52 =	vor.u32 $0x4, v1;
	[tilespmem:$0x1FFA0] =	vst v0;
	v0 =	vor.u32 $0x66, v1  }
0x1c: {  	s7 =	sand.u32 $0x1, s4;
	s4 =	sadd.s32 $0xA00, s6;
	s10 =	sshll.u32 s3, $0x1;
	v37 =	vor.u32 $0xC4, v1;
	v58 =	vor.u32 $0xE4, v1;
	[tilespmem:$0x1FFB0] =	vst v0;
	v0 =	vor.u32 $0x86, v1  }
0x1d: {  	s5 =	sadd.s32 $0x400A00, s6;
	s9 =	ssub.s32 $0x2, s7;
	s7 =	sor.u32 s7, s10;
	v60 =	vor.u32 $0x5, v1;
	v59 =	vor.u32 $0xA5, v1;
	[tilespmem:$0x1FFC0] =	vst v0;
	v0 =	vor.u32 $0x27, v1  }
0x1e: {  	s6 =	sadd.s32 $0x404A00, s6;
	v41 =	vor.u32 $0xC5, v1;
	v43 =	vor.u32 $0xE5, v1;
	s11 =	sshrl.u32 s9, $0x1;
	s10 =	sshll.u32 s7, $0x1;
	[tilespmem:$0x1FFD0] =	vst v0;
	v0 =	vor.u32 $0x47, v1  }
0x1f: {  	v45 =	vor.u32 $0x6, v1;
	v42 =	vor.u32 $0xA6, v1;
	s7 =	sshll.u32 s7, $0xC;
	s9 =	ssub.s32 s9, s11;
	s8 =	sadd.s32 s8, s10;
	[tilespmem:$0x1FFE0] =	vst v0;
	v0 =	vor.u32 $0x67, v1  }
0x20: {  	v51 =	vor.u32 $0xC6, v1;
	v53 =	vor.u32 $0xE6, v1;
	v54 =	vor.u32 $0x7, v1;
	s10 =	simm.s32 $0x1;
	s11 =	simm.s32 $0x8000;
	s9 =	smax.u32 s9, $0x1;
	[tilespmem:$0x1FFF0] =	vst v0  }
.LBB2_1:
0x21: {  	v63 =	vimm.s32 $0x0;
	s16 =	simm.s32 $0x0  }
.LBB2_2:
0x22: {  	s17 =	sshll.u32 s16, $0x7  }
0x23: {  	s17 =	sadd.s32 s7, s17  }
0x24: {  	s18 =	sshll.u32 s17, $0x5  }
0x25: {  	s19 =	simm.s32 $0x0;
	s18 =	sadd.s32 s4, s18  }
0x26: {  	[tilespmem:s19], [sflag:$0x1] =	stream.linear.gather [hbm4b:s18+s19], $0x8000, $0x38;
	[tilespmem:$0x8500] =	vst v63  }
0x27: {  	_ =	swait.ge [sflag:s10], $0x8000  }
0x28: {  	s18 =	sshrl.u32 s17, $0x1;
	[sflag:s10] =	ssyncset.done $0x0  }
0x29: {  	s20 =	sadd.s32 s0, s18;
	[sflag:s10] =	ssyncadd.s32 $0xFFFF8000  }
0x2a: {  	[tilespmem:s11], [sflag:$0x1] =	stream.linear.gather [hbm4b:s20+s19], $0x200, $0x38;
	[tilespmem:$0x8500] =	vst v63  }
0x2b: {  	_ =	swait.ge [sflag:s10], $0x200  }
0x2c: {  	v61 =	vld [tilespmem:$0x1FF50]  }
0x2d: {  	v38 =	vld [tilespmem:$0x1FF60]  }
0x2e: {  	v39 =	vld [tilespmem:$0x1FF70]  }
0x2f: {  	v40 =	vld [tilespmem:$0x1FF80]  }
0x30: {  	v46 =	vld [tilespmem:$0x1FF90]  }
0x31: {  	v47 =	vld [tilespmem:$0x1FFA0]  }
0x32: {  	v48 =	vld [tilespmem:$0x1FFB0]  }
0x33: {  	v49 =	vld [tilespmem:$0x1FFC0]  }
0x34: {  	v55 =	vld [tilespmem:$0x1FFD0]  }
0x35: {  	[sflag:s10] =	ssyncset.done $0x0;
	v56 =	vld [tilespmem:$0x1FFE0]  }
0x36: {  	s20 =	simm.s32 $0x0;
	v57 =	vld [tilespmem:$0x1FFF0];
	[sflag:s10] =	ssyncadd.s32 $0xFFFFFE00  }
.LBB2_3:
0x37: {  	v0 =	vor.u32 s20, v1  }
0x38: {  	v2 =	vor.u32 s20, v21  }
0x39: {  	v3 =	vor.u32 s20, v22  }
0x3a: {  	v4 =	vor.u32 s20, v23  }
0x3b: {  	v5 =	vor.u32 s20, v24  }
0x3c: {  	v6 =	vor.u32 s20, v25;
	v0 =	vld.idx.msk [tilespmem:v0+s2+$0x0], $0xffff  }
0x3d: {  	v7 =	vor.u32 s20, v26;
	v2 =	vld.idx.msk [tilespmem:v2+s2+$0x0], $0xffff  }
0x3e: {  	v9 =	vor.u32 s20, v29;
	v3 =	vld.idx.msk [tilespmem:v3+s2+$0x0], $0xffff  }
0x3f: {  	v8 =	vor.u32 s20, v28;
	v4 =	vld.idx.msk [tilespmem:v4+s2+$0x0], $0xffff  }
0x40: {  	v62 =	vor.u32 s20, v30;
	v5 =	vld.idx.msk [tilespmem:v5+s2+$0x0], $0xffff  }
0x41: {  	v10 =	vor.u32 s20, v31;
	v6 =	vld.idx.msk [tilespmem:v6+s2+$0x0], $0xffff  }
0x42: {  	v11 =	vor.u32 s20, v32;
	v7 =	vld.idx.msk [tilespmem:v7+s2+$0x0], $0xffff  }
0x43: {  	v12 =	vor.u32 s20, v36;
	v9 =	vld.idx.msk [tilespmem:v9+s2+$0x0], $0xffff  }
0x44: {  	v14 =	vor.u32 s20, v44;
	v8 =	vld.idx.msk [tilespmem:v8+s2+$0x0], $0xffff  }
0x45: {  	v15 =	vor.u32 s20, v33;
	v62 =	vld.idx.msk [tilespmem:v62+s2+$0x0], $0xffff  }
0x46: {  	v16 =	vor.u32 s20, v52;
	v10 =	vld.idx.msk [tilespmem:v10+s2+$0x0], $0xffff  }
0x47: {  	v17 =	vor.u32 s20, v34;
	v11 =	vld.idx.msk [tilespmem:v11+s2+$0x0], $0xffff  }
0x48: {  	v12 =	vld.idx.msk [tilespmem:v12+s2+$0x0], $0xffff;
	vm10 =	vgt.f32 v9, v2  }
0x49: {  	v2 =	vsel vm10, v9, v2;
	v9 =	vld.idx.msk [tilespmem:v14+s2+$0x0], $0xffff  }
0x4a: {  	v13 =	vor.u32 s20, v27;
	vm3 =	vgt.f32 v62, v3;
	v14 =	vld.idx.msk [tilespmem:v15+s2+$0x0], $0xffff  }
0x4b: {  	v18 =	vor.u32 s20, v60;
	vm0 =	vgt.f32 v8, v0;
	v62 =	vsel vm3, v62, v3;
	v3 =	vld.idx.msk [tilespmem:v16+s2+$0x0], $0xffff  }
0x4c: {  	vm8 =	vgt.f32 v10, v4;
	v0 =	vsel vm0, v8, v0;
	v8 =	vor.u32 s20, v35;
	v16 =	vld.idx.msk [tilespmem:v17+s2+$0x0], $0xffff  }
0x4d: {  	v10 =	vsel vm8, v10, v4;
	v4 =	vld [tilespmem:$0x1FE30]  }
0x4e: {  	v50 =	vor.u32 $0x8, v1;
	v15 =	vor.u32 s20, v45;
	vm14 =	vgt.f32 v12, v0  }
0x4f: {  	v13 =	vld.idx.msk [tilespmem:v13+s2+$0x0], $0xffff;
	vm5 =	vgt.f32 v11, v5;
	v17 =	vor.u32 s20, v54;
	v0 =	vsel vm14, v12, v0  }
0x50: {  	v18 =	vld.idx.msk [tilespmem:v18+s2+$0x0], $0xffff;
	v11 =	vsel vm5, v11, v5;
	v12 =	vor.u32 s20, v20;
	vm4 =	vgt.f32 v9, v0  }
0x51: {  	v5 =	vld.idx.msk [tilespmem:v8+s2+$0x0], $0xffff;
	v8 =	vor.u32 s20, v50;
	v50 =	vmovc v42;
	v42 =	vmovc v41;
	v41 =	vmov v59;
	v59 =	vmov v58  }
0x52: {  	v58 =	vmovc v37;
	v37 =	vmovc v20;
	v20 =	vor.u32 s20, v4;
	vm2 =	vgt.f32 v14, v6;
	vm1 =	vgt.f32 v16, v7  }
0x53: {  	v0 =	vsel vm4, v9, v0;
	v9 =	vld.idx.msk [tilespmem:v15+s2+$0x0], $0xffff;
	v15 =	vor.u32 $0x9, v1;
	v4 =	vsel vm2, v14, v6  }
0x54: {  	v6 =	vld.idx.msk [tilespmem:v17+s2+$0x0], $0xffff;
	v17 =	vimm.s32 $0x0;
	vm7 =	vgt.f32 v3, v0;
	v15 =	vor.u32 s20, v15  }
0x55: {  	v14 =	vsel vm1, $0xFFFFFFFF, v17;
	v0 =	vsel vm7, v3, v0;
	v3 =	vor.u32 $0xA, v1  }
0x56: {  	[tilespmem:$0x1FE00] =	vst v14;
	vm9 =	vgt.f32 v18, v0;
	v14 =	vor.u32 s20, v3  }
0x57: {  	v12 =	vld.idx.msk [tilespmem:v12+s2+$0x0], $0xffff;
	v3 =	vsel vm1, v16, v7;
	v16 =	vimm.s32 $0x0;
	v7 =	vsel vm9, v18, v0  }
0x58: {  	v8 =	vld.idx.msk [tilespmem:v8+s2+$0x0], $0xffff;
	v0 =	vor.u32 $0xB, v1;
	vm6 =	vgt.f32 v5, v13;
	vm1 =	vgt.f32 v9, v7  }
0x59: {  	v17 =	vor.u32 s20, v0;
	v0 =	vsel vm6, v5, v13;
	v5 =	vsel vm1, v9, v7;
	v7 =	vld.idx.msk [tilespmem:v15+s2+$0x0], $0xffff  }
0x5a: {  	v16 =	vsel vm6, $0xFFFFFFFF, v16;
	v15 =	vld [tilespmem:$0x1FE40]  }
0x5b: {  	v19 =	vimm.s32 $0x0;
	[tilespmem:$0x1FE10] =	vst v16;
	v16 =	vld.idx.msk [tilespmem:v20+s2+$0x0], $0xffff;
	v9 =	vor.u32 $0xC, v1  }
0x5c: {  	v19 =	vsel vm0, $0x1, v19;
	vm13 =	vgt.f32 v6, v5;
	v9 =	vor.u32 s20, v9  }
0x5d: {  	v13 =	vsel vm14, $0x2, v19;
	v5 =	vsel vm13, v6, v5;
	v6 =	vld.idx.msk [tilespmem:v14+s2+$0x0], $0xffff  }
0x5e: {  	vm11 =	vgt.f32 v12, v2;
	v13 =	vsel vm4, $0x3, v13;
	vm0 =	vgt.f32 v8, v5  }
0x5f: {  	v12 =	vsel vm11, v12, v2;
	v2 =	vsel vm0, v8, v5;
	v8 =	vld.idx.msk [tilespmem:v17+s2+$0x0], $0xffff;
	v15 =	vor.u32 s20, v15  }
0x60: {  	v14 =	vor.u32 $0xD, v1;
	vm6 =	vgt.f32 v16, v62;
	vm12 =	vgt.f32 v7, v2  }
0x61: {  	v5 =	vsel vm6, v16, v62;
	v2 =	vsel vm12, v7, v2;
	v7 =	vld.idx.msk [tilespmem:v9+s2+$0x0], $0xffff;
	v62 =	vor.u32 $0xF, v1  }
0x62: {  	v14 =	vor.u32 s20, v14;
	vm4 =	vgt.f32 v6, v2;
	v9 =	vor.u32 s20, v62;
	v62 =	vld [tilespmem:$0x1FE50]  }
0x63: {  	v17 =	vor.u32 $0xE, v1;
	v2 =	vsel vm4, v6, v2  }
0x64: {  	v13 =	vsel vm7, $0x4, v13;
	v17 =	vor.u32 s20, v17;
	vm7 =	vgt.f32 v8, v2;
	v15 =	vld.idx.msk [tilespmem:v15+s2+$0x0], $0xffff  }
0x65: {  	v2 =	vsel vm7, v8, v2  }
0x66: {  	v13 =	vsel vm9, $0x5, v13;
	vm14 =	vgt.f32 v7, v2  }
0x67: {  	v6 =	vld.idx.msk [tilespmem:v14+s2+$0x0], $0xffff;
	v16 =	vor.u32 s20, v62;
	v62 =	vor.u32 $0x10, v1;
	v7 =	vsel vm14, v7, v2  }
0x68: {  	v2 =	vor.u32 $0x12, v1;
	v14 =	vor.u32 s20, v62;
	v62 =	vor.u32 $0x11, v1  }
0x69: {  	v8 =	vld.idx.msk [tilespmem:v17+s2+$0x0], $0xffff;
	v17 =	vor.u32 s20, v62;
	v62 =	vor.u32 $0x13, v1;
	vm9 =	vgt.f32 v15, v10  }
0x6a: {  	v18 =	vor.u32 s20, v2;
	v2 =	vsel vm9, v15, v10;
	v10 =	vor.u32 s20, v62;
	v62 =	vld [tilespmem:$0x1FE60]  }
0x6b: {  	v9 =	vld.idx.msk [tilespmem:v9+s2+$0x0], $0xffff  }
0x6c: {  	v13 =	vsel vm1, $0x6, v13;
	vm1 =	vgt.f32 v6, v7  }
0x6d: {  	v13 =	vsel vm13, $0x7, v13;
	v6 =	vsel vm1, v6, v7;
	v7 =	vld.idx.msk [tilespmem:v14+s2+$0x0], $0xffff  }
0x6e: {  	v13 =	vsel vm0, $0x8, v13;
	vm0 =	vgt.f32 v8, v6;
	v14 =	vld.idx.msk [tilespmem:v16+s2+$0x0], $0xffff  }
0x6f: {  	v13 =	vsel vm12, $0x9, v13;
	v6 =	vsel vm0, v8, v6;
	v8 =	vld.idx.msk [tilespmem:v17+s2+$0x0], $0xffff;
	v15 =	vor.u32 s20, v62  }
0x70: {  	v13 =	vsel vm4, $0xA, v13;
	vm12 =	vgt.f32 v9, v6;
	v62 =	vor.u32 $0x14, v1  }
0x71: {  	v6 =	vsel vm12, v9, v6;
	v9 =	vld.idx.msk [tilespmem:v18+s2+$0x0], $0xffff;
	v16 =	vor.u32 s20, v62;
	v62 =	vor.u32 $0x15, v1  }
0x72: {  	v13 =	vsel vm7, $0xB, v13;
	vm4 =	vgt.f32 v7, v6;
	v17 =	vor.u32 s20, v62  }
0x73: {  	vm7 =	vgt.f32 v14, v11;
	v62 =	vor.u32 $0x16, v1;
	v6 =	vsel vm4, v7, v6;
	v7 =	vld.idx.msk [tilespmem:v10+s2+$0x0], $0xffff  }
0x74: {  	v10 =	vor.u32 s20, v62;
	v62 =	vsel vm7, v14, v11;
	vm13 =	vgt.f32 v8, v6;
	v14 =	vld.idx.msk [tilespmem:v15+s2+$0x0], $0xffff  }
0x75: {  	v13 =	vsel vm14, $0xC, v13;
	v6 =	vsel vm13, v8, v6;
	v15 =	vld [tilespmem:$0x1FE90]  }
0x76: {  	v13 =	vsel vm1, $0xD, v13;
	v8 =	vld.idx.msk [tilespmem:v16+s2+$0x0], $0xffff;
	v16 =	vor.u32 $0x17, v1;
	vm1 =	vgt.f32 v9, v6  }
0x77: {  	v11 =	vor.u32 s20, v16;
	v6 =	vsel vm1, v9, v6  }
0x78: {  	v13 =	vsel vm0, $0xE, v13;
	v9 =	vld.idx.msk [tilespmem:v17+s2+$0x0], $0xffff;
	v16 =	vor.u32 $0x18, v1;
	vm0 =	vgt.f32 v7, v6  }
0x79: {  	v17 =	vor.u32 $0x19, v1;
	v16 =	vor.u32 s20, v16;
	v6 =	vsel vm0, v7, v6;
	v7 =	vld.idx.msk [tilespmem:v10+s2+$0x0], $0xffff  }
0x7a: {  	v10 =	vor.u32 s20, v17;
	v17 =	vld [tilespmem:$0x1FF00];
	v15 =	vor.u32 s20, v15  }
0x7b: {  	v13 =	vsel vm12, $0xF, v13;
	vm12 =	vgt.f32 v8, v6  }
0x7c: {  	v13 =	vsel vm4, $0x10, v13;
	v6 =	vsel vm12, v8, v6;
	v8 =	vld.idx.msk [tilespmem:v11+s2+$0x0], $0xffff;
	v11 =	vor.u32 $0x1A, v1  }
0x7d: {  	v13 =	vsel vm13, $0x11, v13;
	vm13 =	vgt.f32 v9, v6;
	v11 =	vor.u32 s20, v11  }
0x7e: {  	v13 =	vsel vm1, $0x12, v13;
	v6 =	vsel vm13, v9, v6;
	v9 =	vld.idx.msk [tilespmem:v16+s2+$0x0], $0xffff  }
0x7f: {  	v17 =	vor.u32 s20, v17;
	v16 =	vor.u32 $0x1B, v1;
	v15 =	vld.idx.msk [tilespmem:v15+s2+$0x0], $0xffff;
	vm1 =	vgt.f32 v7, v6  }
0x80: {  	v13 =	vsel vm0, $0x13, v13;
	v16 =	vor.u32 s20, v16;
	v6 =	vsel vm1, v7, v6;
	v7 =	vld.idx.msk [tilespmem:v10+s2+$0x0], $0xffff  }
0x81: {  	v13 =	vsel vm12, $0x14, v13;
	v10 =	vor.u32 $0x1C, v1;
	vm0 =	vgt.f32 v8, v6  }
0x82: {  	v10 =	vor.u32 s20, v10;
	v6 =	vsel vm0, v8, v6;
	v8 =	vld.idx.msk [tilespmem:v11+s2+$0x0], $0xffff;
	v11 =	vor.u32 $0x1D, v1  }
0x83: {  	v13 =	vsel vm13, $0x15, v13;
	vm13 =	vgt.f32 v9, v6;
	v11 =	vor.u32 s20, v11  }
0x84: {  	v18 =	vor.u32 s20, v61;
	v13 =	vsel vm1, $0x16, v13;
	v17 =	vld.idx.msk [tilespmem:v17+s2+$0x0], $0xffff;
	v6 =	vsel vm13, v9, v6  }
0x85: {  	vm12 =	vgt.f32 v15, v12;
	v9 =	vld.idx.msk [tilespmem:v16+s2+$0x0], $0xffff;
	v16 =	vor.u32 $0x1E, v1;
	vm1 =	vgt.f32 v7, v6  }
0x86: {  	v16 =	vor.u32 s20, v16;
	v12 =	vsel vm12, v15, v12;
	v15 =	vld [tilespmem:$0x1FEA0];
	v6 =	vsel vm1, v7, v6  }
0x87: {  	vm4 =	vgt.f32 v14, v4;
	v13 =	vsel vm0, $0x17, v13;
	v7 =	vld.idx.msk [tilespmem:v10+s2+$0x0], $0xffff;
	vm0 =	vgt.f32 v8, v6  }
0x88: {  	v4 =	vsel vm4, v14, v4;
	v10 =	vor.u32 s20, v46;
	v6 =	vsel vm0, v8, v6;
	v8 =	vld.idx.msk [tilespmem:v11+s2+$0x0], $0xffff  }
0x89: {  	v13 =	vsel vm13, $0x18, v13;
	vm13 =	vgt.f32 v17, v12;
	v11 =	vld.idx.msk [tilespmem:v18+s2+$0x0], $0xffff;
	v18 =	vor.u32 s20, v55  }
0x8a: {  	vm15 =	vgt.f32 v9, v6;
	v12 =	vsel vm13, v17, v12;
	v17 =	vor.u32 $0x28, v1  }
0x8b: {  	v13 =	vsel vm1, $0x19, v13;
	v6 =	vsel vm15, v9, v6;
	v9 =	vld.idx.msk [tilespmem:v16+s2+$0x0], $0xffff;
	v16 =	vor.u32 s20, v17  }
0x8c: {  	v13 =	vsel vm0, $0x1A, v13;
	v15 =	vor.u32 s20, v15;
	vm14 =	vgt.f32 v7, v6  }
0x8d: {  	v17 =	vor.u32 $0x29, v1;
	v13 =	vsel vm15, $0x1B, v13;
	v10 =	vld.idx.msk [tilespmem:v10+s2+$0x0], $0xffff;
	v6 =	vsel vm14, v7, v6  }
0x8e: {  	v7 =	vor.u32 s20, v17;
	v13 =	vsel vm14, $0x1C, v13;
	vm15 =	vgt.f32 v8, v6  }
0x8f: {  	vm0 =	vgt.f32 v11, v12;
	v17 =	vld.idx.msk [tilespmem:v18+s2+$0x0], $0xffff;
	v18 =	vor.u32 $0x2A, v1;
	v6 =	vsel vm15, v8, v6  }
0x90: {  	v18 =	vor.u32 s20, v18;
	v11 =	vsel vm0, v11, v12;
	vm14 =	vgt.f32 v9, v6;
	v12 =	vld.idx.msk [tilespmem:v16+s2+$0x0], $0xffff  }
0x91: {  	v8 =	vsel vm15, $0x1D, v13;
	v16 =	vor.u32 $0x2B, v1;
	v13 =	vld.idx.msk [tilespmem:v15+s2+$0x0], $0xffff;
	v6 =	vsel vm14, v9, v6  }
0x92: {  	v15 =	vld [tilespmem:$0x1FF10];
	v8 =	vsel vm14, $0x1E, v8;
	vm1 =	vgt.f32 v10, v11;
	v9 =	vor.u32 s20, v16  }
0x93: {  	v16 =	vimm.s32 $0x20;
	v10 =	vsel vm1, v10, v11;
	v7 =	vld.idx.msk [tilespmem:v7+s2+$0x0], $0xffff;
	v11 =	vor.u32 $0x2C, v1  }
0x94: {  	v14 =	vsel vm10, $0x21, v16;
	vm14 =	vgt.f32 v17, v10;
	v11 =	vor.u32 s20, v11  }
0x95: {  	v14 =	vsel vm11, $0x22, v14;
	v10 =	vsel vm14, v17, v10;
	v16 =	vld.idx.msk [tilespmem:v18+s2+$0x0], $0xffff;
	v17 =	vor.u32 $0x2D, v1  }
0x96: {  	v14 =	vsel vm12, $0x23, v14;
	vm11 =	vgt.f32 v12, v10;
	v17 =	vor.u32 s20, v17  }
0x97: {  	v15 =	vor.u32 s20, v15;
	v10 =	vsel vm11, v12, v10;
	v9 =	vld.idx.msk [tilespmem:v9+s2+$0x0], $0xffff;
	v12 =	vor.u32 $0x2E, v1  }
0x98: {  	v14 =	vsel vm13, $0x24, v14;
	vm12 =	vgt.f32 v7, v10;
	v12 =	vor.u32 s20, v12  }
0x99: {  	vm10 =	vgt.f32 v13, v5;
	v7 =	vsel vm12, v7, v10;
	v10 =	vld.idx.msk [tilespmem:v11+s2+$0x0], $0xffff;
	v11 =	vor.u32 $0x2F, v1  }
0x9a: {  	v14 =	vsel vm0, $0x25, v14;
	vm0 =	vgt.f32 v16, v7;
	v11 =	vor.u32 s20, v11  }
0x9b: {  	v5 =	vsel vm10, v13, v5;
	v7 =	vsel vm0, v16, v7;
	v13 =	vld.idx.msk [tilespmem:v17+s2+$0x0], $0xffff;
	v16 =	vor.u32 $0x30, v1  }
0x9c: {  	v14 =	vsel vm1, $0x26, v14;
	vm1 =	vgt.f32 v9, v7;
	v16 =	vor.u32 s20, v16  }
0x9d: {  	v14 =	vsel vm14, $0x27, v14;
	v7 =	vsel vm1, v9, v7;
	v9 =	vld.idx.msk [tilespmem:v12+s2+$0x0], $0xffff;
	v12 =	vor.u32 $0x31, v1  }
0x9e: {  	v14 =	vsel vm11, $0x28, v14;
	v15 =	vld.idx.msk [tilespmem:v15+s2+$0x0], $0xffff;
	vm13 =	vgt.f32 v10, v7;
	v12 =	vor.u32 s20, v12  }
0x9f: {  	v17 =	vor.u32 s20, v38;
	v7 =	vsel vm13, v10, v7;
	v10 =	vld.idx.msk [tilespmem:v11+s2+$0x0], $0xffff;
	v11 =	vor.u32 $0x32, v1  }
0xa0: {  	v14 =	vsel vm12, $0x29, v14;
	vm14 =	vgt.f32 v13, v7;
	v11 =	vor.u32 s20, v11  }
0xa1: {  	v14 =	vsel vm0, $0x2A, v14;
	v7 =	vsel vm14, v13, v7;
	v13 =	vld.idx.msk [tilespmem:v16+s2+$0x0], $0xffff;
	v16 =	vor.u32 $0x33, v1  }
0xa2: {  	v14 =	vsel vm1, $0x2B, v14;
	vm0 =	vgt.f32 v9, v7;
	v16 =	vor.u32 s20, v16  }
0xa3: {  	vm11 =	vgt.f32 v15, v5;
	v7 =	vsel vm0, v9, v7;
	v9 =	vld.idx.msk [tilespmem:v12+s2+$0x0], $0xffff;
	v12 =	vor.u32 $0x34, v1  }
0xa4: {  	v5 =	vsel vm11, v15, v5;
	v15 =	vld.idx.msk [tilespmem:v17+s2+$0x0], $0xffff;
	vm1 =	vgt.f32 v10, v7;
	v12 =	vor.u32 s20, v12  }
0xa5: {  	v17 =	vor.u32 s20, v47;
	v7 =	vsel vm1, v10, v7;
	v10 =	vld.idx.msk [tilespmem:v11+s2+$0x0], $0xffff;
	v11 =	vor.u32 $0x35, v1  }
0xa6: {  	v14 =	vsel vm13, $0x2C, v14;
	vm13 =	vgt.f32 v13, v7;
	v11 =	vor.u32 s20, v11  }
0xa7: {  	v14 =	vsel vm14, $0x2D, v14;
	v7 =	vsel vm13, v13, v7;
	v13 =	vld.idx.msk [tilespmem:v16+s2+$0x0], $0xffff;
	v16 =	vor.u32 $0x36, v1  }
0xa8: {  	v14 =	vsel vm0, $0x2E, v14;
	vm14 =	vgt.f32 v9, v7;
	v16 =	vor.u32 s20, v16  }
0xa9: {  	v14 =	vsel vm1, $0x2F, v14;
	v7 =	vsel vm14, v9, v7;
	v9 =	vld.idx.msk [tilespmem:v12+s2+$0x0], $0xffff;
	v12 =	vor.u32 $0x37, v1  }
0xaa: {  	vm12 =	vgt.f32 v15, v5;
	v17 =	vld.idx.msk [tilespmem:v17+s2+$0x0], $0xffff;
	vm0 =	vgt.f32 v10, v7;
	v12 =	vor.u32 s20, v12  }
0xab: {  	v5 =	vsel vm12, v15, v5;
	v7 =	vsel vm0, v10, v7;
	v10 =	vld.idx.msk [tilespmem:v11+s2+$0x0], $0xffff;
	v11 =	vor.u32 $0x38, v1  }
0xac: {  	v14 =	vsel vm13, $0x30, v14;
	vm1 =	vgt.f32 v13, v7;
	v11 =	vor.u32 s20, v11  }
0xad: {  	v15 =	vor.u32 $0x39, v1;
	v14 =	vsel vm14, $0x31, v14;
	v7 =	vsel vm1, v13, v7;
	v13 =	vld.idx.msk [tilespmem:v16+s2+$0x0], $0xffff  }
0xae: {  	v15 =	vor.u32 s20, v15;
	v14 =	vsel vm0, $0x32, v14;
	vm14 =	vgt.f32 v9, v7  }
0xaf: {  	vm13 =	vgt.f32 v17, v5;
	v16 =	vor.u32 $0x3A, v1;
	v7 =	vsel vm14, v9, v7;
	v9 =	vld.idx.msk [tilespmem:v12+s2+$0x0], $0xffff  }
0xb0: {  	v5 =	vsel vm13, v17, v5;
	v12 =	vor.u32 s20, v16;
	vm15 =	vgt.f32 v10, v7  }
0xb1: {  	v17 =	vor.u32 $0x3B, v1;
	v14 =	vsel vm1, $0x33, v14;
	v7 =	vsel vm15, v10, v7;
	v10 =	vld.idx.msk [tilespmem:v11+s2+$0x0], $0xffff  }
0xb2: {  	v14 =	vsel vm14, $0x34, v14;
	v11 =	vor.u32 s20, v17;
	vm14 =	vgt.f32 v13, v7  }
0xb3: {  	v7 =	vsel vm14, v13, v7;
	v13 =	vld.idx.msk [tilespmem:v15+s2+$0x0], $0xffff;
	v15 =	vor.u32 $0x3C, v1  }
0xb4: {  	v14 =	vsel vm15, $0x35, v14;
	vm15 =	vgt.f32 v9, v7;
	v15 =	vor.u32 s20, v15  }
0xb5: {  	v16 =	vor.u32 $0x3D, v1;
	v14 =	vsel vm14, $0x36, v14;
	v7 =	vsel vm15, v9, v7;
	v9 =	vld.idx.msk [tilespmem:v12+s2+$0x0], $0xffff  }
0xb6: {  	v19 =	vld [tilespmem:$0x1FE70];
	v12 =	vor.u32 s20, v16;
	v16 =	vor.u32 $0x1F, v1;
	vm14 =	vgt.f32 v10, v7  }
0xb7: {  	v16 =	vor.u32 s20, v16;
	v7 =	vsel vm14, v10, v7;
	v10 =	vld.idx.msk [tilespmem:v11+s2+$0x0], $0xffff;
	v11 =	vor.u32 $0x3E, v1  }
0xb8: {  	v14 =	vsel vm15, $0x37, v14;
	vm15 =	vgt.f32 v13, v7;
	v11 =	vor.u32 s20, v11  }
0xb9: {  	v17 =	vor.u32 s20, v56;
	v7 =	vsel vm15, v13, v7;
	v13 =	vld.idx.msk [tilespmem:v15+s2+$0x0], $0xffff;
	v15 =	vor.u32 $0x3F, v1  }
0xba: {  	v14 =	vsel vm14, $0x38, v14;
	vm14 =	vgt.f32 v9, v7;
	v15 =	vor.u32 s20, v15  }
0xbb: {  	v19 =	vor.u32 s20, v19;
	v18 =	vor.u32 $0x48, v1;
	v12 =	vld.idx.msk [tilespmem:v12+s2+$0x0], $0xffff;
	v7 =	vsel vm14, v9, v7  }
0xbc: {  	v18 =	vor.u32 s20, v18;
	v14 =	vsel vm15, $0x39, v14;
	v9 =	vld.idx.msk [tilespmem:v16+s2+$0x0], $0xffff;
	vm15 =	vgt.f32 v10, v7  }
0xbd: {  	v16 =	vor.u32 $0x49, v1;
	v14 =	vsel vm14, $0x3A, v14;
	v7 =	vsel vm15, v10, v7;
	v11 =	vld.idx.msk [tilespmem:v11+s2+$0x0], $0xffff  }
0xbe: {  	v17 =	vld.idx.msk [tilespmem:v17+s2+$0x0], $0xffff;
	v16 =	vor.u32 s20, v16;
	v10 =	vor.u32 $0x4A, v1;
	vm14 =	vgt.f32 v13, v7  }
0xbf: {  	v14 =	vsel vm15, $0x3B, v14;
	v10 =	vor.u32 s20, v10;
	v7 =	vsel vm14, v13, v7;
	v15 =	vld.idx.msk [tilespmem:v15+s2+$0x0], $0xffff  }
0xc0: {  	v13 =	vor.u32 $0x4B, v1;
	v14 =	vsel vm14, $0x3C, v14;
	vm15 =	vgt.f32 v12, v7  }
0xc1: {  	v18 =	vld.idx.msk [tilespmem:v18+s2+$0x0], $0xffff;
	vm14 =	vgt.f32 v9, v6;
	v13 =	vor.u32 s20, v13;
	v12 =	vsel vm15, v12, v7  }
0xc2: {  	v7 =	vsel vm14, v9, v6;
	v6 =	vsel vm14, $0x1F, v8;
	vm1 =	vgt.f32 v11, v12  }
0xc3: {  	v8 =	vsel vm15, $0x3D, v14;
	vm14 =	vgt.f32 v17, v5;
	v14 =	vld.idx.msk [tilespmem:v16+s2+$0x0], $0xffff;
	v11 =	vsel vm1, v11, v12  }
0xc4: {  	v16 =	vor.u32 $0x4C, v1;
	v5 =	vsel vm14, v17, v5;
	v10 =	vld.idx.msk [tilespmem:v10+s2+$0x0], $0xffff;
	vm15 =	vgt.f32 v15, v11  }
0xc5: {  	v12 =	vor.u32 s20, v16;
	v16 =	vor.u32 $0x4D, v1;
	v9 =	vsel vm15, v15, v11;
	v11 =	vld.idx.msk [tilespmem:v19+s2+$0x0], $0xffff  }
0xc6: {  	v8 =	vsel vm1, $0x3E, v8;
	vm1 =	vgt.f32 v18, v5;
	v15 =	vor.u32 s20, v16;
	v16 =	vld [tilespmem:$0x1FE80]  }
0xc7: {  	v17 =	vor.u32 $0x4E, v1;
	v5 =	vsel vm1, v18, v5;
	v13 =	vld.idx.msk [tilespmem:v13+s2+$0x0], $0xffff  }
0xc8: {  	v17 =	vor.u32 s20, v17;
	v18 =	vimm.s32 $0x40;
	vm0 =	vgt.f32 v14, v5  }
0xc9: {  	v8 =	vsel vm15, $0x3F, v8;
	v18 =	vsel vm3, $0x41, v18;
	v5 =	vsel vm0, v14, v5  }
0xca: {  	v18 =	vsel vm6, $0x42, v18;
	v14 =	vor.u32 $0x4F, v1;
	vm15 =	vgt.f32 v10, v5  }
0xcb: {  	v12 =	vld.idx.msk [tilespmem:v12+s2+$0x0], $0xffff;
	v14 =	vor.u32 s20, v14;
	v10 =	vsel vm15, v10, v5;
	v5 =	vor.u32 $0x50, v1  }
0xcc: {  	v16 =	vor.u32 s20, v16;
	vm6 =	vgt.f32 v11, v3;
	vm3 =	vgt.f32 v13, v10  }
0xcd: {  	v19 =	vor.u32 s20, v5;
	v5 =	vsel vm6, v11, v3;
	v3 =	vsel vm3, v13, v10;
	v10 =	vld.idx.msk [tilespmem:v17+s2+$0x0], $0xffff  }
0xce: {  	v17 =	vld [tilespmem:$0x1FEB0]  }
0xcf: {  	v15 =	vld.idx.msk [tilespmem:v15+s2+$0x0], $0xffff  }
0xd0: {  	v18 =	vsel vm10, $0x43, v18;
	vm10 =	vgt.f32 v12, v3  }
0xd1: {  	v11 =	vor.u32 $0x51, v1;
	v3 =	vsel vm10, v12, v3;
	v12 =	vld.idx.msk [tilespmem:v14+s2+$0x0], $0xffff  }
0xd2: {  	v18 =	vsel vm11, $0x44, v18;
	v11 =	vor.u32 s20, v11;
	v14 =	vor.u32 $0x52, v1;
	v13 =	vld.idx.msk [tilespmem:v16+s2+$0x0], $0xffff  }
0xd3: {  	v16 =	vsel vm12, $0x45, v18;
	v14 =	vor.u32 s20, v14;
	v17 =	vor.u32 s20, v17  }
0xd4: {  	v18 =	vor.u32 $0x53, v1;
	v16 =	vsel vm13, $0x46, v16;
	vm13 =	vgt.f32 v15, v3  }
0xd5: {  	v18 =	vor.u32 s20, v18;
	v3 =	vsel vm13, v15, v3;
	v15 =	vld.idx.msk [tilespmem:v19+s2+$0x0], $0xffff;
	v16 =	vsel vm14, $0x47, v16  }
0xd6: {  	v19 =	vimm.s32 $0x0;
	vm11 =	vgt.f32 v10, v3;
	v16 =	vsel vm1, $0x48, v16  }
0xd7: {  	v3 =	vsel vm11, v10, v3;
	v10 =	vld.idx.msk [tilespmem:v11+s2+$0x0], $0xffff;
	v11 =	vor.u32 $0x54, v1;
	vm1 =	vgt.f32 v13, v0  }
0xd8: {  	vm14 =	vgt.f32 v12, v3;
	v11 =	vor.u32 s20, v11;
	v19 =	vsel vm1, $0xFFFFFFFF, v19;
	v17 =	vld.idx.msk [tilespmem:v17+s2+$0x0], $0xffff  }
0xd9: {  	v0 =	vsel vm1, v13, v0;
	v3 =	vsel vm14, v12, v3;
	v12 =	vld.idx.msk [tilespmem:v14+s2+$0x0], $0xffff;
	v13 =	vor.u32 $0x55, v1  }
0xda: {  	v16 =	vsel vm0, $0x49, v16;
	[tilespmem:$0x1FE20] =	vst v19;
	vm1 =	vgt.f32 v15, v3;
	v13 =	vor.u32 s20, v13;
	v19 =	vld [tilespmem:$0x1FF20]  }
0xdb: {  	v14 =	vsel vm15, $0x4A, v16;
	v16 =	vor.u32 $0x56, v1;
	v3 =	vsel vm1, v15, v3;
	v15 =	vld.idx.msk [tilespmem:v18+s2+$0x0], $0xffff  }
0xdc: {  	v14 =	vsel vm3, $0x4B, v14;
	v16 =	vor.u32 s20, v16;
	v18 =	vld [tilespmem:$0x1FEC0];
	vm0 =	vgt.f32 v10, v3  }
0xdd: {  	v14 =	vsel vm10, $0x4C, v14;
	v3 =	vsel vm0, v10, v3;
	v10 =	vld.idx.msk [tilespmem:v11+s2+$0x0], $0xffff;
	v11 =	vor.u32 $0x57, v1  }
0xde: {  	v14 =	vsel vm13, $0x4D, v14;
	vm3 =	vgt.f32 v12, v3;
	v11 =	vor.u32 s20, v11  }
0xdf: {  	v14 =	vsel vm11, $0x4E, v14;
	v3 =	vsel vm3, v12, v3;
	v12 =	vld.idx.msk [tilespmem:v13+s2+$0x0], $0xffff;
	v13 =	vor.u32 $0x58, v1  }
0xe0: {  	vm12 =	vgt.f32 v17, v2;
	vm10 =	vgt.f32 v15, v3;
	v13 =	vor.u32 s20, v13  }
0xe1: {  	v14 =	vsel vm14, $0x4F, v14;
	v18 =	vor.u32 s20, v18;
	v3 =	vsel vm10, v15, v3;
	v15 =	vld.idx.msk [tilespmem:v16+s2+$0x0], $0xffff  }
0xe2: {  	v19 =	vor.u32 s20, v19;
	v16 =	vor.u32 $0x59, v1;
	vm13 =	vgt.f32 v10, v3  }
0xe3: {  	v2 =	vsel vm12, v17, v2;
	v16 =	vor.u32 s20, v16;
	v3 =	vsel vm13, v10, v3;
	v10 =	vld.idx.msk [tilespmem:v11+s2+$0x0], $0xffff  }
0xe4: {  	v14 =	vsel vm1, $0x50, v14;
	v11 =	vor.u32 $0x5A, v1;
	vm14 =	vgt.f32 v12, v3  }
0xe5: {  	v11 =	vor.u32 s20, v11;
	v3 =	vsel vm14, v12, v3;
	v12 =	vld.idx.msk [tilespmem:v13+s2+$0x0], $0xffff;
	v13 =	vor.u32 $0x5B, v1  }
0xe6: {  	v14 =	vsel vm0, $0x51, v14;
	v17 =	vld.idx.msk [tilespmem:v18+s2+$0x0], $0xffff;
	vm0 =	vgt.f32 v15, v3;
	v13 =	vor.u32 s20, v13  }
0xe7: {  	v18 =	vor.u32 s20, v39;
	v3 =	vsel vm0, v15, v3  }
0xe8: {  	v14 =	vsel vm3, $0x52, v14;
	v15 =	vld.idx.msk [tilespmem:v16+s2+$0x0], $0xffff;
	v16 =	vor.u32 $0x5C, v1;
	vm3 =	vgt.f32 v10, v3  }
0xe9: {  	v14 =	vsel vm10, $0x53, v14;
	v19 =	vld.idx.msk [tilespmem:v19+s2+$0x0], $0xffff;
	v16 =	vor.u32 s20, v16;
	v3 =	vsel vm3, v10, v3  }
0xea: {  	v14 =	vsel vm13, $0x54, v14;
	v10 =	vld.idx.msk [tilespmem:v11+s2+$0x0], $0xffff;
	vm10 =	vgt.f32 v12, v3  }
0xeb: {  	v11 =	vor.u32 $0x5D, v1;
	vm11 =	vgt.f32 v17, v62;
	v3 =	vsel vm10, v12, v3;
	v12 =	vld.idx.msk [tilespmem:v13+s2+$0x0], $0xffff  }
0xec: {  	v11 =	vor.u32 s20, v11;
	v62 =	vsel vm11, v17, v62;
	v17 =	vsel vm14, $0x55, v14;
	v14 =	vld.idx.msk [tilespmem:v18+s2+$0x0], $0xffff  }
0xed: {  	v18 =	vld [tilespmem:$0x1FED0];
	vm15 =	vgt.f32 v15, v3  }
0xee: {  	vm13 =	vgt.f32 v19, v2;
	v3 =	vsel vm15, v15, v3;
	v15 =	vld.idx.msk [tilespmem:v16+s2+$0x0], $0xffff;
	v16 =	vor.u32 $0x5E, v1  }
0xef: {  	v2 =	vsel vm13, v19, v2;
	v13 =	vsel vm0, $0x56, v17;
	v16 =	vor.u32 s20, v16  }
0xf0: {  	v17 =	vor.u32 s20, v48;
	v13 =	vsel vm3, $0x57, v13;
	vm1 =	vgt.f32 v10, v3  }
0xf1: {  	v13 =	vsel vm10, $0x58, v13;
	v3 =	vsel vm1, v10, v3;
	v10 =	vld.idx.msk [tilespmem:v11+s2+$0x0], $0xffff;
	v11 =	vor.u32 $0x5F, v1  }
0xf2: {  	vm10 =	vgt.f32 v12, v3;
	v11 =	vor.u32 s20, v11;
	v18 =	vor.u32 s20, v18  }
0xf3: {  	vm14 =	vgt.f32 v14, v2;
	v3 =	vsel vm10, v12, v3;
	v12 =	vsel vm15, $0x59, v13  }
0xf4: {  	v2 =	vsel vm14, v14, v2;
	v13 =	vor.u32 s20, v57;
	vm15 =	vgt.f32 v15, v3;
	v14 =	vld.idx.msk [tilespmem:v16+s2+$0x0], $0xffff  }
0xf5: {  	v12 =	vsel vm1, $0x5A, v12;
	v3 =	vsel vm15, v15, v3;
	v15 =	vld.idx.msk [tilespmem:v17+s2+$0x0], $0xffff;
	v16 =	vor.u32 $0x68, v1  }
0xf6: {  	v12 =	vsel vm10, $0x5B, v12;
	v17 =	vld [tilespmem:$0x1FEE0];
	vm10 =	vgt.f32 v9, v7;
	vm1 =	vgt.f32 v10, v3  }
0xf7: {  	v16 =	vor.u32 s20, v16;
	v12 =	vsel vm15, $0x5C, v12;
	v3 =	vsel vm1, v10, v3;
	v10 =	vld.idx.msk [tilespmem:v11+s2+$0x0], $0xffff  }
0xf8: {  	v7 =	vsel vm10, v9, v7;
	v9 =	vor.u32 $0x6A, v1;
	v11 =	vor.u32 $0x69, v1  }
0xf9: {  	v6 =	vsel vm10, v8, v6;
	v18 =	vld.idx.msk [tilespmem:v18+s2+$0x0], $0xffff;
	v8 =	vsel vm1, $0x5D, v12;
	v11 =	vor.u32 s20, v11  }
0xfa: {  	v12 =	vor.u32 s20, v9;
	v9 =	vor.u32 $0x6B, v1;
	v13 =	vld.idx.msk [tilespmem:v13+s2+$0x0], $0xffff;
	vm15 =	vgt.f32 v14, v3  }
0xfb: {  	v19 =	vor.u32 s20, v9;
	v17 =	vor.u32 s20, v17;
	v3 =	vsel vm15, v14, v3  }
0xfc: {  	vm0 =	vgt.f32 v15, v2;
	v14 =	vld.idx.msk [tilespmem:v16+s2+$0x0], $0xffff;
	v16 =	vsel vm15, $0x5E, v8;
	vm10 =	vgt.f32 v10, v3  }
0xfd: {  	v2 =	vsel vm0, v15, v2;
	v15 =	vimm.s32 $0x60;
	v8 =	vsel vm10, v10, v3  }
0xfe: {  	v9 =	vsel vm10, $0x5F, v16;
	vm10 =	vgt.f32 v18, v4;
	v10 =	vld.idx.msk [tilespmem:v11+s2+$0x0], $0xffff;
	v3 =	vor.u32 $0x6C, v1  }
0xff: {  	vm15 =	vgt.f32 v13, v2;
	v16 =	vor.u32 s20, v3;
	v3 =	vsel vm10, v18, v4;
	v4 =	vld.idx.msk [tilespmem:v12+s2+$0x0], $0xffff  }
0x100: {  	v15 =	vsel vm8, $0x61, v15;
	v2 =	vsel vm15, v13, v2;
	v11 =	vld.idx.msk [tilespmem:v17+s2+$0x0], $0xffff;
	v17 =	vor.u32 $0x6D, v1  }
0x101: {  	v13 =	vsel vm9, $0x62, v15;
	vm3 =	vgt.f32 v14, v2;
	v12 =	vor.u32 s20, v17;
	v17 =	vld [tilespmem:$0x1FF30]  }
0x102: {  	v15 =	vor.u32 $0x6E, v1;
	v13 =	vsel vm12, $0x63, v13;
	v2 =	vsel vm3, v14, v2;
	v14 =	vld.idx.msk [tilespmem:v19+s2+$0x0], $0xffff  }
0x103: {  	v15 =	vor.u32 s20, v15;
	v13 =	vsel vm13, $0x64, v13;
	vm1 =	vgt.f32 v10, v2  }
0x104: {  	v13 =	vsel vm14, $0x65, v13;
	v2 =	vsel vm1, v10, v2;
	v10 =	vld.idx.msk [tilespmem:v16+s2+$0x0], $0xffff;
	v16 =	vor.u32 $0x6F, v1  }
0x105: {  	v13 =	vsel vm0, $0x66, v13;
	vm9 =	vgt.f32 v4, v2;
	v16 =	vor.u32 s20, v16  }
0x106: {  	vm8 =	vgt.f32 v11, v5;
	v4 =	vsel vm9, v4, v2;
	v12 =	vld.idx.msk [tilespmem:v12+s2+$0x0], $0xffff;
	v2 =	vor.u32 $0x70, v1  }
0x107: {  	v17 =	vor.u32 s20, v17;
	vm0 =	vgt.f32 v14, v4;
	v18 =	vor.u32 s20, v2  }
0x108: {  	v2 =	vsel vm8, v11, v5;
	v5 =	vld.idx.msk [tilespmem:v15+s2+$0x0], $0xffff;
	v11 =	vor.u32 $0x71, v1;
	v4 =	vsel vm0, v14, v4  }
0x109: {  	v11 =	vor.u32 s20, v11;
	vm12 =	vgt.f32 v10, v4  }
0x10a: {  	v13 =	vsel vm15, $0x67, v13;
	v15 =	vor.u32 $0x72, v1;
	v4 =	vsel vm12, v10, v4;
	v10 =	vld.idx.msk [tilespmem:v16+s2+$0x0], $0xffff  }
0x10b: {  	v13 =	vsel vm3, $0x68, v13;
	v15 =	vor.u32 s20, v15;
	vm3 =	vgt.f32 v12, v4  }
0x10c: {  	v13 =	vsel vm1, $0x69, v13;
	v4 =	vsel vm3, v12, v4;
	v12 =	vld.idx.msk [tilespmem:v18+s2+$0x0], $0xffff;
	v18 =	vor.u32 $0x73, v1  }
0x10d: {  	v13 =	vsel vm9, $0x6A, v13;
	v16 =	vld.idx.msk [tilespmem:v17+s2+$0x0], $0xffff;
	vm1 =	vgt.f32 v5, v4;
	v18 =	vor.u32 s20, v18  }
0x10e: {  	v17 =	vor.u32 s20, v40;
	v4 =	vsel vm1, v5, v4;
	v5 =	vld.idx.msk [tilespmem:v11+s2+$0x0], $0xffff;
	v11 =	vor.u32 $0x74, v1  }
0x10f: {  	v13 =	vsel vm0, $0x6B, v13;
	vm13 =	vgt.f32 v10, v4;
	v11 =	vor.u32 s20, v11  }
0x110: {  	v13 =	vsel vm12, $0x6C, v13;
	v4 =	vsel vm13, v10, v4;
	v10 =	vld.idx.msk [tilespmem:v15+s2+$0x0], $0xffff;
	v15 =	vor.u32 $0x75, v1  }
0x111: {  	v13 =	vsel vm3, $0x6D, v13;
	vm0 =	vgt.f32 v12, v4;
	v15 =	vor.u32 s20, v15  }
0x112: {  	v13 =	vsel vm1, $0x6E, v13;
	v4 =	vsel vm0, v12, v4;
	v12 =	vld.idx.msk [tilespmem:v18+s2+$0x0], $0xffff;
	v18 =	vor.u32 $0x76, v1  }
0x113: {  	vm9 =	vgt.f32 v16, v62;
	v17 =	vld.idx.msk [tilespmem:v17+s2+$0x0], $0xffff;
	vm3 =	vgt.f32 v5, v4;
	v18 =	vor.u32 s20, v18  }
0x114: {  	v16 =	vsel vm9, v16, v62;
	v62 =	vor.u32 $0x77, v1;
	v4 =	vsel vm3, v5, v4;
	v5 =	vld.idx.msk [tilespmem:v11+s2+$0x0], $0xffff  }
0x115: {  	v13 =	vsel vm13, $0x6F, v13;
	v11 =	vor.u32 s20, v62;
	vm1 =	vgt.f32 v10, v4  }
0x116: {  	v19 =	vor.u32 s20, v49;
	v13 =	vsel vm0, $0x70, v13;
	v4 =	vsel vm1, v10, v4;
	v10 =	vld.idx.msk [tilespmem:v15+s2+$0x0], $0xffff  }
0x117: {  	v62 =	vor.u32 $0x78, v1;
	v13 =	vsel vm3, $0x71, v13;
	vm13 =	vgt.f32 v12, v4  }
0x118: {  	vm12 =	vgt.f32 v17, v16;
	v15 =	vor.u32 s20, v62;
	v4 =	vsel vm13, v12, v4;
	v12 =	vld.idx.msk [tilespmem:v18+s2+$0x0], $0xffff  }
0x119: {  	v16 =	vsel vm12, v17, v16;
	v18 =	vor.u32 $0x79, v1;
	vm14 =	vgt.f32 v5, v4  }
0x11a: {  	v17 =	vor.u32 $0x7A, v1;
	v18 =	vor.u32 s20, v18;
	v4 =	vsel vm14, v5, v4;
	v5 =	vld.idx.msk [tilespmem:v11+s2+$0x0], $0xffff  }
0x11b: {  	v13 =	vsel vm1, $0x72, v13;
	v11 =	vor.u32 s20, v17;
	vm1 =	vgt.f32 v10, v4  }
0x11c: {  	v19 =	vld.idx.msk [tilespmem:v19+s2+$0x0], $0xffff;
	v4 =	vsel vm1, v10, v4  }
0x11d: {  	v14 =	vld [tilespmem:$0x1FEF0];
	v62 =	vor.u32 $0x7B, v1;
	vm3 =	vgt.f32 v12, v4  }
0x11e: {  	v10 =	vld.idx.msk [tilespmem:v15+s2+$0x0], $0xffff;
	v15 =	vor.u32 s20, v62;
	v4 =	vsel vm3, v12, v4  }
0x11f: {  	v62 =	vor.u32 $0x87, v1;
	v12 =	vld.idx.msk [tilespmem:v18+s2+$0x0], $0xffff;
	v18 =	vor.u32 $0x7C, v1;
	vm15 =	vgt.f32 v5, v4  }
0x120: {  	v4 =	vsel vm15, v5, v4;
	v5 =	vld.idx.msk [tilespmem:v11+s2+$0x0], $0xffff;
	v11 =	vor.u32 s20, v18;
	v18 =	vor.u32 $0x7D, v1  }
0x121: {  	v13 =	vsel vm13, $0x73, v13;
	v17 =	vor.u32 s20, v62;
	v62 =	vor.u32 s20, v18  }
0x122: {  	v14 =	vor.u32 s20, v14;
	v13 =	vsel vm14, $0x74, v13  }
0x123: {  	vm13 =	vgt.f32 v19, v16;
	v13 =	vsel vm1, $0x75, v13;
	vm14 =	vgt.f32 v10, v4  }
0x124: {  	v16 =	vsel vm13, v19, v16;
	v13 =	vsel vm3, $0x76, v13;
	v4 =	vsel vm14, v10, v4;
	v10 =	vld.idx.msk [tilespmem:v15+s2+$0x0], $0xffff  }
0x125: {  	v19 =	vor.u32 $0x88, v1;
	v13 =	vsel vm15, $0x77, v13;
	vm15 =	vgt.f32 v12, v4;
	v11 =	vld.idx.msk [tilespmem:v11+s2+$0x0], $0xffff  }
0x126: {  	v19 =	vor.u32 s20, v19;
	v18 =	vor.u32 $0x7E, v1;
	v4 =	vsel vm15, v12, v4;
	v15 =	vld.idx.msk [tilespmem:v62+s2+$0x0], $0xffff  }
0x127: {  	v13 =	vsel vm14, $0x78, v13;
	v12 =	vor.u32 s20, v18;
	vm14 =	vgt.f32 v5, v4;
	v62 =	vld [tilespmem:$0x1FF40]  }
0x128: {  	v17 =	vld.idx.msk [tilespmem:v17+s2+$0x0], $0xffff;
	v18 =	vor.u32 $0x89, v1;
	v13 =	vsel vm15, $0x79, v13;
	v4 =	vsel vm14, v5, v4  }
0x129: {  	v18 =	vor.u32 s20, v18;
	v5 =	vor.u32 $0x8A, v1;
	vm15 =	vgt.f32 v10, v4  }
0x12a: {  	v13 =	vsel vm14, $0x7A, v13;
	vm14 =	vgt.f32 v8, v7;
	v10 =	vsel vm15, v10, v4  }
0x12b: {  	v4 =	vsel vm14, v9, v6;
	v6 =	vsel vm15, $0x7B, v13;
	v13 =	vor.u32 $0x8B, v1  }
0x12c: {  	v12 =	vld.idx.msk [tilespmem:v12+s2+$0x0], $0xffff;
	vm1 =	vgt.f32 v11, v10;
	v20 =	vor.u32 s20, v62;
	v62 =	vor.u32 s20, v5  }
0x12d: {  	v5 =	vsel vm14, v8, v7;
	vm14 =	vgt.f32 v17, v16;
	v7 =	vld.idx.msk [tilespmem:v19+s2+$0x0], $0xffff;
	v9 =	vsel vm1, v11, v10  }
0x12e: {  	v8 =	vor.u32 s20, v13;
	v6 =	vsel vm1, $0x7C, v6;
	v13 =	vld.idx.msk [tilespmem:v18+s2+$0x0], $0xffff;
	v18 =	vor.u32 $0x7F, v1  }
0x12f: {  	v10 =	vld.idx.msk [tilespmem:v14+s2+$0x0], $0xffff;
	vm15 =	vgt.f32 v15, v9;
	v11 =	vsel vm14, v17, v16;
	v17 =	vor.u32 $0x8C, v1  }
0x130: {  	v9 =	vsel vm15, v15, v9;
	v14 =	vor.u32 s20, v17;
	v17 =	vimm.s32 $0x80  }
0x131: {  	v6 =	vsel vm15, $0x7D, v6;
	vm15 =	vgt.f32 v12, v9;
	v16 =	vsel vm5, $0x81, v17  }
0x132: {  	v9 =	vsel vm15, v12, v9;
	v6 =	vsel vm15, $0x7E, v6;
	v15 =	vld.idx.msk [tilespmem:v62+s2+$0x0], $0xffff;
	v62 =	vor.u32 $0x8D, v1  }
0x133: {  	v16 =	vsel vm7, $0x82, v16;
	vm0 =	vgt.f32 v7, v11;
	v12 =	vor.u32 s20, v62  }
0x134: {  	vm3 =	vgt.f32 v10, v0;
	v8 =	vld.idx.msk [tilespmem:v8+s2+$0x0], $0xffff;
	v7 =	vsel vm0, v7, v11;
	v62 =	vor.u32 $0x8E, v1  }
0x135: {  	v16 =	vsel vm11, $0x83, v16;
	vm1 =	vgt.f32 v13, v7;
	v11 =	vor.u32 s20, v62  }
0x136: {  	v0 =	vsel vm3, v10, v0;
	v10 =	vld.idx.msk [tilespmem:v14+s2+$0x0], $0xffff;
	v62 =	vor.u32 $0x8F, v1;
	v7 =	vsel vm1, v13, v7  }
0x137: {  	v16 =	vsel vm9, $0x84, v16;
	v14 =	vld.idx.msk [tilespmem:v20+s2+$0x0], $0xffff;
	v20 =	vmovc v37;
	v37 =	vmovc v58;
	v13 =	vor.u32 s20, v62;
	vm5 =	vgt.f32 v15, v7  }
0x138: {  	v17 =	vor.u32 s20, v37;
	v62 =	vor.u32 $0x90, v1;
	v7 =	vsel vm5, v15, v7;
	v12 =	vld.idx.msk [tilespmem:v12+s2+$0x0], $0xffff  }
0x139: {  	v58 =	vmovc v59;
	v16 =	vsel vm12, $0x85, v16;
	v15 =	vor.u32 s20, v62;
	vm11 =	vgt.f32 v8, v7  }
0x13a: {  	v59 =	vmovc v41;
	v41 =	vmovc v42;
	v16 =	vsel vm13, $0x86, v16;
	v62 =	vor.u32 $0x91, v1;
	v7 =	vsel vm11, v8, v7;
	v8 =	vld.idx.msk [tilespmem:v11+s2+$0x0], $0xffff  }
0x13b: {  	v19 =	vor.u32 s20, v41;
	v11 =	vor.u32 s20, v62;
	vm7 =	vgt.f32 v10, v7  }
0x13c: {  	v16 =	vsel vm14, $0x87, v16;
	v62 =	vor.u32 $0x92, v1;
	v7 =	vsel vm7, v10, v7;
	v10 =	vld.idx.msk [tilespmem:v13+s2+$0x0], $0xffff  }
0x13d: {  	vm12 =	vgt.f32 v14, v3;
	v17 =	vld.idx.msk [tilespmem:v17+s2+$0x0], $0xffff;
	v13 =	vor.u32 s20, v62;
	vm14 =	vgt.f32 v12, v7  }
0x13e: {  	v3 =	vsel vm12, v14, v3;
	v62 =	vor.u32 $0x93, v1;
	v7 =	vsel vm14, v12, v7;
	v12 =	vld.idx.msk [tilespmem:v15+s2+$0x0], $0xffff  }
0x13f: {  	v14 =	vor.u32 s20, v62;
	v62 =	vor.u32 $0x94, v1;
	vm13 =	vgt.f32 v8, v7  }
0x140: {  	v15 =	vsel vm0, $0x88, v16;
	v16 =	vor.u32 s20, v58;
	v7 =	vsel vm13, v8, v7;
	v8 =	vld.idx.msk [tilespmem:v11+s2+$0x0], $0xffff  }
0x141: {  	v15 =	vsel vm1, $0x89, v15;
	v11 =	vor.u32 s20, v62;
	vm0 =	vgt.f32 v10, v7  }
0x142: {  	vm9 =	vgt.f32 v17, v2;
	v62 =	vor.u32 $0x95, v1;
	v7 =	vsel vm0, v10, v7;
	v10 =	vld.idx.msk [tilespmem:v13+s2+$0x0], $0xffff  }
0x143: {  	v15 =	vsel vm5, $0x8A, v15;
	v13 =	vor.u32 s20, v62;
	vm1 =	vgt.f32 v12, v7  }
0x144: {  	v15 =	vsel vm11, $0x8B, v15;
	v62 =	vor.u32 $0x96, v1;
	v7 =	vsel vm1, v12, v7;
	v12 =	vld.idx.msk [tilespmem:v14+s2+$0x0], $0xffff  }
0x145: {  	v15 =	vsel vm7, $0x8C, v15;
	v14 =	vor.u32 s20, v62;
	vm5 =	vgt.f32 v8, v7  }
0x146: {  	v15 =	vsel vm14, $0x8D, v15;
	v62 =	vor.u32 $0x97, v1;
	v7 =	vsel vm5, v8, v7;
	v8 =	vld.idx.msk [tilespmem:v11+s2+$0x0], $0xffff  }
0x147: {  	v16 =	vld.idx.msk [tilespmem:v16+s2+$0x0], $0xffff;
	v15 =	vsel vm13, $0x8E, v15;
	v11 =	vor.u32 s20, v62;
	vm11 =	vgt.f32 v10, v7  }
0x148: {  	v15 =	vsel vm0, $0x8F, v15;
	v7 =	vsel vm11, v10, v7;
	v10 =	vld.idx.msk [tilespmem:v13+s2+$0x0], $0xffff;
	v13 =	vor.u32 s20, v18  }
0x149: {  	v62 =	vor.u32 $0x98, v1;
	v18 =	vor.u32 s20, v59;
	vm13 =	vgt.f32 v12, v7  }
0x14a: {  	v15 =	vsel vm1, $0x90, v15;
	v7 =	vsel vm13, v12, v7;
	v12 =	vld.idx.msk [tilespmem:v14+s2+$0x0], $0xffff;
	v14 =	vor.u32 s20, v62  }
0x14b: {  	v2 =	vsel vm9, v17, v2;
	v15 =	vsel vm5, $0x91, v15;
	vm14 =	vgt.f32 v8, v7  }
0x14c: {  	vm7 =	vgt.f32 v16, v0;
	v62 =	vor.u32 $0x99, v1;
	v7 =	vsel vm14, v8, v7;
	v8 =	vld.idx.msk [tilespmem:v11+s2+$0x0], $0xffff  }
0x14d: {  	v15 =	vsel vm11, $0x92, v15;
	v11 =	vor.u32 s20, v62;
	vm15 =	vgt.f32 v10, v7;
	v13 =	vld.idx.msk [tilespmem:v13+s2+$0x0], $0xffff  }
0x14e: {  	v16 =	vsel vm7, v16, v0;
	v62 =	vor.u32 $0x9A, v1;
	v18 =	vld.idx.msk [tilespmem:v18+s2+$0x0], $0xffff;
	v7 =	vsel vm15, v10, v7  }
0x14f: {  	v15 =	vsel vm13, $0x93, v15;
	v10 =	vor.u32 s20, v62;
	vm5 =	vgt.f32 v12, v7;
	v14 =	vld.idx.msk [tilespmem:v14+s2+$0x0], $0xffff  }
0x150: {  	v15 =	vsel vm14, $0x94, v15;
	v62 =	vor.u32 $0x9B, v1;
	v7 =	vsel vm5, v12, v7  }
0x151: {  	v12 =	vor.u32 s20, v62;
	v62 =	vor.u32 $0x9C, v1;
	vm11 =	vgt.f32 v8, v7  }
0x152: {  	v11 =	vld.idx.msk [tilespmem:v11+s2+$0x0], $0xffff;
	v17 =	vor.u32 s20, v62;
	v62 =	vor.u32 $0x9D, v1;
	vm13 =	vgt.f32 v13, v9  }
0x153: {  	v0 =	vsel vm11, v8, v7;
	v8 =	vsel vm13, v13, v9;
	v6 =	vsel vm13, $0x7F, v6  }
0x154: {  	v7 =	vld.idx.msk [tilespmem:v10+s2+$0x0], $0xffff;
	v9 =	vsel vm15, $0x95, v15;
	vm13 =	vgt.f32 v18, v3;
	vm0 =	vgt.f32 v14, v0  }
0x155: {  	v13 =	vld.idx.msk [tilespmem:v19+s2+$0x0], $0xffff;
	v9 =	vsel vm5, $0x96, v9;
	v3 =	vsel vm13, v18, v3;
	v0 =	vsel vm0, v14, v0  }
0x156: {  	v10 =	vld.idx.msk [tilespmem:v12+s2+$0x0], $0xffff;
	v12 =	vor.u32 s20, v62;
	v14 =	vor.u32 s20, v50;
	v62 =	vor.u32 $0x9E, v1  }
0x157: {  	v42 =	vmovc v50;
	v9 =	vsel vm11, $0x97, v9;
	v50 =	vor.u32 $0x9F, v1;
	vm1 =	vgt.f32 v11, v0  }
0x158: {  	v15 =	vor.u32 s20, v62;
	v9 =	vsel vm0, $0x98, v9;
	v0 =	vsel vm1, v11, v0;
	v11 =	vld.idx.msk [tilespmem:v17+s2+$0x0], $0xffff  }
0x159: {  	v62 =	vor.u32 $0xA7, v1;
	v17 =	vimm.s32 $0xA0;
	vm14 =	vgt.f32 v7, v0  }
0x15a: {  	v9 =	vsel vm1, $0x99, v9;
	vm11 =	vgt.f32 v13, v2;
	v0 =	vsel vm14, v7, v0  }
0x15b: {  	v7 =	vor.u32 s20, v50;
	v2 =	vsel vm11, v13, v2;
	vm15 =	vgt.f32 v10, v0  }
0x15c: {  	v13 =	vor.u32 s20, v62;
	v62 =	vor.u32 s20, v43;
	v0 =	vsel vm15, v10, v0;
	v10 =	vld.idx.msk [tilespmem:v12+s2+$0x0], $0xffff  }
0x15d: {  	v9 =	vsel vm14, $0x9A, v9;
	v50 =	vor.u32 $0xA8, v1;
	v12 =	vld.idx.msk [tilespmem:v14+s2+$0x0], $0xffff;
	vm14 =	vgt.f32 v11, v0  }
0x15e: {  	v9 =	vsel vm15, $0x9B, v9;
	vm15 =	vgt.f32 v8, v5;
	v0 =	vsel vm14, v11, v0;
	v11 =	vld.idx.msk [tilespmem:v15+s2+$0x0], $0xffff  }
0x15f: {  	v14 =	vor.u32 s20, v50;
	v50 =	vor.u32 $0xA9, v1;
	v5 =	vsel vm15, v8, v5  }
0x160: {  	v4 =	vsel vm15, v6, v4;
	v15 =	vsel vm14, $0x9C, v9;
	v9 =	vor.u32 s20, v50;
	v7 =	vld.idx.msk [tilespmem:v7+s2+$0x0], $0xffff  }
0x161: {  	v50 =	vor.u32 $0xAC, v1;
	v8 =	vld.idx.msk [tilespmem:v62+s2+$0x0], $0xffff;
	v62 =	vor.u32 $0xAB, v1;
	vm5 =	vgt.f32 v10, v0  }
0x162: {  	vm14 =	vgt.f32 v12, v3;
	v0 =	vsel vm5, v10, v0;
	v6 =	vsel vm5, $0x9D, v15  }
0x163: {  	v10 =	vsel vm14, v12, v3;
	v12 =	vld.idx.msk [tilespmem:v13+s2+$0x0], $0xffff;
	v3 =	vor.u32 $0xAA, v1;
	vm5 =	vgt.f32 v11, v0  }
0x164: {  	v13 =	vld.idx.msk [tilespmem:v14+s2+$0x0], $0xffff;
	v14 =	vor.u32 s20, v53;
	v0 =	vsel vm5, v11, v0;
	v11 =	vor.u32 s20, v3  }
0x165: {  	v15 =	vor.u32 $0xAF, v1;
	v3 =	vsel vm5, $0x9E, v6;
	vm15 =	vgt.f32 v7, v0  }
0x166: {  	v6 =	vor.u32 s20, v51;
	v0 =	vsel vm15, v7, v0;
	v7 =	vor.u32 s20, v62  }
0x167: {  	v9 =	vld.idx.msk [tilespmem:v9+s2+$0x0], $0xffff;
	v3 =	vsel vm15, $0x9F, v3;
	v62 =	vsel vm2, $0xA1, v17;
	vm5 =	vgt.f32 v0, v5  }
0x168: {  	vm0 =	vgt.f32 v12, v10;
	v3 =	vsel vm5, v3, v4;
	v4 =	vor.u32 s20, v50  }
0x169: {  	v17 =	vimm.s32 $0xC0;
	v10 =	vsel vm0, v12, v10;
	v50 =	vor.u32 $0xAD, v1;
	v11 =	vld.idx.msk [tilespmem:v11+s2+$0x0], $0xffff  }
0x16a: {  	v0 =	vsel vm5, v0, v5;
	vm1 =	vgt.f32 v13, v10;
	v12 =	vor.u32 s20, v50  }
0x16b: {  	v5 =	vsel vm4, $0xA2, v62;
	v62 =	vor.u32 $0xAE, v1;
	v10 =	vsel vm1, v13, v10;
	v7 =	vld.idx.msk [tilespmem:v7+s2+$0x0], $0xffff  }
0x16c: {  	vm2 =	vgt.f32 v8, v16;
	v6 =	vld.idx.msk [tilespmem:v6+s2+$0x0], $0xffff;
	v13 =	vor.u32 s20, v62;
	vm4 =	vgt.f32 v9, v10  }
0x16d: {  	v8 =	vsel vm2, v8, v16;
	v5 =	vsel vm10, $0xA3, v5;
	v9 =	vsel vm4, v9, v10;
	v4 =	vld.idx.msk [tilespmem:v4+s2+$0x0], $0xffff  }
0x16e: {  	v5 =	vsel vm12, $0xA4, v5;
	v10 =	vor.u32 s20, v15;
	vm5 =	vgt.f32 v11, v9  }
0x16f: {  	v16 =	vor.u32 $0xB0, v1;
	v5 =	vsel vm13, $0xA5, v5;
	v9 =	vsel vm5, v11, v9;
	v11 =	vld.idx.msk [tilespmem:v12+s2+$0x0], $0xffff  }
0x170: {  	v5 =	vsel vm14, $0xA6, v5;
	v12 =	vor.u32 s20, v16;
	vm10 =	vgt.f32 v7, v9  }
0x171: {  	v62 =	vor.u32 $0xB1, v1;
	v5 =	vsel vm0, $0xA7, v5;
	v50 =	vld.idx.msk [tilespmem:v13+s2+$0x0], $0xffff;
	v7 =	vsel vm10, v7, v9  }
0x172: {  	vm12 =	vgt.f32 v6, v2;
	v13 =	vor.u32 s20, v62;
	vm0 =	vgt.f32 v4, v7  }
0x173: {  	v15 =	vor.u32 $0xB2, v1;
	v2 =	vsel vm12, v6, v2;
	v6 =	vld.idx.msk [tilespmem:v10+s2+$0x0], $0xffff;
	v4 =	vsel vm0, v4, v7  }
0x174: {  	v5 =	vsel vm1, $0xA8, v5;
	v7 =	vor.u32 s20, v15;
	vm1 =	vgt.f32 v11, v4  }
0x175: {  	v16 =	vor.u32 $0xB3, v1;
	v5 =	vsel vm4, $0xA9, v5;
	v10 =	vld.idx.msk [tilespmem:v12+s2+$0x0], $0xffff;
	v4 =	vsel vm1, v11, v4  }
0x176: {  	v14 =	vld.idx.msk [tilespmem:v14+s2+$0x0], $0xffff;
	v62 =	vor.u32 $0xC7, v1;
	v11 =	vor.u32 s20, v16;
	vm13 =	vgt.f32 v50, v4  }
0x177: {  	v5 =	vsel vm5, $0xAA, v5;
	v9 =	vld.idx.msk [tilespmem:v13+s2+$0x0], $0xffff;
	v4 =	vsel vm13, v50, v4;
	v50 =	vor.u32 $0xB4, v1  }
0x178: {  	v5 =	vsel vm10, $0xAB, v5;
	vm5 =	vgt.f32 v6, v4;
	v12 =	vor.u32 s20, v50  }
0x179: {  	v13 =	vor.u32 s20, v62;
	v16 =	vor.u32 $0xB5, v1;
	v4 =	vsel vm5, v6, v4;
	v6 =	vld.idx.msk [tilespmem:v7+s2+$0x0], $0xffff  }
0x17a: {  	v5 =	vsel vm0, $0xAC, v5;
	v7 =	vor.u32 s20, v16;
	vm0 =	vgt.f32 v10, v4  }
0x17b: {  	vm4 =	vgt.f32 v14, v8;
	v50 =	vor.u32 $0xB6, v1;
	v4 =	vsel vm0, v10, v4;
	v10 =	vld.idx.msk [tilespmem:v11+s2+$0x0], $0xffff  }
0x17c: {  	v62 =	vor.u32 $0xE7, v1;
	v11 =	vor.u32 s20, v50;
	vm14 =	vgt.f32 v9, v4  }
0x17d: {  	v5 =	vsel vm1, $0xAD, v5;
	v50 =	vor.u32 $0xB7, v1;
	v4 =	vsel vm14, v9, v4;
	v9 =	vld.idx.msk [tilespmem:v12+s2+$0x0], $0xffff  }
0x17e: {  	v15 =	vor.u32 s20, v62;
	v13 =	vld.idx.msk [tilespmem:v13+s2+$0x0], $0xffff;
	v12 =	vor.u32 s20, v50;
	vm15 =	vgt.f32 v6, v4  }
0x17f: {  	v62 =	vor.u32 $0xB8, v1;
	v5 =	vsel vm13, $0xAE, v5;
	v4 =	vsel vm15, v6, v4;
	v6 =	vld.idx.msk [tilespmem:v7+s2+$0x0], $0xffff  }
0x180: {  	v5 =	vsel vm5, $0xAF, v5;
	v7 =	vor.u32 s20, v62;
	vm5 =	vgt.f32 v10, v4  }
0x181: {  	v8 =	vsel vm4, v14, v8;
	v14 =	vor.u32 $0xB9, v1;
	v4 =	vsel vm5, v10, v4;
	v10 =	vld.idx.msk [tilespmem:v11+s2+$0x0], $0xffff  }
0x182: {  	v5 =	vsel vm0, $0xB0, v5;
	v11 =	vor.u32 s20, v14;
	vm0 =	vgt.f32 v9, v4  }
0x183: {  	v50 =	vor.u32 $0xBA, v1;
	v5 =	vsel vm14, $0xB1, v5;
	v16 =	vld.idx.msk [tilespmem:v12+s2+$0x0], $0xffff;
	v4 =	vsel vm0, v9, v4  }
0x184: {  	vm14 =	vgt.f32 v13, v2;
	v12 =	vor.u32 s20, v50;
	vm1 =	vgt.f32 v6, v4  }
0x185: {  	v5 =	vsel vm15, $0xB2, v5;
	v62 =	vor.u32 $0xBB, v1;
	v4 =	vsel vm1, v6, v4;
	v6 =	vld.idx.msk [tilespmem:v7+s2+$0x0], $0xffff  }
0x186: {  	v2 =	vsel vm14, v13, v2;
	v14 =	vld.idx.msk [tilespmem:v15+s2+$0x0], $0xffff;
	v7 =	vor.u32 s20, v62;
	vm13 =	vgt.f32 v10, v4  }
0x187: {  	v5 =	vsel vm5, $0xB3, v5;
	v15 =	vor.u32 $0xBC, v1;
	v4 =	vsel vm13, v10, v4;
	v10 =	vld.idx.msk [tilespmem:v11+s2+$0x0], $0xffff  }
0x188: {  	v50 =	vor.u32 $0xC8, v1;
	v11 =	vor.u32 s20, v15;
	vm15 =	vgt.f32 v16, v4  }
0x189: {  	v5 =	vsel vm0, $0xB4, v5;
	v9 =	vld.idx.msk [tilespmem:v12+s2+$0x0], $0xffff;
	v4 =	vsel vm15, v16, v4;
	v16 =	vor.u32 $0xBD, v1  }
0x18a: {  	v5 =	vsel vm1, $0xB5, v5;
	vm5 =	vgt.f32 v6, v4;
	v12 =	vor.u32 s20, v16  }
0x18b: {  	v62 =	vor.u32 $0xBE, v1;
	vm10 =	vgt.f32 v14, v8;
	v4 =	vsel vm5, v6, v4;
	v6 =	vld.idx.msk [tilespmem:v7+s2+$0x0], $0xffff  }
0x18c: {  	v5 =	vsel vm13, $0xB6, v5;
	v7 =	vor.u32 s20, v62;
	vm13 =	vgt.f32 v10, v4  }
0x18d: {  	v15 =	vor.u32 s20, v50;
	v16 =	vor.u32 $0xBF, v1;
	v4 =	vsel vm13, v10, v4;
	v10 =	vld.idx.msk [tilespmem:v11+s2+$0x0], $0xffff  }
0x18e: {  	v5 =	vsel vm15, $0xB7, v5;
	v11 =	vor.u32 s20, v16;
	vm15 =	vgt.f32 v9, v4  }
0x18f: {  	v8 =	vsel vm10, v14, v8;
	v50 =	vor.u32 $0xE8, v1;
	v4 =	vsel vm15, v9, v4;
	v9 =	vld.idx.msk [tilespmem:v12+s2+$0x0], $0xffff  }
0x190: {  	v5 =	vsel vm5, $0xB8, v5;
	v62 =	vor.u32 $0xC9, v1;
	vm5 =	vgt.f32 v6, v4  }
0x191: {  	v13 =	vor.u32 s20, v62;
	v5 =	vsel vm13, $0xB9, v5;
	v4 =	vsel vm5, v6, v4;
	v6 =	vld.idx.msk [tilespmem:v7+s2+$0x0], $0xffff  }
0x192: {  	v16 =	vor.u32 $0xE9, v1;
	v12 =	vor.u32 s20, v50;
	v7 =	vld.idx.msk [tilespmem:v15+s2+$0x0], $0xffff;
	vm13 =	vgt.f32 v10, v4  }
0x193: {  	v62 =	vor.u32 $0xEA, v1;
	v14 =	vor.u32 s20, v16;
	v4 =	vsel vm13, v10, v4;
	v10 =	vld.idx.msk [tilespmem:v11+s2+$0x0], $0xffff  }
0x194: {  	v16 =	vor.u32 $0xCB, v1;
	v5 =	vsel vm15, $0xBA, v5;
	vm15 =	vgt.f32 v9, v4  }
0x195: {  	v50 =	vor.u32 $0xCA, v1;
	v5 =	vsel vm5, $0xBB, v5;
	v4 =	vsel vm15, v9, v4  }
0x196: {  	v11 =	vor.u32 s20, v50;
	v5 =	vsel vm13, $0xBC, v5;
	vm5 =	vgt.f32 v6, v4  }
0x197: {  	v12 =	vld.idx.msk [tilespmem:v12+s2+$0x0], $0xffff;
	v5 =	vsel vm15, $0xBD, v5;
	v9 =	vor.u32 s20, v62;
	v4 =	vsel vm5, v6, v4  }
0x198: {  	vm15 =	vgt.f32 v7, v2;
	v6 =	vld.idx.msk [tilespmem:v13+s2+$0x0], $0xffff;
	v5 =	vsel vm5, $0xBE, v5;
	vm5 =	vgt.f32 v10, v4  }
0x199: {  	v7 =	vsel vm15, v7, v2;
	v13 =	vor.u32 s20, v16;
	v16 =	vld [tilespmem:$0x1FE00];
	v2 =	vsel vm5, v10, v4  }
0x19a: {  	v50 =	vor.u32 $0xEB, v1;
	v62 =	vor.u32 $0xCC, v1;
	vm13 =	vgt.f32 v2, v0  }
0x19b: {  	v11 =	vld.idx.msk [tilespmem:v11+s2+$0x0], $0xffff;
	v5 =	vsel vm5, $0xBF, v5;
	v10 =	vor.u32 s20, v50;
	v2 =	vsel vm13, v2, v0  }
0x19c: {  	v4 =	vld.idx.msk [tilespmem:v14+s2+$0x0], $0xffff;
	v0 =	vsel vm13, v5, v3;
	vm13 =	vgt.f32 v12, v8;
	v3 =	vor.u32 s20, v62  }
0x19d: {  	v50 =	vor.u32 $0xEC, v1;
	v62 =	vor.u32 $0xCD, v1;
	v5 =	vsel vm13, v12, v8  }
0x19e: {  	v9 =	vld.idx.msk [tilespmem:v9+s2+$0x0], $0xffff;
	vm5 =	vnez.u8 v16;
	vm1 =	vgt.f32 v6, v7;
	v12 =	vor.u32 s20, v50  }
0x19f: {  	v50 =	vor.u32 $0xCF, v1;
	v6 =	vsel vm1, v6, v7;
	v7 =	vld.idx.msk [tilespmem:v13+s2+$0x0], $0xffff;
	v13 =	vor.u32 s20, v62  }
0x1a0: {  	v8 =	vsel vm5, $0xC1, v17;
	v17 =	vor.u32 $0xCE, v1;
	v62 =	vor.u32 s20, v50  }
0x1a1: {  	v8 =	vsel vm6, $0xC2, v8;
	vm5 =	vgt.f32 v4, v5;
	vm0 =	vgt.f32 v11, v6;
	v3 =	vld.idx.msk [tilespmem:v3+s2+$0x0], $0xffff  }
0x1a2: {  	v8 =	vsel vm8, $0xC3, v8;
	v16 =	vsel vm0, v11, v6;
	v6 =	vor.u32 s20, v17  }
0x1a3: {  	v50 =	vor.u32 $0xED, v1;
	v10 =	vld.idx.msk [tilespmem:v10+s2+$0x0], $0xffff;
	v4 =	vsel vm5, v4, v5;
	v8 =	vsel vm9, $0xC4, v8  }
0x1a4: {  	vm6 =	vgt.f32 v9, v4;
	v8 =	vsel vm11, $0xC5, v8;
	vm11 =	vgt.f32 v7, v16;
	v11 =	vld.idx.msk [tilespmem:v13+s2+$0x0], $0xffff  }
0x1a5: {  	v4 =	vsel vm6, v9, v4;
	v5 =	vsel vm11, v7, v16;
	v7 =	vld.idx.msk [tilespmem:v12+s2+$0x0], $0xffff;
	v16 =	vor.u32 $0xD0, v1  }
0x1a6: {  	v8 =	vsel vm12, $0xC6, v8;
	v9 =	vld.idx.msk [tilespmem:v62+s2+$0x0], $0xffff;
	v12 =	vor.u32 s20, v16;
	vm12 =	vgt.f32 v3, v5  }
0x1a7: {  	v17 =	vor.u32 $0xD1, v1;
	v62 =	vor.u32 $0xD2, v1;
	v3 =	vsel vm12, v3, v5;
	v5 =	vld.idx.msk [tilespmem:v6+s2+$0x0], $0xffff  }
0x1a8: {  	vm8 =	vgt.f32 v10, v4;
	v8 =	vsel vm14, $0xC7, v8;
	v6 =	vor.u32 s20, v17  }
0x1a9: {  	v13 =	vor.u32 s20, v62;
	v4 =	vsel vm8, v10, v4;
	v8 =	vsel vm15, $0xC8, v8  }
0x1aa: {  	v8 =	vsel vm1, $0xC9, v8;
	vm1 =	vgt.f32 v11, v3;
	vm9 =	vgt.f32 v7, v4  }
0x1ab: {  	v16 =	vor.u32 $0xD3, v1;
	v3 =	vsel vm1, v11, v3;
	v4 =	vsel vm9, v7, v4;
	v7 =	vld.idx.msk [tilespmem:v12+s2+$0x0], $0xffff  }
0x1ac: {  	v8 =	vsel vm0, $0xCA, v8;
	v11 =	vor.u32 s20, v16;
	vm0 =	vgt.f32 v5, v3  }
0x1ad: {  	v10 =	vor.u32 s20, v50;
	v50 =	vor.u32 $0xD4, v1;
	v6 =	vld.idx.msk [tilespmem:v6+s2+$0x0], $0xffff;
	v3 =	vsel vm0, v5, v3  }
0x1ae: {  	v12 =	vor.u32 s20, v50;
	vm14 =	vgt.f32 v9, v3  }
0x1af: {  	v62 =	vor.u32 $0xD5, v1;
	v8 =	vsel vm11, $0xCB, v8;
	v3 =	vsel vm14, v9, v3;
	v9 =	vld.idx.msk [tilespmem:v13+s2+$0x0], $0xffff  }
0x1b0: {  	v8 =	vsel vm12, $0xCC, v8;
	v13 =	vor.u32 s20, v62;
	vm12 =	vgt.f32 v7, v3  }
0x1b1: {  	v17 =	vor.u32 $0xEE, v1;
	v16 =	vor.u32 $0xD6, v1;
	v3 =	vsel vm12, v7, v3;
	v7 =	vld.idx.msk [tilespmem:v11+s2+$0x0], $0xffff  }
0x1b2: {  	v8 =	vsel vm1, $0xCD, v8;
	v11 =	vor.u32 s20, v16;
	vm1 =	vgt.f32 v6, v3  }
0x1b3: {  	v5 =	vor.u32 s20, v17;
	v17 =	vor.u32 $0xD7, v1;
	v3 =	vsel vm1, v6, v3;
	v6 =	vld.idx.msk [tilespmem:v12+s2+$0x0], $0xffff  }
0x1b4: {  	v8 =	vsel vm0, $0xCE, v8;
	v12 =	vor.u32 s20, v17;
	vm0 =	vgt.f32 v9, v3  }
0x1b5: {  	v8 =	vsel vm14, $0xCF, v8;
	v62 =	vor.u32 $0xD8, v1;
	v3 =	vsel vm0, v9, v3;
	v9 =	vld.idx.msk [tilespmem:v13+s2+$0x0], $0xffff  }
0x1b6: {  	v10 =	vld.idx.msk [tilespmem:v10+s2+$0x0], $0xffff;
	v8 =	vsel vm12, $0xD0, v8;
	v13 =	vor.u32 s20, v62;
	vm12 =	vgt.f32 v7, v3  }
0x1b7: {  	v17 =	vor.u32 $0xD9, v1;
	v16 =	vld.idx.msk [tilespmem:v11+s2+$0x0], $0xffff;
	v3 =	vsel vm12, v7, v3  }
0x1b8: {  	v8 =	vsel vm1, $0xD1, v8;
	v11 =	vor.u32 s20, v17;
	vm1 =	vgt.f32 v6, v3  }
0x1b9: {  	v3 =	vsel vm1, v6, v3;
	v6 =	vld.idx.msk [tilespmem:v12+s2+$0x0], $0xffff  }
0x1ba: {  	v50 =	vor.u32 $0xEF, v1;
	v8 =	vsel vm0, $0xD2, v8;
	vm0 =	vgt.f32 v9, v3  }
0x1bb: {  	v14 =	vor.u32 s20, v50;
	v3 =	vsel vm0, v9, v3;
	v9 =	vld.idx.msk [tilespmem:v13+s2+$0x0], $0xffff  }
0x1bc: {  	v50 =	vor.u32 $0xF0, v1;
	vm11 =	vgt.f32 v10, v4;
	vm15 =	vgt.f32 v16, v3  }
0x1bd: {  	v4 =	vsel vm11, v10, v4;
	v10 =	vor.u32 s20, v50;
	v3 =	vsel vm15, v16, v3;
	v16 =	vld.idx.msk [tilespmem:v11+s2+$0x0], $0xffff  }
0x1be: {  	vm14 =	vgt.f32 v6, v3  }
0x1bf: {  	v15 =	vimm.s32 $0xE0;
	v8 =	vsel vm12, $0xD3, v8;
	v3 =	vsel vm14, v6, v3  }
0x1c0: {  	v5 =	vld.idx.msk [tilespmem:v5+s2+$0x0], $0xffff;
	v62 =	vor.u32 $0xF1, v1;
	v8 =	vsel vm1, $0xD4, v8;
	vm1 =	vgt.f32 v9, v3  }
0x1c1: {  	v12 =	vld.idx.msk [tilespmem:v14+s2+$0x0], $0xffff;
	v14 =	vor.u32 s20, v62;
	v8 =	vsel vm0, $0xD5, v8;
	v3 =	vsel vm1, v9, v3  }
0x1c2: {  	v17 =	vor.u32 $0xF2, v1;
	v50 =	vsel vm15, $0xD6, v8;
	v8 =	vld.idx.msk [tilespmem:v10+s2+$0x0], $0xffff;
	vm15 =	vgt.f32 v16, v3  }
0x1c3: {  	v62 =	vor.u32 $0xDA, v1;
	v11 =	vor.u32 s20, v17;
	v3 =	vsel vm15, v16, v3;
	v16 =	vld [tilespmem:$0x1FE10]  }
0x1c4: {  	v17 =	vor.u32 $0xF4, v1;
	v6 =	vsel vm14, $0xD7, v50;
	v50 =	vld [tilespmem:$0x1FE20];
	v9 =	vor.u32 s20, v62  }
0x1c5: {  	vm12 =	vgt.f32 v5, v4;
	v13 =	vor.u32 $0xDB, v1;
	v62 =	vor.u32 s20, v17  }
0x1c6: {  	v4 =	vsel vm12, v5, v4;
	v10 =	vor.u32 s20, v13;
	v5 =	vld.idx.msk [tilespmem:v14+s2+$0x0], $0xffff;
	v14 =	vor.u32 $0xF3, v1  }
0x1c7: {  	vm14 =	vgt.f32 v12, v4;
	v7 =	vor.u32 s20, v14;
	v6 =	vsel vm1, $0xD8, v6  }
0x1c8: {  	v4 =	vsel vm14, v12, v4;
	v11 =	vld.idx.msk [tilespmem:v11+s2+$0x0], $0xffff;
	v6 =	vsel vm15, $0xD9, v6;
	vm15 =	vnez.u8 v16  }
0x1c9: {  	vm0 =	vgt.f32 v8, v4;
	v9 =	vld.idx.msk [tilespmem:v9+s2+$0x0], $0xffff;
	v12 =	vsel vm15, $0xE1, v15;
	vm15 =	vnez.u8 v50  }
0x1ca: {  	v4 =	vsel vm0, v8, v4;
	v8 =	vld.idx.msk [tilespmem:v62+s2+$0x0], $0xffff;
	v62 =	vor.u32 $0xF7, v1;
	v12 =	vsel vm15, $0xE2, v12  }
0x1cb: {  	v16 =	vor.u32 $0xF5, v1;
	v12 =	vsel vm3, $0xE3, v12;
	vm3 =	vgt.f32 v5, v4  }
0x1cc: {  	v10 =	vld.idx.msk [tilespmem:v10+s2+$0x0], $0xffff;
	v17 =	vor.u32 s20, v16;
	v12 =	vsel vm7, $0xE4, v12;
	v4 =	vsel vm3, v5, v4  }
0x1cd: {  	v7 =	vld.idx.msk [tilespmem:v7+s2+$0x0], $0xffff;
	v50 =	vor.u32 $0xF6, v1;
	v12 =	vsel vm2, $0xE5, v12;
	vm2 =	vgt.f32 v11, v4  }
0x1ce: {  	v13 =	vor.u32 s20, v62;
	v4 =	vsel vm2, v11, v4;
	v11 =	vor.u32 s20, v50  }
0x1cf: {  	v16 =	vor.u32 $0xF8, v1;
	v15 =	vor.u32 $0xF9, v1;
	vm7 =	vgt.f32 v9, v3  }
0x1d0: {  	v3 =	vsel vm7, v9, v3;
	v6 =	vsel vm7, $0xDA, v6;
	v12 =	vsel vm4, $0xE6, v12  }
0x1d1: {  	v5 =	vld.idx.msk [tilespmem:v17+s2+$0x0], $0xffff;
	v50 =	vor.u32 s20, v16;
	v16 =	vor.u32 $0xDC, v1;
	v12 =	vsel vm10, $0xE7, v12  }
0x1d2: {  	vm10 =	vgt.f32 v10, v3;
	vm4 =	vgt.f32 v7, v4;
	v17 =	vsel vm13, $0xE8, v12  }
0x1d3: {  	v3 =	vsel vm10, v10, v3;
	v4 =	vsel vm4, v7, v4;
	v10 =	vor.u32 s20, v15;
	v62 =	vld.idx.msk [tilespmem:v11+s2+$0x0], $0xffff  }
0x1d4: {  	v9 =	vsel vm5, $0xE9, v17;
	vm1 =	vgt.f32 v8, v4;
	v17 =	vor.u32 $0xFA, v1  }
0x1d5: {  	v9 =	vsel vm6, $0xEA, v9;
	v4 =	vsel vm1, v8, v4;
	v8 =	vld.idx.msk [tilespmem:v13+s2+$0x0], $0xffff;
	v12 =	vor.u32 s20, v17  }
0x1d6: {  	v17 =	vor.u32 $0xDE, v1;
	vm13 =	vgt.f32 v5, v4;
	v11 =	vor.u32 s20, v16  }
0x1d7: {  	v9 =	vsel vm8, $0xEB, v9;
	v16 =	vor.u32 $0xFC, v1;
	v4 =	vsel vm13, v5, v4;
	v5 =	vld.idx.msk [tilespmem:v50+s2+$0x0], $0xffff  }
0x1d8: {  	v9 =	vsel vm9, $0xEC, v9;
	v50 =	vor.u32 $0xFB, v1;
	vm6 =	vgt.f32 v62, v4  }
0x1d9: {  	v7 =	vor.u32 s20, v50;
	v4 =	vsel vm6, v62, v4;
	v62 =	vor.u32 $0xDD, v1  }
0x1da: {  	v9 =	vsel vm11, $0xED, v9;
	v10 =	vld.idx.msk [tilespmem:v10+s2+$0x0], $0xffff;
	vm15 =	vgt.f32 v8, v4;
	v13 =	vor.u32 s20, v62  }
0x1db: {  	v14 =	vor.u32 s20, v17;
	v9 =	vsel vm12, $0xEE, v9;
	v4 =	vsel vm15, v8, v4;
	v8 =	vld.idx.msk [tilespmem:v11+s2+$0x0], $0xffff  }
0x1dc: {  	v9 =	vsel vm14, $0xEF, v9;
	v11 =	vor.u32 s20, v16;
	vm8 =	vgt.f32 v5, v4  }
0x1dd: {  	v50 =	vor.u32 $0xFD, v1;
	v9 =	vsel vm0, $0xF0, v9;
	v4 =	vsel vm8, v5, v4;
	v5 =	vld.idx.msk [tilespmem:v12+s2+$0x0], $0xffff  }
0x1de: {  	v9 =	vsel vm3, $0xF1, v9;
	v7 =	vld.idx.msk [tilespmem:v7+s2+$0x0], $0xffff;
	v62 =	vor.u32 $0xFE, v1;
	v12 =	vor.u32 s20, v50  }
0x1df: {  	v6 =	vsel vm10, $0xDB, v6;
	v9 =	vsel vm2, $0xF2, v9;
	v15 =	vor.u32 s20, v62;
	v13 =	vld.idx.msk [tilespmem:v13+s2+$0x0], $0xffff  }
0x1e0: {  	v17 =	vld.idx.msk [tilespmem:v14+s2+$0x0], $0xffff;
	v50 =	vor.u32 $0xDF, v1;
	vm9 =	vgt.f32 v10, v4;
	vm11 =	vgt.f32 v8, v3  }
0x1e1: {  	v16 =	vor.u32 s20, v50;
	v4 =	vsel vm9, v10, v4;
	v3 =	vsel vm11, v8, v3;
	v8 =	vld.idx.msk [tilespmem:v11+s2+$0x0], $0xffff  }
0x1e2: {  	v62 =	vor.u32 $0xFF, v1;
	v9 =	vsel vm4, $0xF3, v9;
	vm3 =	vgt.f32 v5, v4  }
0x1e3: {  	v9 =	vsel vm1, $0xF4, v9;
	v10 =	vor.u32 s20, v62;
	v50 =	vld.idx.msk [tilespmem:v12+s2+$0x0], $0xffff;
	v4 =	vsel vm3, v5, v4  }
0x1e4: {  	v9 =	vsel vm13, $0xF5, v9;
	vm0 =	vgt.f32 v7, v4;
	vm12 =	vgt.f32 v13, v3  }
0x1e5: {  	v14 =	vsel vm6, $0xF6, v9;
	v62 =	vld.idx.msk [tilespmem:v15+s2+$0x0], $0xffff;
	v4 =	vsel vm0, v7, v4;
	v3 =	vsel vm12, v13, v3  }
0x1e6: {  	v6 =	vsel vm11, $0xDC, v6;
	v13 =	vld.idx.msk [tilespmem:v16+s2+$0x0], $0xffff;
	vm13 =	vgt.f32 v8, v4;
	vm14 =	vgt.f32 v17, v3  }
0x1e7: {  	v6 =	vsel vm12, $0xDD, v6;
	v4 =	vsel vm13, v8, v4;
	v3 =	vsel vm14, v17, v3  }
0x1e8: {  	v15 =	vld.idx.msk [tilespmem:v10+s2+$0x0], $0xffff;
	v8 =	vsel vm15, $0xF7, v14;
	v6 =	vsel vm14, $0xDE, v6;
	vm15 =	vgt.f32 v50, v4  }
0x1e9: {  	v17 =	vlaneseq.u32;
	v16 =	vsel vm8, $0xF8, v8;
	v4 =	vsel vm15, v50, v4  }
0x1ea: {  	v5 =	vsel vm9, $0xF9, v16;
	v50 =	vmul.u32 $0x4, v17;
	vm10 =	vgt.f32 v62, v4  }
0x1eb: {  	vm11 =	vgt.f32 v13, v3;
	v5 =	vsel vm3, $0xFA, v5;
	v4 =	vsel vm10, v62, v4  }
0x1ec: {  	v3 =	vsel vm11, v13, v3;
	v6 =	vsel vm11, $0xDF, v6;
	v5 =	vsel vm0, $0xFB, v5  }
0x1ed: {  	vm12 =	vgt.f32 v15, v4;
	v5 =	vsel vm13, $0xFC, v5;
	vm13 =	vgt.f32 v3, v2  }
0x1ee: {  	v5 =	vsel vm15, $0xFD, v5;
	v4 =	vsel vm12, v15, v4;
	v2 =	vsel vm13, v3, v2  }
0x1ef: {  	v62 =	vor.u32 s19, v50;
	v3 =	vsel vm10, $0xFE, v5;
	vm14 =	vgt.f32 v4, v2  }
0x1f0: {  	v0 =	vsel vm13, v6, v0;
	v3 =	vsel vm12, $0xFF, v3;
	v2 =	vsel vm14, v4, v2  }
0x1f1: {  	v0 =	vsel vm14, v3, v0;
	vm15 =	vgt.f32 v2, $0.0e+00  }
0x1f2: {  	s21 =	sshra.s32 s19, $0x2;
	v0 =	vnsel vm15, $0xFFFFFFFF, v0  }
0x1f3: {  	[tilespmem:s21+$0x8200] =	vst v0  }
0x1f4: {  	v0 =	vld.idx.msk [tilespmem:v62+s11+$0x0], $0xffff  }
0x1f5: {  	v2 =	vor.u32 $0x1, v50  }
0x1f6: {  	v2 =	vor.u32 s19, v2;
	_ =	sdelay $0x2  }
0x1f7: {  	v0 =	vnsel vm15, $0x0, v0  }
0x1f8: {  	[tilespmem:v62+s12+$0x0] =	vst.idx.msk $0xffff, v0  }
0x1f9: {  	v0 =	vld.idx.msk [tilespmem:v2+s11+$0x0], $0xffff  }
0x1fa: {  	v3 =	vor.u32 $0x2, v50  }
0x1fb: {  	v3 =	vor.u32 s19, v3;
	_ =	sdelay $0x2  }
0x1fc: {  	v0 =	vnsel vm15, $0x0, v0  }
0x1fd: {  	[tilespmem:v2+s12+$0x0] =	vst.idx.msk $0xffff, v0  }
0x1fe: {  	v0 =	vld.idx.msk [tilespmem:v3+s11+$0x0], $0xffff  }
0x1ff: {  	v2 =	vor.u32 $0x3, v50  }
0x200: {  	v2 =	vor.u32 s19, v2;
	_ =	sdelay $0x2  }
0x201: {  	v0 =	vnsel vm15, $0x0, v0  }
0x202: {  	[tilespmem:v3+s12+$0x0] =	vst.idx.msk $0xffff, v0  }
0x203: {  	v0 =	vld.idx.msk [tilespmem:v2+s11+$0x0], $0xffff  }
0x204: {  	p0 =	sne.s32 s20, $0x7000  }
.Ltmp0:
0x205: {  	_ = 	snop;
	(pc) =	sbr.rel @p0 .LBB2_3-.Ltmp0, $4  }
0x206: {  	_ = 	snop  }
0x207: {  	v19 =	vimm.s32 $0x0  }
0x208: {  	v3 =	vsel vm15, $0x1, v19;
	v0 =	vnsel vm15, $0x0, v0  }
0x209: {  	s20 =	sadd.s32 $0x1000, s20;
	s19 =	sadd.s32 $0x40, s19;
	v63 =	vadd.s32 v3, v63;
	[tilespmem:v2+s12+$0x0] =	vst.idx.msk $0xffff, v0  }
0x20a: {  	s17 =	sshrl.u32 s17, $0x3  }
0x20b: {  	s17 =	sadd.s32 s5, s17  }
0x20c: {  	[hbm4b:s17+s2] =	stream.linear.scatter [tilespmem:s13], [sflag:$0x1], $0x80, $0x38;
	[tilespmem:$0x8500] =	vst v63  }
0x20d: {  	s16 =	sadd.s32 $0x1, s16;
	_ =	swait.ge [sflag:s10], $0x80  }
0x20e: {  	p0 =	sne.s32 s16, $0x20;
	[sflag:s10] =	ssyncset.done $0x0  }
.Ltmp1:
0x20f: {  	s31 =	sadd.s32 s6, s18;
	[sflag:s10] =	ssyncadd.s32 $0xFFFFFF80;
	(pc) =	sbr.rel @p0 .LBB2_2-.Ltmp1, $4  }
0x210: {  	[hbm4b:s31+s2] =	stream.linear.scatter [tilespmem:s12], [sflag:$0x1], $0x200, $0x38;
	[tilespmem:$0x8500] =	vst v63  }
0x211: {  	_ =	swait.ge [sflag:s10], $0x200  }
0x212: {  	[sflag:s10] =	ssyncset.done $0x0  }
0x213: {  	[sflag:s10] =	ssyncadd.s32 $0xFFFFFE00  }
0x214: {  	s15 =	sadd.s32 $0x1, s15  }
0x215: {  	p0 =	sne.s32 s15, s9  }
.Ltmp2:
0x216: {  	[tilespmem:$0x8480] =	vst v63;
	(pc) =	sbr.rel @p0 .LBB2_1-.Ltmp2, $4  }
0x217: {  	[hbm4b:s8+s2] =	stream.linear.scatter [tilespmem:s14], [sflag:$0x1], $0x10, $0x38;
	[tilespmem:$0x8500] =	vst v63  }
0x218: {  	_ =	swait.ge [sflag:s10], $0x10  }
0x219: {  	[sflag:s10] =	ssyncset.done $0x0  }
0x21a: {  	[sflag:s10] =	ssyncadd.s32 $0xFFFFFFF0  }
0x21b: {  	_ =	sfence.sel $0x180000  }
0x21c: {  	[bflag:$0x0] =	sbarrier.arrive $0xFFFF  }
0x21d: {  	p0 =	sne.s32 s3, $0x0;
	_ =	strace $0x9000004A  }
0x21e: {  	s0 =	sadd.s32 @!p0 $0x100000, s1;
	[bflag:$0x2] =	sbarrier.arrive $0xFFFF  }
0x21f: {  	[sflag:s0] =	ssyncadd.tile.s32 @!p0 $0x1;
	_ =	shalt  }
.Lfunc_end2:
_tile_overlayer_lowered:
.L_overlay_start_2:
0x220: {  	(tag) =	ssettag $0x2  }
0x221: {  	s0 =	rddreg [dreg:$0x0];
	s2 =	stileid.u32  }
0x222: {  	s1 =	rddreg [dreg:$0x1];
	p0 =	sne.s32 s2, $0x0  }
0x223: {  	s3 =	rddreg [dreg:$0x2];
	[bflag:$0x3] =	sbarrier.arrive $0xFFFF;
	s2 =	simm.s32 @!p0 $0x1C01  }
0x224: {  	[timem:s3], [sflag:s2] =	dma.local @!p0 [hbm:s0], s1  }
0x225: {  	s0 =	simm.s32 @!p0 $0x1  }
0x226: {  	_ =	swait.ge @!p0 [sflag:s0], s1  }
0x227: {  	s1 =	ssub.s32 @!p0 $0x0, s1;
	[sflag:s0] =	ssyncset.done @!p0 $0x0  }
0x228: {  	[sflag:s0] =	ssyncadd.s32 @!p0 s1  }
0x229: {  	[bflag:$0x3] =	sbarrier.arrive $0xFFFF  }
0x22a: {  	_ =	shalt  }

// kernel: sparse-core-data-format-call.cloned.1.call-start
scs
called_computation_lowered:
.L_overlay_start_0:
0x0: {  	s2 =	sld [smem:$0x3FD9]  }
0x1: {  	s3 =	sld [smem:$0x3FFE];
	_ =	sdelay $0x1  }
0x2: {  	s1 =	srdreg.scid  }
0x3: {  	s0 =	sand.u32 $0x1, s1  }
0x4: {  	s18 =	sshll.u32 s0, $0xA;
	s2 =	sadd.s32 s3, s2  }
0x5: {  	s2 =	sadd.s32 s2, s18  }
0x6: {  	[smem:$0x3FC6] =	sst s2  }
0x7: {  	_ = 	snop  }
0x8: {  	s2 =	sld [smem:$0x3FC9];
	(tm) =	ssettm $0x1  }
0x9: {  	s19 =	sld [smem:$0x3FFB];
	_ =	sdelay $0x3  }
0xa: {  	_ =	strace s19  }
0xb: {  	s3 =	sld [smem:$0x3FFC];
	_ =	sdelay $0x3  }
0xc: {  	_ =	strace s3  }
0xd: {  	s3 =	sld [smem:$0x3FFD];
	_ =	sdelay $0x3  }
0xe: {  	_ =	strace s3  }
0xf: {  	_ =	strace $0x8FFFFFFF  }
0x10: {  	s20 =	sld [smem:$0x3FDB];
	_ =	sdelay $0x1  }
0x11: {  	s4 =	simm.s32 $_scs_section_size  }
0x12: {  	s5 =	simm.s32 $_size__tile_overlayer_lowered;
	s6 =	simm.s32 $_tile_overlayer_lowered  }
0x13: {  	s23 =	simm.s32 $0x1BFF;
	s22 =	sshll.u32 s6, $0x1;
	s3 =	sadd.s32 s4, s20  }
0x14: {  	s7 =	simm.s32 $0x0;
	s21 =	sshll.u32 s5, $0x1;
	s5 =	sadd.s32 s22, s3  }
0x15: {  	[timem:s7], [sflag:s23] =	dma.local [hbm:s5], s21  }
0x16: {  	_ =	swait.ge [sflag:s23], s21  }
0x17: {  	s4 =	ssub.s32 $0x0, s21;
	[sflag:s23] =	ssyncset.done $0x0  }
0x18: {  	[sflag:s23] =	ssyncadd.s32 s4;
	_ =	sdelay $0x1  }
0x19: {  	s24 =	simm.s32 $0x1B8B  }
0x1a: {  	_ =	swait.ge [sflag:s24], $0x1  }
0x1b: {  	[sflag:s24] =	ssyncset.done $0x0  }
0x1c: {  	s26 =	simm.s32 $0x1B8E;
	s25 =	sld [smem:$0x3FFE];
	[sflag:s24] =	ssyncadd.s32 $0xFFFFFFFF  }
0x1d: {  	s27 =	simm.s32 $execute0_lowered;
	[smem:$0x3FD2] =	sst s26  }
0x1e: {  	s5 =	sshll.u32 s27, $0x1;
	_ =	strace $0x80000046;
	[dreg:$0x1] =	wrdreg $0xFFFFFFFF  }
0x1f: {  	s28 =	simm.s32 $_size_execute0_lowered;
	s3 =	sadd.s32 s3, s5;
	[dreg:$0x0] =	wrdreg $0x0  }
0x20: {  	s5 =	sshll.u32 s28, $0x1;
	[dreg:$0x2] =	wrdreg s3  }
0x21: {  	[dreg:$0x3] =	wrdreg s5  }
0x22: {  	[dreg:$0x4] =	wrdreg $0xC0  }
0x23: {  	_ =	task [dreg:s7], $0x5FFFF  }
0x24: {  	[dreg:$0x1] =	wrdreg $0xFFFFFFFF  }
0x25: {  	[dreg:$0x0] =	wrdreg $0x60  }
0x26: {  	[dreg:$0x2] =	wrdreg s2  }
0x27: {  	[dreg:$0x3] =	wrdreg s25  }
0x28: {  	[dreg:$0x4] =	wrdreg $0x9  }
0x29: {  	_ =	task.clear_ibuf [dreg:s7], $0x5FFFF;
	_ =	strace $0x90000046  }
0x2a: {  	s29 =	simm.s32 $0x9;
	_ =	strace $0x80000048  }
0x2b: {  	_ =	swait.ge [sflag:s29], $0x1  }
0x2c: {  	[sflag:s29] =	ssyncadd.s32 $0xFFFFFFFF  }
0x2d: {  	_ =	strace $0x90000048  }
0x2e: {  	_ =	sfence  }
0x2f: {  	s30 =	sld [smem:$0x0];
	_ =	sdelay $0x2  }
0x30: {  	s31 =	sshll.u32 s1, $0xD;
	s1 =	sshrl.u32 s1, $0x2  }
0x31: {  	s3 =	sand.u32 $0x4000, s31;
	s1 =	sadd.s32 s1, s30  }
0x32: {  	s0 =	sor.u32 s3, s0;
	s1 =	sshll.u32 s1, $0x11  }
0x33: {  	s0 =	sor.u32 s1, s0  }
0x34: {  	s0 =	sadd.s32 $0x8F2B, s0  }
0x35: {  	[sflag:s0] =	ssyncadd.remote.s32 $0x1  }
0x36: {  	_ =	sfence.sel $0xFFFF  }
0x37: {  	[dreg:$0x0] =	wrdreg $0xFFFFFFFF;
	(pc) =	sbr.abs _section_cstart, $3  }
0x38: {  	[dreg:$0x1] =	wrdreg $0xFFFFFFFF  }
0x39: {  	_ =	task.clear_ibuf [dreg:s7], $0x2FFFF;
	_ =	strace $0x9FFFFFFF  }
0x3a: {  	(tm) =	ssettm $0x7FFFFFFF  }
0x3b: {  	_ =	shalt  }
tec
execute0_lowered:
.L_overlay_start_1:
0x0: {  	(tag) =	ssettag $0x1  }
0x1: {  	s0 =	srdreg.scid  }
0x2: {  	s1 =	sshll.u32 s0, $0x4  }
0x3: {  	s2 =	rddreg [dreg:$0x0];
	s0 =	stileid.u32;
	s1 =	sand.u32 $0x10, s1  }
0x4: {  	s4 =	rddreg [dreg:$0x1];
	s7 =	simm.s32 $0x1;
	s1 =	sor.u32 s0, s1  }
0x5: {  	s8 =	simm.s32 $0x2;
	s9 =	simm.s32 $0x0;
	s3 =	sshll.u32 s1, $0x3  }
0x6: {  	s12 =	simm.s32 $0x0;
	s11 =	simm.s32 $0x0;
	s6 =	ssub.s32 $0x4000, s3  }
.Ltmp0:
0x7: {  	s4 =	sadd.s32 $0xA00, s4;
	s5 =	sand.u32 $0xF8, s6;
	(pc) =	sbr.rel .LBB1_1-.Ltmp0, $4  }
0x8: {  	s1 =	rddreg [dreg:$0x2];
	_ =	strace $0x80000047;
	p0 =	sne.s32 s5, $0x0  }
0x9: {  	s6 =	sshrl.u32 s6, $0x8;
	s5 =	simm.s32 $0x1;
	s7 =	simm.s32 @!p0 $0x0  }
0xa: {  	s10 =	smov.u32 s3;
	[sflag:s5] =	ssyncpa.u1 $0x0;
	s6 =	sadd.s32 s7, s6  }
0xb: {  	[sflag:s8] =	ssyncpa.u1 $0x0;
	s8 =	simm.s32 $0x0;
	s7 =	sadd.s32 $0x1, s6  }
.LBB1_9:
0xc: {  	s14 =	sadd.s32 $0x100, s10  }
0xd: {  	p1 =	sgt.s32 s14, $0x3FFF  }
0xe: {  	s14 =	smov.u32 @p1 s3;
	p1 =	sne.s32 s11, s7  }
.Ltmp1:
0xf: {  	p0 =	slt.u32 s11, $0x2;
	(pc) =	sbr.rel @!p1 .LBB1_10-.Ltmp1, $4  }
0x10: {  	s13 =	simm.s32 @!p0 $0x2  }
0x11: {  	s15 =	sadd.s32 $0x1, s11;
	_ =	swait.ge @!p0 [sflag:s13], $0x4000  }
0x12: {  	s12 =	smov.u32 s10;
	s9 =	sadd.s32 $0x4000, s9;
	[sflag:s13] =	ssyncset.done @!p0 $0x0  }
0x13: {  	s11 =	smov.u32 s15;
	s10 =	smov.u32 s14;
	[sflag:s13] =	ssyncadd.s32 @!p0 $0xFFFFC000  }
.LBB1_1:
0x14: {  	p0 =	sge.u32 s11, s6  }
0x15: {  	s13 =	sxor.u32 @!p0 $0xFFFFFFFF, s11  }
0x16: {  	s31 =	sadd.s32 $0xFFFFFFFF, s11;
	s14 =	sshll.u32 @!p0 s10, $0x8;
	s13 =	sshll.u32 @!p0 s13, $0xE  }
0x17: {  	s15 =	simm.s32 @!p0 $0x0;
	s14 =	sadd.s32 @!p0 s2, s14;
	s13 =	sand.u32 @!p0 $0x4000, s13  }
0x18: {  	[tilespmem:s13], [sflag:$0x1] =	stream.linear.gather @!p0 [hbm4b:s14+s15], $0x4000, $0x38;
	[tilespmem:$0x10000] =	vst v63  }
0x19: {  	p0 =	sge.u32 s31, s6  }
.Ltmp2:
0x1a: {  	_ = 	snop;
	(pc) =	sbr.rel @p0 .LBB1_9-.Ltmp2, $1  }
0x1b: {  	_ =	sdelay $0x3  }
0x1c: {  	s13 =	sshll.u32 s9, $0x2;
	_ =	swait.ge [sflag:s5], $0x4000;
	s14 =	sshll.u32 s11, $0xE  }
0x1d: {  	s16 =	simm.s32 $0x0;
	s17 =	simm.s32 $0x0;
	s15 =	sand.u32 $0x10000, s13  }
0x1e: {  	[sflag:s5] =	ssyncset.done $0x0;
	s31 =	sand.u32 $0x4000, s14;
	s14 =	sshrl.u32 s15, $0x2  }
0x1f: {  	[sflag:s5] =	ssyncadd.s32 $0xFFFFC000;
	s13 =	sor.u32 $0x8000, s31;
	s15 =	sor.u32 $0x8000, s14  }
.LBB1_3:
0x20: {  	s18 =	sshra.s32 s16, $0x2  }
0x21: {  	v0 =	vmov s18;
	_ =	sdelay $0x3  }
0x22: {  	p1 =	por $0x1, $0x1;
	s18 =	simm.s32 $0x0  }
.LBB1_4:
0x23: {  	_ = 	snop  }
0x24: {  	s19 =	sshll.u32 s18, $0xA  }
0x25: {  	s19 =	sand.u32 $0x3FFFFC00, s19  }
0x26: {  	s19 =	sadd.s32 s19, s14  }
0x27: {  	v5 =	vld.idx.msk [tilespmem:v0+s19+$0x70 ss:$0x1], $0xffff  }
0x28: {  	v6 =	vld.idx.msk [tilespmem:v0+s19+$0x10 ss:$0x1], $0xffff  }
0x29: {  	v7 =	vld.idx.msk [tilespmem:v0+s19+$0x20 ss:$0x1], $0xffff  }
0x2a: {  	s31 =	sshll.u32 s18, $0x7;
	v1 =	vld.idx.msk [tilespmem:v0+s19+$0x30 ss:$0x1], $0xffff  }
0x2b: {  	s18 =	sand.u32 $0x3FFFFF80, s31;
	v2 =	vld.idx.msk [tilespmem:v0+s19+$0x40 ss:$0x1], $0xffff  }
0x2c: {  	s18 =	sadd.s32 s18, s15;
	v3 =	vld.idx.msk [tilespmem:v0+s19+$0x50 ss:$0x1], $0xffff  }
0x2d: {  	v4 =	vld.idx.msk [tilespmem:v0+s19+$0x60 ss:$0x1], $0xffff;
	[tilespmem:v0+s18+$0x70 ss:$0x1] =	vst.idx.msk $0xffff, v5  }
0x2e: {  	v5 =	vld.idx.msk [tilespmem:v0+s19+$0x0 ss:$0x1], $0xffff;
	[tilespmem:v0+s18+$0x10 ss:$0x1] =	vst.idx.msk $0xffff, v6;
	s19 =	sadd.s32 $0x80, s19  }
0x2f: {  	p0 =	por p1, p1;
	s20 =	simm.s32 $0x6;
	[tilespmem:v0+s18+$0x20 ss:$0x1] =	vst.idx.msk $0xffff, v7;
	v6 =	vld.idx.msk [tilespmem:v0+s19+$0x70 ss:$0x1], $0xffff  }
.LBB1_5:
0x30: {  	p1 =	sne.s32 s20, $0x1;
	v7 =	vld.idx.msk [tilespmem:v0+s19+$0x10 ss:$0x1], $0xffff;
	[tilespmem:v0+s18+$0x30 ss:$0x1] =	vst.idx.msk $0xffff, v1  }
0x31: {  	v8 =	vld.idx.msk [tilespmem:v0+s19+$0x20 ss:$0x1], $0xffff;
	[tilespmem:v0+s18+$0x40 ss:$0x1] =	vst.idx.msk $0xffff, v2  }
0x32: {  	v1 =	vld.idx.msk [tilespmem:v0+s19+$0x30 ss:$0x1], $0xffff;
	[tilespmem:v0+s18+$0x50 ss:$0x1] =	vst.idx.msk $0xffff, v3  }
.Ltmp3:
0x33: {  	v2 =	vld.idx.msk [tilespmem:v0+s19+$0x40 ss:$0x1], $0xffff;
	[tilespmem:v0+s18+$0x60 ss:$0x1] =	vst.idx.msk $0xffff, v4;
	(pc) =	sbr.rel @p1 .LBB1_5-.Ltmp3, $4  }
0x34: {  	v3 =	vld.idx.msk [tilespmem:v0+s19+$0x50 ss:$0x1], $0xffff;
	[tilespmem:v0+s18+$0x0 ss:$0x1] =	vst.idx.msk $0xffff, v5;
	s18 =	sadd.s32 $0x100, s18  }
0x35: {  	v4 =	vld.idx.msk [tilespmem:v0+s19+$0x60 ss:$0x1], $0xffff;
	[tilespmem:v0+s18+$0x70 ss:$0x1] =	vst.idx.msk $0xffff, v6  }
0x36: {  	v5 =	vld.idx.msk [tilespmem:v0+s19+$0x0 ss:$0x1], $0xffff;
	[tilespmem:v0+s18+$0x10 ss:$0x1] =	vst.idx.msk $0xffff, v7;
	s19 =	sadd.s32 $0x80, s19  }
0x37: {  	s20 =	sadd.s32 $0xFFFFFFFF, s20;
	v6 =	vld.idx.msk [tilespmem:v0+s19+$0x70 ss:$0x1], $0xffff;
	[tilespmem:v0+s18+$0x20 ss:$0x1] =	vst.idx.msk $0xffff, v8  }
0x38: {  	_ =	sdelay $0x3  }
0x39: {  	[tilespmem:v0+s18+$0x30 ss:$0x1] =	vst.idx.msk $0xffff, v1  }
0x3a: {  	v1 =	vld.idx.msk [tilespmem:v0+s19+$0x10 ss:$0x1], $0xffff;
	[tilespmem:v0+s18+$0x40 ss:$0x1] =	vst.idx.msk $0xffff, v2  }
0x3b: {  	v2 =	vld.idx.msk [tilespmem:v0+s19+$0x20 ss:$0x1], $0xffff;
	[tilespmem:v0+s18+$0x50 ss:$0x1] =	vst.idx.msk $0xffff, v3  }
0x3c: {  	v61 =	vld.idx.msk [tilespmem:v0+s19+$0x40 ss:$0x1], $0xffff;
	[tilespmem:v0+s18+$0x60 ss:$0x1] =	vst.idx.msk $0xffff, v4  }
0x3d: {  	s31 =	sadd.s32 $0x100, s18;
	v62 =	vld.idx.msk [tilespmem:v0+s19+$0x50 ss:$0x1], $0xffff;
	[tilespmem:v0+s18+$0x0 ss:$0x1] =	vst.idx.msk $0xffff, v5  }
0x3e: {  	v63 =	vld.idx.msk [tilespmem:v0+s19+$0x60 ss:$0x1], $0xffff;
	[tilespmem:v0+s31+$0x70 ss:$0x1] =	vst.idx.msk $0xffff, v6  }
0x3f: {  	v3 =	vld.idx.msk [tilespmem:v0+s19+$0x30 ss:$0x1], $0xffff;
	[tilespmem:v0+s31+$0x10 ss:$0x1] =	vst.idx.msk $0xffff, v1  }
0x40: {  	v1 =	vld.idx.msk [tilespmem:v0+s19+$0x0 ss:$0x1], $0xffff;
	[tilespmem:v0+s31+$0x20 ss:$0x1] =	vst.idx.msk $0xffff, v2  }
.Ltmp4:
0x41: {  	[tilespmem:v0+s31+$0x40 ss:$0x1] =	vst.idx.msk $0xffff, v61;
	(pc) =	sbr.rel @p0 .LBB1_4-.Ltmp4, $4  }
0x42: {  	[tilespmem:v0+s31+$0x50 ss:$0x1] =	vst.idx.msk $0xffff, v62  }
0x43: {  	[tilespmem:v0+s31+$0x60 ss:$0x1] =	vst.idx.msk $0xffff, v63  }
0x44: {  	[tilespmem:v0+s31+$0x30 ss:$0x1] =	vst.idx.msk $0xffff, v3  }
0x45: {  	p1 =	por $0x0, $0x0;
	s18 =	simm.s32 $0x1;
	[tilespmem:v0+s31+$0x0 ss:$0x1] =	vst.idx.msk $0xffff, v1  }
0x46: {  	s17 =	sadd.s32 $0x1, s17  }
0x47: {  	p0 =	sne.s32 s17, $0x8  }
.Ltmp5:
0x48: {  	_ = 	snop;
	(pc) =	sbr.rel @p0 .LBB1_3-.Ltmp5, $2  }
0x49: {  	_ =	sdelay $0x2  }
0x4a: {  	s16 =	sadd.s32 $0x2000, s16  }
.Ltmp6:
0x4b: {  	(pc) =	sbr.rel .LBB1_9-.Ltmp6, $4  }
0x4c: {  	_ = 	snop  }
0x4d: {  	s12 =	sshll.u32 s12, $0x8  }
0x4e: {  	s12 =	sadd.s32 s4, s12  }
0x4f: {  	[hbm4b:s12+s8] =	stream.linear.scatter [tilespmem:s13], [sflag:$0x2], $0x4000, $0x38;
	[tilespmem:$0x10000] =	vst v63  }
.LBB1_10:
0x50: {  	_ =	sfence.sel $0x180000  }
0x51: {  	s2 =	simm.s32 $0x1;
	[bflag:$0x0] =	sbarrier.arrive $0xFFFF  }
0x52: {  	s31 =	simm.s32 $0x2;
	[sflag:s2] =	ssyncpa.u1 $0x1  }
0x53: {  	[sflag:s31] =	ssyncpa.u1 $0x1  }
0x54: {  	p0 =	sne.s32 s0, $0x0;
	_ =	strace $0x90000047  }
0x55: {  	s0 =	sadd.s32 @!p0 $0x100000, s1;
	[bflag:$0x2] =	sbarrier.arrive $0xFFFF  }
0x56: {  	[sflag:s0] =	ssyncadd.tile.s32 @!p0 $0x1;
	_ =	shalt  }
.Lfunc_end1:
_tile_overlayer_lowered:
.L_overlay_start_2:
0x57: {  	(tag) =	ssettag $0x2  }
0x58: {  	s0 =	rddreg [dreg:$0x0];
	s2 =	stileid.u32  }
0x59: {  	s1 =	rddreg [dreg:$0x1];
	p0 =	sne.s32 s2, $0x0  }
0x5a: {  	s3 =	rddreg [dreg:$0x2];
	[bflag:$0x3] =	sbarrier.arrive $0xFFFF;
	s2 =	simm.s32 @!p0 $0x1C01  }
0x5b: {  	[timem:s3], [sflag:s2] =	dma.local @!p0 [hbm:s0], s1  }
0x5c: {  	s0 =	simm.s32 @!p0 $0x1  }
0x5d: {  	_ =	swait.ge @!p0 [sflag:s0], s1  }
0x5e: {  	s1 =	ssub.s32 @!p0 $0x0, s1;
	[sflag:s0] =	ssyncset.done @!p0 $0x0  }
0x5f: {  	[sflag:s0] =	ssyncadd.s32 @!p0 s1  }
0x60: {  	[bflag:$0x3] =	sbarrier.arrive $0xFFFF  }
0x61: {  	_ =	shalt  }

</sc_bundles>
